<compile_context>
chip_gen: v7x
topology: tpu7x:2x2x1
jax: 0.10.2.dev20260603
libtpu: 0.0.44.dev20260713+nightly
codegen_flags: <defaults>
</compile_context>

<pallas_src>
import functools

import jax
import jax.numpy as jnp
from jax import lax
from jax.experimental import pallas as pl
from jax.experimental.pallas import tpu as pltpu
from jax.experimental.pallas import tpu_sc as plsc

EMB_D = 32
NB = 8
LOOKAHEAD = 4


def _make_gather(b0: int, b1: int):
    info = plsc.get_sparse_core_info()
    nw = info.num_cores * info.num_subcores
    rows_per_w = b0 // nw
    n_groups = rows_per_w // NB
    assert b0 % nw == 0 and rows_per_w % NB == 0 and n_groups >= 3
    mesh = plsc.VectorSubcoreMesh(core_axis_name="c", subcore_axis_name="s")

    @functools.partial(
        pl.kernel,
        mesh=mesh,
        out_type=jax.ShapeDtypeStruct((b0, b1, EMB_D), jnp.float32),
        scratch_types=[
            pltpu.VMEM((rows_per_w, b1), jnp.int32),
            pltpu.VMEM((NB, b1, EMB_D), jnp.float32),
            pltpu.SemaphoreType.DMA((NB,)),
            pltpu.SemaphoreType.DMA((NB,)),
        ],
        compiler_params=pltpu.CompilerParams(use_tc_tiling_on_sc=False),
    )
    def gather(idx_hbm, table_hbm, out_hbm, idx_v, rows_v, gsem, ssem):
        wid = lax.axis_index("s") * info.num_cores + lax.axis_index("c")
        base = wid * rows_per_w
        pltpu.sync_copy(idx_hbm.at[pl.ds(base, rows_per_w)], idx_v)

        def g_desc(i, b):
            return pltpu.make_async_copy(
                table_hbm.at[idx_v.at[i]], rows_v.at[b], gsem.at[b])

        def s_desc(i, b):
            return pltpu.make_async_copy(
                rows_v.at[b], out_hbm.at[base + i], ssem.at[b])

        for b in range(LOOKAHEAD):
            g_desc(b, b).start()

        def step(i, b, first_group: bool, launch: bool):
            if launch:
                j = i + LOOKAHEAD
                q = (b + LOOKAHEAD) % NB
                if not (first_group and b + LOOKAHEAD < NB):
                    s_desc(j - NB, q).wait()
                g_desc(j, q).start()
            g_desc(i, b).wait()
            s_desc(i, b).start()

        for b in range(NB):
            step(b, b, first_group=True, launch=True)

        def group(g, carry):
            for b in range(NB):
                step(g * NB + b, b, first_group=False, launch=True)
            return carry

        lax.fori_loop(1, n_groups - 1, group, 0)

        last = (n_groups - 1) * NB
        for b in range(NB):
            step(last + b, b, first_group=False,
                 launch=(last + b + LOOKAHEAD < rows_per_w))

        for b in range(NB):
            s_desc(rows_per_w - NB + b, b).wait()

    return gather


def kernel(IX, weight):
    b0, b1 = IX.shape
    return _make_gather(b0, b1)(IX.astype(jnp.int32), weight)

# --- scband reference (transcript-rebuilt; emitter-appended) ---
"""Pipeline reference for scband-embedding-38895223832820 (READ-ONLY COPY).

The authoritative reference and input builder live on the scoring server;
editing this copy changes nothing except your own understanding.
"""

import jax, jax.numpy as jnp
import numpy as np

NUM_EMBEDDINGS = 1000000
EMBEDDING_DIM = 32

def setup_inputs(seed: int = 0) -> dict:
    key = jax.random.key(seed)
    k1, k2 = jax.random.split(key)
    IX = jax.random.randint(k1, (16384, 50), 0, NUM_EMBEDDINGS, dtype=jnp.int64 if jax.config.jax_enable_x64 else jnp.int32)
    weight = jax.random.normal(k2, (NUM_EMBEDDINGS, EMBEDDING_DIM), dtype=jnp.float32)
    return {"IX": IX, "weight": weight}

def reference(IX, weight):
    # y = w[x] : embedding gather
    out = jnp.take(weight, IX, axis=0)
    return out

if __name__ == "__main__":
    import jax
    _d = setup_inputs()
    print(jax.jit(kernel)(*tuple(_d.values())))

</pallas_src>

<mosaic_0001>
#map = affine_map<(d0, d1) -> (0, 0)>
#map1 = affine_map<(d0, d1) -> (0, 0, 0)>
module attributes {stable_mosaic.version = 14 : i64} {
  func.func @gather(%arg0: i32, %arg1: i32, %arg2: memref<16384x50xi32, #tpu.memory_space<hbm>>, %arg3: memref<1000000x32xf32, #tpu.memory_space<hbm>>, %arg4: memref<16384x50x32xf32, #tpu.memory_space<hbm>>, %arg5: memref<512x50xi32, #tpu.memory_space<vmem>>, %arg6: memref<8x50x32xf32, #tpu.memory_space<vmem>>, %arg7: memref<8x!tpu.dma_semaphore, #tpu.memory_space<semaphore_mem>>, %arg8: memref<8x!tpu.dma_semaphore, #tpu.memory_space<semaphore_mem>>) attributes {dimension_semantics = [#tpu.dimension_semantics<core_parallel>, #tpu.dimension_semantics<subcore_parallel>], iteration_bounds = array<i64: 2, 16>, scalar_prefetch = 0 : i64, scratch_operands = 4 : i64, tpu.core_type = #tpu.core_type<sc_vector_subcore>, window_params = [{transform_indices = #map}, {transform_indices = #map}, {transform_indices = #map1}]} {
    %mul3A = arith.constant 2 : i32
    %mul3A_0 = arith.muli %arg1, %mul3A : i32
    %add3A = arith.addi %mul3A_0, %arg0 : i32
    %mul3A_1 = arith.constant 512 : i32
    %mul3A_2 = arith.muli %add3A, %mul3A_1 : i32
    "tpu.region"() ({
      %run_scoped3A = tpu.sem_alloc : memref<!tpu.dma_semaphore, #tpu.memory_space<semaphore_mem>>
      %dma_start3A_1190 = arith.constant 0 : i32
      %dma_start3A_1191 = tpu.memref_slice %arg2[%mul3A_2, %dma_start3A_1190] : memref<16384x50xi32, #tpu.memory_space<hbm>> -> memref<512x50xi32, #tpu.memory_space<hbm>>
      %dma_start3A_1192 = arith.constant 0 : i32
      %dma_start3A_1193 = tpu.memref_slice %arg2[%mul3A_2, %dma_start3A_1192] : memref<16384x50xi32, #tpu.memory_space<hbm>> -> memref<512x50xi32, #tpu.memory_space<hbm>>
      tpu.enqueue_dma source(%dma_start3A_1193 : memref<512x50xi32, #tpu.memory_space<hbm>>) target(%arg5 : memref<512x50xi32, #tpu.memory_space<vmem>>) target_semaphore(%run_scoped3A : memref<!tpu.dma_semaphore, #tpu.memory_space<semaphore_mem>>)
      %dma_wait3A_1194 = arith.constant 0 : i32
      %dma_wait3A_1195 = tpu.memref_slice %arg2[%mul3A_2, %dma_wait3A_1194] : memref<16384x50xi32, #tpu.memory_space<hbm>> -> memref<512x50xi32, #tpu.memory_space<hbm>>
      %dma_wait3A_1196 = arith.constant 0 : i32
      %dma_wait3A_1197 = tpu.memref_slice %arg2[%mul3A_2, %dma_wait3A_1196] : memref<16384x50xi32, #tpu.memory_space<hbm>> -> memref<512x50xi32, #tpu.memory_space<hbm>>
      tpu.wait_dma2 semaphore(%run_scoped3A : memref<!tpu.dma_semaphore, #tpu.memory_space<semaphore_mem>>) src(%dma_wait3A_1197 : memref<512x50xi32, #tpu.memory_space<hbm>>) dst(%arg5 : memref<512x50xi32, #tpu.memory_space<vmem>>)
      tpu.yield
    }) : () -> ()
    %dma_start3A = arith.constant 0 : i32
    %dma_start3A_3 = arith.constant 0 : i32
    %dma_start3A_4 = arith.constant 0 : i32
    %dma_start3A_5 = arith.constant 0 : i32
    %dma_start3A_6 = arith.constant 0 : i32
    %dma_start3A_7 = tpu.memref_slice %arg6[%dma_start3A_3, %dma_start3A_5, %dma_start3A_6] : memref<8x50x32xf32, #tpu.memory_space<vmem>> -> memref<1x50x32xf32, #tpu.memory_space<vmem>>
    %dma_start3A_8 = tpu.memref_squeeze %dma_start3A_7 : memref<1x50x32xf32, #tpu.memory_space<vmem>> -> memref<50x32xf32, #tpu.memory_space<vmem>>
    %dma_start3A_9 = arith.constant 0 : i32
    %dma_start3A_10 = tpu.memref_slice %arg5[%dma_start3A, %dma_start3A_9] : memref<512x50xi32, #tpu.memory_space<vmem>> -> memref<1x50xi32, #tpu.memory_space<vmem>>
    %dma_start3A_11 = tpu.memref_squeeze %dma_start3A_10 : memref<1x50xi32, #tpu.memory_space<vmem>> -> memref<50xi32, #tpu.memory_space<vmem>>
    %dma_start3A_12 = arith.constant 0 : i32
    %dma_start3A_13 = arith.constant 0 : i32
    %dma_start3A_14 = tpu.memref_slice %arg3[%dma_start3A_12, %dma_start3A_13] : memref<1000000x32xf32, #tpu.memory_space<hbm>> -> memref<1000000x32xf32, #tpu.memory_space<hbm>>
    %dma_start3A_15 = tpu.memref_slice %arg7[%dma_start3A_4] : memref<8x!tpu.dma_semaphore, #tpu.memory_space<semaphore_mem>> -> memref<1x!tpu.dma_semaphore, #tpu.memory_space<semaphore_mem>>
    %dma_start3A_16 = tpu.memref_squeeze %dma_start3A_15 : memref<1x!tpu.dma_semaphore, #tpu.memory_space<semaphore_mem>> -> memref<!tpu.dma_semaphore, #tpu.memory_space<semaphore_mem>>
    tpu.enqueue_indirect_dma source(%dma_start3A_14 : memref<1000000x32xf32, #tpu.memory_space<hbm>>) target(%dma_start3A_8 : memref<50x32xf32, #tpu.memory_space<vmem>>) offsets(%dma_start3A_11 : memref<50xi32, #tpu.memory_space<vmem>>) semaphore(%dma_start3A_16 : memref<!tpu.dma_semaphore, #tpu.memory_space<semaphore_mem>>)
    %dma_start3A_17 = arith.constant 1 : i32
    %dma_start3A_18 = arith.constant 1 : i32
    %dma_start3A_19 = arith.constant 1 : i32
    %dma_start3A_20 = arith.constant 0 : i32
    %dma_start3A_21 = arith.constant 0 : i32
    %dma_start3A_22 = tpu.memref_slice %arg6[%dma_start3A_18, %dma_start3A_20, %dma_start3A_21] : memref<8x50x32xf32, #tpu.memory_space<vmem>> -> memref<1x50x32xf32, #tpu.memory_space<vmem>>
    %dma_start3A_23 = tpu.memref_squeeze %dma_start3A_22 : memref<1x50x32xf32, #tpu.memory_space<vmem>> -> memref<50x32xf32, #tpu.memory_space<vmem>>
    %dma_start3A_24 = arith.constant 0 : i32
    %dma_start3A_25 = tpu.memref_slice %arg5[%dma_start3A_17, %dma_start3A_24] : memref<512x50xi32, #tpu.memory_space<vmem>> -> memref<1x50xi32, #tpu.memory_space<vmem>>
    %dma_start3A_26 = tpu.memref_squeeze %dma_start3A_25 : memref<1x50xi32, #tpu.memory_space<vmem>> -> memref<50xi32, #tpu.memory_space<vmem>>
    %dma_start3A_27 = arith.constant 0 : i32
    %dma_start3A_28 = arith.constant 0 : i32
    %dma_start3A_29 = tpu.memref_slice %arg3[%dma_start3A_27, %dma_start3A_28] : memref<1000000x32xf32, #tpu.memory_space<hbm>> -> memref<1000000x32xf32, #tpu.memory_space<hbm>>
    %dma_start3A_30 = tpu.memref_slice %arg7[%dma_start3A_19] : memref<8x!tpu.dma_semaphore, #tpu.memory_space<semaphore_mem>> -> memref<1x!tpu.dma_semaphore, #tpu.memory_space<semaphore_mem>>
    %dma_start3A_31 = tpu.memref_squeeze %dma_start3A_30 : memref<1x!tpu.dma_semaphore, #tpu.memory_space<semaphore_mem>> -> memref<!tpu.dma_semaphore, #tpu.memory_space<semaphore_mem>>
    tpu.enqueue_indirect_dma source(%dma_start3A_29 : memref<1000000x32xf32, #tpu.memory_space<hbm>>) target(%dma_start3A_23 : memref<50x32xf32, #tpu.memory_space<vmem>>) offsets(%dma_start3A_26 : memref<50xi32, #tpu.memory_space<vmem>>) semaphore(%dma_start3A_31 : memref<!tpu.dma_semaphore, #tpu.memory_space<semaphore_mem>>)
    %dma_start3A_32 = arith.constant 2 : i32
    %dma_start3A_33 = arith.constant 2 : i32
    %dma_start3A_34 = arith.constant 2 : i32
    %dma_start3A_35 = arith.constant 0 : i32
    %dma_start3A_36 = arith.constant 0 : i32
    %dma_start3A_37 = tpu.memref_slice %arg6[%dma_start3A_33, %dma_start3A_35, %dma_start3A_36] : memref<8x50x32xf32, #tpu.memory_space<vmem>> -> memref<1x50x32xf32, #tpu.memory_space<vmem>>
    %dma_start3A_38 = tpu.memref_squeeze %dma_start3A_37 : memref<1x50x32xf32, #tpu.memory_space<vmem>> -> memref<50x32xf32, #tpu.memory_space<vmem>>
    %dma_start3A_39 = arith.constant 0 : i32
    %dma_start3A_40 = tpu.memref_slice %arg5[%dma_start3A_32, %dma_start3A_39] : memref<512x50xi32, #tpu.memory_space<vmem>> -> memref<1x50xi32, #tpu.memory_space<vmem>>
    %dma_start3A_41 = tpu.memref_squeeze %dma_start3A_40 : memref<1x50xi32, #tpu.memory_space<vmem>> -> memref<50xi32, #tpu.memory_space<vmem>>
    %dma_start3A_42 = arith.constant 0 : i32
    %dma_start3A_43 = arith.constant 0 : i32
    %dma_start3A_44 = tpu.memref_slice %arg3[%dma_start3A_42, %dma_start3A_43] : memref<1000000x32xf32, #tpu.memory_space<hbm>> -> memref<1000000x32xf32, #tpu.memory_space<hbm>>
    %dma_start3A_45 = tpu.memref_slice %arg7[%dma_start3A_34] : memref<8x!tpu.dma_semaphore, #tpu.memory_space<semaphore_mem>> -> memref<1x!tpu.dma_semaphore, #tpu.memory_space<semaphore_mem>>
    %dma_start3A_46 = tpu.memref_squeeze %dma_start3A_45 : memref<1x!tpu.dma_semaphore, #tpu.memory_space<semaphore_mem>> -> memref<!tpu.dma_semaphore, #tpu.memory_space<semaphore_mem>>
    tpu.enqueue_indirect_dma source(%dma_start3A_44 : memref<1000000x32xf32, #tpu.memory_space<hbm>>) target(%dma_start3A_38 : memref<50x32xf32, #tpu.memory_space<vmem>>) offsets(%dma_start3A_41 : memref<50xi32, #tpu.memory_space<vmem>>) semaphore(%dma_start3A_46 : memref<!tpu.dma_semaphore, #tpu.memory_space<semaphore_mem>>)
    %dma_start3A_47 = arith.constant 3 : i32
    %dma_start3A_48 = arith.constant 3 : i32
    %dma_start3A_49 = arith.constant 3 : i32
    %dma_start3A_50 = arith.constant 0 : i32
    %dma_start3A_51 = arith.constant 0 : i32
    %dma_start3A_52 = tpu.memref_slice %arg6[%dma_start3A_48, %dma_start3A_50, %dma_start3A_51] : memref<8x50x32xf32, #tpu.memory_space<vmem>> -> memref<1x50x32xf32, #tpu.memory_space<vmem>>
    %dma_start3A_53 = tpu.memref_squeeze %dma_start3A_52 : memref<1x50x32xf32, #tpu.memory_space<vmem>> -> memref<50x32xf32, #tpu.memory_space<vmem>>
    %dma_start3A_54 = arith.constant 0 : i32
    %dma_start3A_55 = tpu.memref_slice %arg5[%dma_start3A_47, %dma_start3A_54] : memref<512x50xi32, #tpu.memory_space<vmem>> -> memref<1x50xi32, #tpu.memory_space<vmem>>
    %dma_start3A_56 = tpu.memref_squeeze %dma_start3A_55 : memref<1x50xi32, #tpu.memory_space<vmem>> -> memref<50xi32, #tpu.memory_space<vmem>>
    %dma_start3A_57 = arith.constant 0 : i32
    %dma_start3A_58 = arith.constant 0 : i32
    %dma_start3A_59 = tpu.memref_slice %arg3[%dma_start3A_57, %dma_start3A_58] : memref<1000000x32xf32, #tpu.memory_space<hbm>> -> memref<1000000x32xf32, #tpu.memory_space<hbm>>
    %dma_start3A_60 = tpu.memref_slice %arg7[%dma_start3A_49] : memref<8x!tpu.dma_semaphore, #tpu.memory_space<semaphore_mem>> -> memref<1x!tpu.dma_semaphore, #tpu.memory_space<semaphore_mem>>
    %dma_start3A_61 = tpu.memref_squeeze %dma_start3A_60 : memref<1x!tpu.dma_semaphore, #tpu.memory_space<semaphore_mem>> -> memref<!tpu.dma_semaphore, #tpu.memory_space<semaphore_mem>>
    tpu.enqueue_indirect_dma source(%dma_start3A_59 : memref<1000000x32xf32, #tpu.memory_space<hbm>>) target(%dma_start3A_53 : memref<50x32xf32, #tpu.memory_space<vmem>>) offsets(%dma_start3A_56 : memref<50xi32, #tpu.memory_space<vmem>>) semaphore(%dma_start3A_61 : memref<!tpu.dma_semaphore, #tpu.memory_space<semaphore_mem>>)
    %dma_start3A_62 = arith.constant 4 : i32
    %dma_start3A_63 = arith.constant 4 : i32
    %dma_start3A_64 = arith.constant 4 : i32
    %dma_start3A_65 = arith.constant 0 : i32
    %dma_start3A_66 = arith.constant 0 : i32
    %dma_start3A_67 = tpu.memref_slice %arg6[%dma_start3A_63, %dma_start3A_65, %dma_start3A_66] : memref<8x50x32xf32, #tpu.memory_space<vmem>> -> memref<1x50x32xf32, #tpu.memory_space<vmem>>
    %dma_start3A_68 = tpu.memref_squeeze %dma_start3A_67 : memref<1x50x32xf32, #tpu.memory_space<vmem>> -> memref<50x32xf32, #tpu.memory_space<vmem>>
    %dma_start3A_69 = arith.constant 0 : i32
    %dma_start3A_70 = tpu.memref_slice %arg5[%dma_start3A_62, %dma_start3A_69] : memref<512x50xi32, #tpu.memory_space<vmem>> -> memref<1x50xi32, #tpu.memory_space<vmem>>
    %dma_start3A_71 = tpu.memref_squeeze %dma_start3A_70 : memref<1x50xi32, #tpu.memory_space<vmem>> -> memref<50xi32, #tpu.memory_space<vmem>>
    %dma_start3A_72 = arith.constant 0 : i32
    %dma_start3A_73 = arith.constant 0 : i32
    %dma_start3A_74 = tpu.memref_slice %arg3[%dma_start3A_72, %dma_start3A_73] : memref<1000000x32xf32, #tpu.memory_space<hbm>> -> memref<1000000x32xf32, #tpu.memory_space<hbm>>
    %dma_start3A_75 = tpu.memref_slice %arg7[%dma_start3A_64] : memref<8x!tpu.dma_semaphore, #tpu.memory_space<semaphore_mem>> -> memref<1x!tpu.dma_semaphore, #tpu.memory_space<semaphore_mem>>
    %dma_start3A_76 = tpu.memref_squeeze %dma_start3A_75 : memref<1x!tpu.dma_semaphore, #tpu.memory_space<semaphore_mem>> -> memref<!tpu.dma_semaphore, #tpu.memory_space<semaphore_mem>>
    tpu.enqueue_indirect_dma source(%dma_start3A_74 : memref<1000000x32xf32, #tpu.memory_space<hbm>>) target(%dma_start3A_68 : memref<50x32xf32, #tpu.memory_space<vmem>>) offsets(%dma_start3A_71 : memref<50xi32, #tpu.memory_space<vmem>>) semaphore(%dma_start3A_76 : memref<!tpu.dma_semaphore, #tpu.memory_space<semaphore_mem>>)
    %dma_wait3A = arith.constant 0 : i32
    %dma_wait3A_77 = arith.constant 0 : i32
    %dma_wait3A_78 = arith.constant 0 : i32
    %dma_wait3A_79 = arith.constant 0 : i32
    %dma_wait3A_80 = arith.constant 0 : i32
    %dma_wait3A_81 = tpu.memref_slice %arg6[%dma_wait3A_77, %dma_wait3A_79, %dma_wait3A_80] : memref<8x50x32xf32, #tpu.memory_space<vmem>> -> memref<1x50x32xf32, #tpu.memory_space<vmem>>
    %dma_wait3A_82 = tpu.memref_squeeze %dma_wait3A_81 : memref<1x50x32xf32, #tpu.memory_space<vmem>> -> memref<50x32xf32, #tpu.memory_space<vmem>>
    %dma_wait3A_83 = arith.constant 0 : i32
    %dma_wait3A_84 = tpu.memref_slice %arg5[%dma_wait3A, %dma_wait3A_83] : memref<512x50xi32, #tpu.memory_space<vmem>> -> memref<1x50xi32, #tpu.memory_space<vmem>>
    %dma_wait3A_85 = tpu.memref_squeeze %dma_wait3A_84 : memref<1x50xi32, #tpu.memory_space<vmem>> -> memref<50xi32, #tpu.memory_space<vmem>>
    %dma_wait3A_86 = arith.constant 0 : i32
    %dma_wait3A_87 = arith.constant 0 : i32
    %dma_wait3A_88 = tpu.memref_slice %arg3[%dma_wait3A_86, %dma_wait3A_87] : memref<1000000x32xf32, #tpu.memory_space<hbm>> -> memref<1000000x32xf32, #tpu.memory_space<hbm>>
    %dma_wait3A_89 = tpu.memref_slice %arg7[%dma_wait3A_78] : memref<8x!tpu.dma_semaphore, #tpu.memory_space<semaphore_mem>> -> memref<1x!tpu.dma_semaphore, #tpu.memory_space<semaphore_mem>>
    %dma_wait3A_90 = tpu.memref_squeeze %dma_wait3A_89 : memref<1x!tpu.dma_semaphore, #tpu.memory_space<semaphore_mem>> -> memref<!tpu.dma_semaphore, #tpu.memory_space<semaphore_mem>>
    tpu.wait_indirect_dma semaphore(%dma_wait3A_90 : memref<!tpu.dma_semaphore, #tpu.memory_space<semaphore_mem>>) src(%dma_wait3A_88 : memref<1000000x32xf32, #tpu.memory_space<hbm>>) dst(%dma_wait3A_82 : memref<50x32xf32, #tpu.memory_space<vmem>>)
    %add3A_91 = arith.constant 0 : i32
    %add3A_92 = arith.addi %mul3A_2, %add3A_91 : i32
    %dma_start3A_93 = arith.constant 0 : i32
    %dma_start3A_94 = arith.constant 0 : i32
    %dma_start3A_95 = arith.constant 0 : i32
    %dma_start3A_96 = arith.constant 0 : i32
    %dma_start3A_97 = tpu.memref_slice %arg6[%dma_start3A_93, %dma_start3A_95, %dma_start3A_96] : memref<8x50x32xf32, #tpu.memory_space<vmem>> -> memref<1x50x32xf32, #tpu.memory_space<vmem>>
    %dma_start3A_98 = tpu.memref_squeeze %dma_start3A_97 : memref<1x50x32xf32, #tpu.memory_space<vmem>> -> memref<50x32xf32, #tpu.memory_space<vmem>>
    %dma_start3A_99 = arith.constant 0 : i32
    %dma_start3A_100 = arith.constant 0 : i32
    %dma_start3A_101 = tpu.memref_slice %arg4[%add3A_92, %dma_start3A_99, %dma_start3A_100] : memref<16384x50x32xf32, #tpu.memory_space<hbm>> -> memref<1x50x32xf32, #tpu.memory_space<hbm>>
    %dma_start3A_102 = tpu.memref_squeeze %dma_start3A_101 : memref<1x50x32xf32, #tpu.memory_space<hbm>> -> memref<50x32xf32, #tpu.memory_space<hbm>>
    %dma_start3A_103 = tpu.memref_slice %arg8[%dma_start3A_94] : memref<8x!tpu.dma_semaphore, #tpu.memory_space<semaphore_mem>> -> memref<1x!tpu.dma_semaphore, #tpu.memory_space<semaphore_mem>>
    %dma_start3A_104 = tpu.memref_squeeze %dma_start3A_103 : memref<1x!tpu.dma_semaphore, #tpu.memory_space<semaphore_mem>> -> memref<!tpu.dma_semaphore, #tpu.memory_space<semaphore_mem>>
    %dma_start3A_105 = arith.constant 0 : i32
    %dma_start3A_106 = arith.constant 0 : i32
    %dma_start3A_107 = tpu.memref_slice %arg4[%add3A_92, %dma_start3A_105, %dma_start3A_106] : memref<16384x50x32xf32, #tpu.memory_space<hbm>> -> memref<1x50x32xf32, #tpu.memory_space<hbm>>
    %dma_start3A_108 = tpu.memref_squeeze %dma_start3A_107 : memref<1x50x32xf32, #tpu.memory_space<hbm>> -> memref<50x32xf32, #tpu.memory_space<hbm>>
    %dma_start3A_109 = arith.constant 0 : i32
    %dma_start3A_110 = arith.constant 0 : i32
    %dma_start3A_111 = tpu.memref_slice %arg6[%dma_start3A_93, %dma_start3A_109, %dma_start3A_110] : memref<8x50x32xf32, #tpu.memory_space<vmem>> -> memref<1x50x32xf32, #tpu.memory_space<vmem>>
    %dma_start3A_112 = tpu.memref_squeeze %dma_start3A_111 : memref<1x50x32xf32, #tpu.memory_space<vmem>> -> memref<50x32xf32, #tpu.memory_space<vmem>>
    tpu.enqueue_dma source(%dma_start3A_112 : memref<50x32xf32, #tpu.memory_space<vmem>>) target(%dma_start3A_108 : memref<50x32xf32, #tpu.memory_space<hbm>>) target_semaphore(%dma_start3A_104 : memref<!tpu.dma_semaphore, #tpu.memory_space<semaphore_mem>>)
    %dma_start3A_113 = arith.constant 5 : i32
    %dma_start3A_114 = arith.constant 5 : i32
    %dma_start3A_115 = arith.constant 5 : i32
    %dma_start3A_116 = arith.constant 0 : i32
    %dma_start3A_117 = arith.constant 0 : i32
    %dma_start3A_118 = tpu.memref_slice %arg6[%dma_start3A_114, %dma_start3A_116, %dma_start3A_117] : memref<8x50x32xf32, #tpu.memory_space<vmem>> -> memref<1x50x32xf32, #tpu.memory_space<vmem>>
    %dma_start3A_119 = tpu.memref_squeeze %dma_start3A_118 : memref<1x50x32xf32, #tpu.memory_space<vmem>> -> memref<50x32xf32, #tpu.memory_space<vmem>>
    %dma_start3A_120 = arith.constant 0 : i32
    %dma_start3A_121 = tpu.memref_slice %arg5[%dma_start3A_113, %dma_start3A_120] : memref<512x50xi32, #tpu.memory_space<vmem>> -> memref<1x50xi32, #tpu.memory_space<vmem>>
    %dma_start3A_122 = tpu.memref_squeeze %dma_start3A_121 : memref<1x50xi32, #tpu.memory_space<vmem>> -> memref<50xi32, #tpu.memory_space<vmem>>
    %dma_start3A_123 = arith.constant 0 : i32
    %dma_start3A_124 = arith.constant 0 : i32
    %dma_start3A_125 = tpu.memref_slice %arg3[%dma_start3A_123, %dma_start3A_124] : memref<1000000x32xf32, #tpu.memory_space<hbm>> -> memref<1000000x32xf32, #tpu.memory_space<hbm>>
    %dma_start3A_126 = tpu.memref_slice %arg7[%dma_start3A_115] : memref<8x!tpu.dma_semaphore, #tpu.memory_space<semaphore_mem>> -> memref<1x!tpu.dma_semaphore, #tpu.memory_space<semaphore_mem>>
    %dma_start3A_127 = tpu.memref_squeeze %dma_start3A_126 : memref<1x!tpu.dma_semaphore, #tpu.memory_space<semaphore_mem>> -> memref<!tpu.dma_semaphore, #tpu.memory_space<semaphore_mem>>
    tpu.enqueue_indirect_dma source(%dma_start3A_125 : memref<1000000x32xf32, #tpu.memory_space<hbm>>) target(%dma_start3A_119 : memref<50x32xf32, #tpu.memory_space<vmem>>) offsets(%dma_start3A_122 : memref<50xi32, #tpu.memory_space<vmem>>) semaphore(%dma_start3A_127 : memref<!tpu.dma_semaphore, #tpu.memory_space<semaphore_mem>>)
    %dma_wait3A_128 = arith.constant 1 : i32
    %dma_wait3A_129 = arith.constant 1 : i32
    %dma_wait3A_130 = arith.constant 1 : i32
    %dma_wait3A_131 = arith.constant 0 : i32
    %dma_wait3A_132 = arith.constant 0 : i32
    %dma_wait3A_133 = tpu.memref_slice %arg6[%dma_wait3A_129, %dma_wait3A_131, %dma_wait3A_132] : memref<8x50x32xf32, #tpu.memory_space<vmem>> -> memref<1x50x32xf32, #tpu.memory_space<vmem>>
    %dma_wait3A_134 = tpu.memref_squeeze %dma_wait3A_133 : memref<1x50x32xf32, #tpu.memory_space<vmem>> -> memref<50x32xf32, #tpu.memory_space<vmem>>
    %dma_wait3A_135 = arith.constant 0 : i32
    %dma_wait3A_136 = tpu.memref_slice %arg5[%dma_wait3A_128, %dma_wait3A_135] : memref<512x50xi32, #tpu.memory_space<vmem>> -> memref<1x50xi32, #tpu.memory_space<vmem>>
    %dma_wait3A_137 = tpu.memref_squeeze %dma_wait3A_136 : memref<1x50xi32, #tpu.memory_space<vmem>> -> memref<50xi32, #tpu.memory_space<vmem>>
    %dma_wait3A_138 = arith.constant 0 : i32
    %dma_wait3A_139 = arith.constant 0 : i32
    %dma_wait3A_140 = tpu.memref_slice %arg3[%dma_wait3A_138, %dma_wait3A_139] : memref<1000000x32xf32, #tpu.memory_space<hbm>> -> memref<1000000x32xf32, #tpu.memory_space<hbm>>
    %dma_wait3A_141 = tpu.memref_slice %arg7[%dma_wait3A_130] : memref<8x!tpu.dma_semaphore, #tpu.memory_space<semaphore_mem>> -> memref<1x!tpu.dma_semaphore, #tpu.memory_space<semaphore_mem>>
    %dma_wait3A_142 = tpu.memref_squeeze %dma_wait3A_141 : memref<1x!tpu.dma_semaphore, #tpu.memory_space<semaphore_mem>> -> memref<!tpu.dma_semaphore, #tpu.memory_space<semaphore_mem>>
    tpu.wait_indirect_dma semaphore(%dma_wait3A_142 : memref<!tpu.dma_semaphore, #tpu.memory_space<semaphore_mem>>) src(%dma_wait3A_140 : memref<1000000x32xf32, #tpu.memory_space<hbm>>) dst(%dma_wait3A_134 : memref<50x32xf32, #tpu.memory_space<vmem>>)
    %add3A_143 = arith.constant 1 : i32
    %add3A_144 = arith.addi %mul3A_2, %add3A_143 : i32
    %dma_start3A_145 = arith.constant 1 : i32
    %dma_start3A_146 = arith.constant 1 : i32
    %dma_start3A_147 = arith.constant 0 : i32
    %dma_start3A_148 = arith.constant 0 : i32
    %dma_start3A_149 = tpu.memref_slice %arg6[%dma_start3A_145, %dma_start3A_147, %dma_start3A_148] : memref<8x50x32xf32, #tpu.memory_space<vmem>> -> memref<1x50x32xf32, #tpu.memory_space<vmem>>
    %dma_start3A_150 = tpu.memref_squeeze %dma_start3A_149 : memref<1x50x32xf32, #tpu.memory_space<vmem>> -> memref<50x32xf32, #tpu.memory_space<vmem>>
    %dma_start3A_151 = arith.constant 0 : i32
    %dma_start3A_152 = arith.constant 0 : i32
    %dma_start3A_153 = tpu.memref_slice %arg4[%add3A_144, %dma_start3A_151, %dma_start3A_152] : memref<16384x50x32xf32, #tpu.memory_space<hbm>> -> memref<1x50x32xf32, #tpu.memory_space<hbm>>
    %dma_start3A_154 = tpu.memref_squeeze %dma_start3A_153 : memref<1x50x32xf32, #tpu.memory_space<hbm>> -> memref<50x32xf32, #tpu.memory_space<hbm>>
    %dma_start3A_155 = tpu.memref_slice %arg8[%dma_start3A_146] : memref<8x!tpu.dma_semaphore, #tpu.memory_space<semaphore_mem>> -> memref<1x!tpu.dma_semaphore, #tpu.memory_space<semaphore_mem>>
    %dma_start3A_156 = tpu.memref_squeeze %dma_start3A_155 : memref<1x!tpu.dma_semaphore, #tpu.memory_space<semaphore_mem>> -> memref<!tpu.dma_semaphore, #tpu.memory_space<semaphore_mem>>
    %dma_start3A_157 = arith.constant 0 : i32
    %dma_start3A_158 = arith.constant 0 : i32
    %dma_start3A_159 = tpu.memref_slice %arg4[%add3A_144, %dma_start3A_157, %dma_start3A_158] : memref<16384x50x32xf32, #tpu.memory_space<hbm>> -> memref<1x50x32xf32, #tpu.memory_space<hbm>>
    %dma_start3A_160 = tpu.memref_squeeze %dma_start3A_159 : memref<1x50x32xf32, #tpu.memory_space<hbm>> -> memref<50x32xf32, #tpu.memory_space<hbm>>
    %dma_start3A_161 = arith.constant 0 : i32
    %dma_start3A_162 = arith.constant 0 : i32
    %dma_start3A_163 = tpu.memref_slice %arg6[%dma_start3A_145, %dma_start3A_161, %dma_start3A_162] : memref<8x50x32xf32, #tpu.memory_space<vmem>> -> memref<1x50x32xf32, #tpu.memory_space<vmem>>
    %dma_start3A_164 = tpu.memref_squeeze %dma_start3A_163 : memref<1x50x32xf32, #tpu.memory_space<vmem>> -> memref<50x32xf32, #tpu.memory_space<vmem>>
    tpu.enqueue_dma source(%dma_start3A_164 : memref<50x32xf32, #tpu.memory_space<vmem>>) target(%dma_start3A_160 : memref<50x32xf32, #tpu.memory_space<hbm>>) target_semaphore(%dma_start3A_156 : memref<!tpu.dma_semaphore, #tpu.memory_space<semaphore_mem>>)
    %dma_start3A_165 = arith.constant 6 : i32
    %dma_start3A_166 = arith.constant 6 : i32
    %dma_start3A_167 = arith.constant 6 : i32
    %dma_start3A_168 = arith.constant 0 : i32
    %dma_start3A_169 = arith.constant 0 : i32
    %dma_start3A_170 = tpu.memref_slice %arg6[%dma_start3A_166, %dma_start3A_168, %dma_start3A_169] : memref<8x50x32xf32, #tpu.memory_space<vmem>> -> memref<1x50x32xf32, #tpu.memory_space<vmem>>
    %dma_start3A_171 = tpu.memref_squeeze %dma_start3A_170 : memref<1x50x32xf32, #tpu.memory_space<vmem>> -> memref<50x32xf32, #tpu.memory_space<vmem>>
    %dma_start3A_172 = arith.constant 0 : i32
    %dma_start3A_173 = tpu.memref_slice %arg5[%dma_start3A_165, %dma_start3A_172] : memref<512x50xi32, #tpu.memory_space<vmem>> -> memref<1x50xi32, #tpu.memory_space<vmem>>
    %dma_start3A_174 = tpu.memref_squeeze %dma_start3A_173 : memref<1x50xi32, #tpu.memory_space<vmem>> -> memref<50xi32, #tpu.memory_space<vmem>>
    %dma_start3A_175 = arith.constant 0 : i32
    %dma_start3A_176 = arith.constant 0 : i32
    %dma_start3A_177 = tpu.memref_slice %arg3[%dma_start3A_175, %dma_start3A_176] : memref<1000000x32xf32, #tpu.memory_space<hbm>> -> memref<1000000x32xf32, #tpu.memory_space<hbm>>
    %dma_start3A_178 = tpu.memref_slice %arg7[%dma_start3A_167] : memref<8x!tpu.dma_semaphore, #tpu.memory_space<semaphore_mem>> -> memref<1x!tpu.dma_semaphore, #tpu.memory_space<semaphore_mem>>
    %dma_start3A_179 = tpu.memref_squeeze %dma_start3A_178 : memref<1x!tpu.dma_semaphore, #tpu.memory_space<semaphore_mem>> -> memref<!tpu.dma_semaphore, #tpu.memory_space<semaphore_mem>>
    tpu.enqueue_indirect_dma source(%dma_start3A_177 : memref<1000000x32xf32, #tpu.memory_space<hbm>>) target(%dma_start3A_171 : memref<50x32xf32, #tpu.memory_space<vmem>>) offsets(%dma_start3A_174 : memref<50xi32, #tpu.memory_space<vmem>>) semaphore(%dma_start3A_179 : memref<!tpu.dma_semaphore, #tpu.memory_space<semaphore_mem>>)
    %dma_wait3A_180 = arith.constant 2 : i32
    %dma_wait3A_181 = arith.constant 2 : i32
    %dma_wait3A_182 = arith.constant 2 : i32
    %dma_wait3A_183 = arith.constant 0 : i32
    %dma_wait3A_184 = arith.constant 0 : i32
    %dma_wait3A_185 = tpu.memref_slice %arg6[%dma_wait3A_181, %dma_wait3A_183, %dma_wait3A_184] : memref<8x50x32xf32, #tpu.memory_space<vmem>> -> memref<1x50x32xf32, #tpu.memory_space<vmem>>
    %dma_wait3A_186 = tpu.memref_squeeze %dma_wait3A_185 : memref<1x50x32xf32, #tpu.memory_space<vmem>> -> memref<50x32xf32, #tpu.memory_space<vmem>>
    %dma_wait3A_187 = arith.constant 0 : i32
    %dma_wait3A_188 = tpu.memref_slice %arg5[%dma_wait3A_180, %dma_wait3A_187] : memref<512x50xi32, #tpu.memory_space<vmem>> -> memref<1x50xi32, #tpu.memory_space<vmem>>
    %dma_wait3A_189 = tpu.memref_squeeze %dma_wait3A_188 : memref<1x50xi32, #tpu.memory_space<vmem>> -> memref<50xi32, #tpu.memory_space<vmem>>
    %dma_wait3A_190 = arith.constant 0 : i32
    %dma_wait3A_191 = arith.constant 0 : i32
    %dma_wait3A_192 = tpu.memref_slice %arg3[%dma_wait3A_190, %dma_wait3A_191] : memref<1000000x32xf32, #tpu.memory_space<hbm>> -> memref<1000000x32xf32, #tpu.memory_space<hbm>>
    %dma_wait3A_193 = tpu.memref_slice %arg7[%dma_wait3A_182] : memref<8x!tpu.dma_semaphore, #tpu.memory_space<semaphore_mem>> -> memref<1x!tpu.dma_semaphore, #tpu.memory_space<semaphore_mem>>
    %dma_wait3A_194 = tpu.memref_squeeze %dma_wait3A_193 : memref<1x!tpu.dma_semaphore, #tpu.memory_space<semaphore_mem>> -> memref<!tpu.dma_semaphore, #tpu.memory_space<semaphore_mem>>
    tpu.wait_indirect_dma semaphore(%dma_wait3A_194 : memref<!tpu.dma_semaphore, #tpu.memory_space<semaphore_mem>>) src(%dma_wait3A_192 : memref<1000000x32xf32, #tpu.memory_space<hbm>>) dst(%dma_wait3A_186 : memref<50x32xf32, #tpu.memory_space<vmem>>)
    %add3A_195 = arith.constant 2 : i32
    %add3A_196 = arith.addi %mul3A_2, %add3A_195 : i32
    %dma_start3A_197 = arith.constant 2 : i32
    %dma_start3A_198 = arith.constant 2 : i32
    %dma_start3A_199 = arith.constant 0 : i32
    %dma_start3A_200 = arith.constant 0 : i32
    %dma_start3A_201 = tpu.memref_slice %arg6[%dma_start3A_197, %dma_start3A_199, %dma_start3A_200] : memref<8x50x32xf32, #tpu.memory_space<vmem>> -> memref<1x50x32xf32, #tpu.memory_space<vmem>>
    %dma_start3A_202 = tpu.memref_squeeze %dma_start3A_201 : memref<1x50x32xf32, #tpu.memory_space<vmem>> -> memref<50x32xf32, #tpu.memory_space<vmem>>
    %dma_start3A_203 = arith.constant 0 : i32
    %dma_start3A_204 = arith.constant 0 : i32
    %dma_start3A_205 = tpu.memref_slice %arg4[%add3A_196, %dma_start3A_203, %dma_start3A_204] : memref<16384x50x32xf32, #tpu.memory_space<hbm>> -> memref<1x50x32xf32, #tpu.memory_space<hbm>>
    %dma_start3A_206 = tpu.memref_squeeze %dma_start3A_205 : memref<1x50x32xf32, #tpu.memory_space<hbm>> -> memref<50x32xf32, #tpu.memory_space<hbm>>
    %dma_start3A_207 = tpu.memref_slice %arg8[%dma_start3A_198] : memref<8x!tpu.dma_semaphore, #tpu.memory_space<semaphore_mem>> -> memref<1x!tpu.dma_semaphore, #tpu.memory_space<semaphore_mem>>
    %dma_start3A_208 = tpu.memref_squeeze %dma_start3A_207 : memref<1x!tpu.dma_semaphore, #tpu.memory_space<semaphore_mem>> -> memref<!tpu.dma_semaphore, #tpu.memory_space<semaphore_mem>>
    %dma_start3A_209 = arith.constant 0 : i32
    %dma_start3A_210 = arith.constant 0 : i32
    %dma_start3A_211 = tpu.memref_slice %arg4[%add3A_196, %dma_start3A_209, %dma_start3A_210] : memref<16384x50x32xf32, #tpu.memory_space<hbm>> -> memref<1x50x32xf32, #tpu.memory_space<hbm>>
    %dma_start3A_212 = tpu.memref_squeeze %dma_start3A_211 : memref<1x50x32xf32, #tpu.memory_space<hbm>> -> memref<50x32xf32, #tpu.memory_space<hbm>>
    %dma_start3A_213 = arith.constant 0 : i32
    %dma_start3A_214 = arith.constant 0 : i32
    %dma_start3A_215 = tpu.memref_slice %arg6[%dma_start3A_197, %dma_start3A_213, %dma_start3A_214] : memref<8x50x32xf32, #tpu.memory_space<vmem>> -> memref<1x50x32xf32, #tpu.memory_space<vmem>>
    %dma_start3A_216 = tpu.memref_squeeze %dma_start3A_215 : memref<1x50x32xf32, #tpu.memory_space<vmem>> -> memref<50x32xf32, #tpu.memory_space<vmem>>
    tpu.enqueue_dma source(%dma_start3A_216 : memref<50x32xf32, #tpu.memory_space<vmem>>) target(%dma_start3A_212 : memref<50x32xf32, #tpu.memory_space<hbm>>) target_semaphore(%dma_start3A_208 : memref<!tpu.dma_semaphore, #tpu.memory_space<semaphore_mem>>)
    %dma_start3A_217 = arith.constant 7 : i32
    %dma_start3A_218 = arith.constant 7 : i32
    %dma_start3A_219 = arith.constant 7 : i32
    %dma_start3A_220 = arith.constant 0 : i32
    %dma_start3A_221 = arith.constant 0 : i32
    %dma_start3A_222 = tpu.memref_slice %arg6[%dma_start3A_218, %dma_start3A_220, %dma_start3A_221] : memref<8x50x32xf32, #tpu.memory_space<vmem>> -> memref<1x50x32xf32, #tpu.memory_space<vmem>>
    %dma_start3A_223 = tpu.memref_squeeze %dma_start3A_222 : memref<1x50x32xf32, #tpu.memory_space<vmem>> -> memref<50x32xf32, #tpu.memory_space<vmem>>
    %dma_start3A_224 = arith.constant 0 : i32
    %dma_start3A_225 = tpu.memref_slice %arg5[%dma_start3A_217, %dma_start3A_224] : memref<512x50xi32, #tpu.memory_space<vmem>> -> memref<1x50xi32, #tpu.memory_space<vmem>>
    %dma_start3A_226 = tpu.memref_squeeze %dma_start3A_225 : memref<1x50xi32, #tpu.memory_space<vmem>> -> memref<50xi32, #tpu.memory_space<vmem>>
    %dma_start3A_227 = arith.constant 0 : i32
    %dma_start3A_228 = arith.constant 0 : i32
    %dma_start3A_229 = tpu.memref_slice %arg3[%dma_start3A_227, %dma_start3A_228] : memref<1000000x32xf32, #tpu.memory_space<hbm>> -> memref<1000000x32xf32, #tpu.memory_space<hbm>>
    %dma_start3A_230 = tpu.memref_slice %arg7[%dma_start3A_219] : memref<8x!tpu.dma_semaphore, #tpu.memory_space<semaphore_mem>> -> memref<1x!tpu.dma_semaphore, #tpu.memory_space<semaphore_mem>>
    %dma_start3A_231 = tpu.memref_squeeze %dma_start3A_230 : memref<1x!tpu.dma_semaphore, #tpu.memory_space<semaphore_mem>> -> memref<!tpu.dma_semaphore, #tpu.memory_space<semaphore_mem>>
    tpu.enqueue_indirect_dma source(%dma_start3A_229 : memref<1000000x32xf32, #tpu.memory_space<hbm>>) target(%dma_start3A_223 : memref<50x32xf32, #tpu.memory_space<vmem>>) offsets(%dma_start3A_226 : memref<50xi32, #tpu.memory_space<vmem>>) semaphore(%dma_start3A_231 : memref<!tpu.dma_semaphore, #tpu.memory_space<semaphore_mem>>)
    %dma_wait3A_232 = arith.constant 3 : i32
    %dma_wait3A_233 = arith.constant 3 : i32
    %dma_wait3A_234 = arith.constant 3 : i32
    %dma_wait3A_235 = arith.constant 0 : i32
    %dma_wait3A_236 = arith.constant 0 : i32
    %dma_wait3A_237 = tpu.memref_slice %arg6[%dma_wait3A_233, %dma_wait3A_235, %dma_wait3A_236] : memref<8x50x32xf32, #tpu.memory_space<vmem>> -> memref<1x50x32xf32, #tpu.memory_space<vmem>>
    %dma_wait3A_238 = tpu.memref_squeeze %dma_wait3A_237 : memref<1x50x32xf32, #tpu.memory_space<vmem>> -> memref<50x32xf32, #tpu.memory_space<vmem>>
    %dma_wait3A_239 = arith.constant 0 : i32
    %dma_wait3A_240 = tpu.memref_slice %arg5[%dma_wait3A_232, %dma_wait3A_239] : memref<512x50xi32, #tpu.memory_space<vmem>> -> memref<1x50xi32, #tpu.memory_space<vmem>>
    %dma_wait3A_241 = tpu.memref_squeeze %dma_wait3A_240 : memref<1x50xi32, #tpu.memory_space<vmem>> -> memref<50xi32, #tpu.memory_space<vmem>>
    %dma_wait3A_242 = arith.constant 0 : i32
    %dma_wait3A_243 = arith.constant 0 : i32
    %dma_wait3A_244 = tpu.memref_slice %arg3[%dma_wait3A_242, %dma_wait3A_243] : memref<1000000x32xf32, #tpu.memory_space<hbm>> -> memref<1000000x32xf32, #tpu.memory_space<hbm>>
    %dma_wait3A_245 = tpu.memref_slice %arg7[%dma_wait3A_234] : memref<8x!tpu.dma_semaphore, #tpu.memory_space<semaphore_mem>> -> memref<1x!tpu.dma_semaphore, #tpu.memory_space<semaphore_mem>>
    %dma_wait3A_246 = tpu.memref_squeeze %dma_wait3A_245 : memref<1x!tpu.dma_semaphore, #tpu.memory_space<semaphore_mem>> -> memref<!tpu.dma_semaphore, #tpu.memory_space<semaphore_mem>>
    tpu.wait_indirect_dma semaphore(%dma_wait3A_246 : memref<!tpu.dma_semaphore, #tpu.memory_space<semaphore_mem>>) src(%dma_wait3A_244 : memref<1000000x32xf32, #tpu.memory_space<hbm>>) dst(%dma_wait3A_238 : memref<50x32xf32, #tpu.memory_space<vmem>>)
    %add3A_247 = arith.constant 3 : i32
    %add3A_248 = arith.addi %mul3A_2, %add3A_247 : i32
    %dma_start3A_249 = arith.constant 3 : i32
    %dma_start3A_250 = arith.constant 3 : i32
    %dma_start3A_251 = arith.constant 0 : i32
    %dma_start3A_252 = arith.constant 0 : i32
    %dma_start3A_253 = tpu.memref_slice %arg6[%dma_start3A_249, %dma_start3A_251, %dma_start3A_252] : memref<8x50x32xf32, #tpu.memory_space<vmem>> -> memref<1x50x32xf32, #tpu.memory_space<vmem>>
    %dma_start3A_254 = tpu.memref_squeeze %dma_start3A_253 : memref<1x50x32xf32, #tpu.memory_space<vmem>> -> memref<50x32xf32, #tpu.memory_space<vmem>>
    %dma_start3A_255 = arith.constant 0 : i32
    %dma_start3A_256 = arith.constant 0 : i32
    %dma_start3A_257 = tpu.memref_slice %arg4[%add3A_248, %dma_start3A_255, %dma_start3A_256] : memref<16384x50x32xf32, #tpu.memory_space<hbm>> -> memref<1x50x32xf32, #tpu.memory_space<hbm>>
    %dma_start3A_258 = tpu.memref_squeeze %dma_start3A_257 : memref<1x50x32xf32, #tpu.memory_space<hbm>> -> memref<50x32xf32, #tpu.memory_space<hbm>>
    %dma_start3A_259 = tpu.memref_slice %arg8[%dma_start3A_250] : memref<8x!tpu.dma_semaphore, #tpu.memory_space<semaphore_mem>> -> memref<1x!tpu.dma_semaphore, #tpu.memory_space<semaphore_mem>>
    %dma_start3A_260 = tpu.memref_squeeze %dma_start3A_259 : memref<1x!tpu.dma_semaphore, #tpu.memory_space<semaphore_mem>> -> memref<!tpu.dma_semaphore, #tpu.memory_space<semaphore_mem>>
    %dma_start3A_261 = arith.constant 0 : i32
    %dma_start3A_262 = arith.constant 0 : i32
    %dma_start3A_263 = tpu.memref_slice %arg4[%add3A_248, %dma_start3A_261, %dma_start3A_262] : memref<16384x50x32xf32, #tpu.memory_space<hbm>> -> memref<1x50x32xf32, #tpu.memory_space<hbm>>
    %dma_start3A_264 = tpu.memref_squeeze %dma_start3A_263 : memref<1x50x32xf32, #tpu.memory_space<hbm>> -> memref<50x32xf32, #tpu.memory_space<hbm>>
    %dma_start3A_265 = arith.constant 0 : i32
    %dma_start3A_266 = arith.constant 0 : i32
    %dma_start3A_267 = tpu.memref_slice %arg6[%dma_start3A_249, %dma_start3A_265, %dma_start3A_266] : memref<8x50x32xf32, #tpu.memory_space<vmem>> -> memref<1x50x32xf32, #tpu.memory_space<vmem>>
    %dma_start3A_268 = tpu.memref_squeeze %dma_start3A_267 : memref<1x50x32xf32, #tpu.memory_space<vmem>> -> memref<50x32xf32, #tpu.memory_space<vmem>>
    tpu.enqueue_dma source(%dma_start3A_268 : memref<50x32xf32, #tpu.memory_space<vmem>>) target(%dma_start3A_264 : memref<50x32xf32, #tpu.memory_space<hbm>>) target_semaphore(%dma_start3A_260 : memref<!tpu.dma_semaphore, #tpu.memory_space<semaphore_mem>>)
    %add3A_269 = arith.constant 0 : i32
    %add3A_270 = arith.addi %mul3A_2, %add3A_269 : i32
    %dma_wait3A_271 = arith.constant 0 : i32
    %dma_wait3A_272 = arith.constant 0 : i32
    %dma_wait3A_273 = arith.constant 0 : i32
    %dma_wait3A_274 = arith.constant 0 : i32
    %dma_wait3A_275 = tpu.memref_slice %arg6[%dma_wait3A_271, %dma_wait3A_273, %dma_wait3A_274] : memref<8x50x32xf32, #tpu.memory_space<vmem>> -> memref<1x50x32xf32, #tpu.memory_space<vmem>>
    %dma_wait3A_276 = tpu.memref_squeeze %dma_wait3A_275 : memref<1x50x32xf32, #tpu.memory_space<vmem>> -> memref<50x32xf32, #tpu.memory_space<vmem>>
    %dma_wait3A_277 = arith.constant 0 : i32
    %dma_wait3A_278 = arith.constant 0 : i32
    %dma_wait3A_279 = tpu.memref_slice %arg4[%add3A_270, %dma_wait3A_277, %dma_wait3A_278] : memref<16384x50x32xf32, #tpu.memory_space<hbm>> -> memref<1x50x32xf32, #tpu.memory_space<hbm>>
    %dma_wait3A_280 = tpu.memref_squeeze %dma_wait3A_279 : memref<1x50x32xf32, #tpu.memory_space<hbm>> -> memref<50x32xf32, #tpu.memory_space<hbm>>
    %dma_wait3A_281 = tpu.memref_slice %arg8[%dma_wait3A_272] : memref<8x!tpu.dma_semaphore, #tpu.memory_space<semaphore_mem>> -> memref<1x!tpu.dma_semaphore, #tpu.memory_space<semaphore_mem>>
    %dma_wait3A_282 = tpu.memref_squeeze %dma_wait3A_281 : memref<1x!tpu.dma_semaphore, #tpu.memory_space<semaphore_mem>> -> memref<!tpu.dma_semaphore, #tpu.memory_space<semaphore_mem>>
    %dma_wait3A_283 = arith.constant 0 : i32
    %dma_wait3A_284 = arith.constant 0 : i32
    %dma_wait3A_285 = tpu.memref_slice %arg4[%add3A_270, %dma_wait3A_283, %dma_wait3A_284] : memref<16384x50x32xf32, #tpu.memory_space<hbm>> -> memref<1x50x32xf32, #tpu.memory_space<hbm>>
    %dma_wait3A_286 = tpu.memref_squeeze %dma_wait3A_285 : memref<1x50x32xf32, #tpu.memory_space<hbm>> -> memref<50x32xf32, #tpu.memory_space<hbm>>
    %dma_wait3A_287 = arith.constant 0 : i32
    %dma_wait3A_288 = arith.constant 0 : i32
    %dma_wait3A_289 = tpu.memref_slice %arg6[%dma_wait3A_271, %dma_wait3A_287, %dma_wait3A_288] : memref<8x50x32xf32, #tpu.memory_space<vmem>> -> memref<1x50x32xf32, #tpu.memory_space<vmem>>
    %dma_wait3A_290 = tpu.memref_squeeze %dma_wait3A_289 : memref<1x50x32xf32, #tpu.memory_space<vmem>> -> memref<50x32xf32, #tpu.memory_space<vmem>>
    tpu.wait_dma2 semaphore(%dma_wait3A_282 : memref<!tpu.dma_semaphore, #tpu.memory_space<semaphore_mem>>) src(%dma_wait3A_290 : memref<50x32xf32, #tpu.memory_space<vmem>>) dst(%dma_wait3A_286 : memref<50x32xf32, #tpu.memory_space<hbm>>)
    %dma_start3A_291 = arith.constant 8 : i32
    %dma_start3A_292 = arith.constant 0 : i32
    %dma_start3A_293 = arith.constant 0 : i32
    %dma_start3A_294 = arith.constant 0 : i32
    %dma_start3A_295 = arith.constant 0 : i32
    %dma_start3A_296 = tpu.memref_slice %arg6[%dma_start3A_292, %dma_start3A_294, %dma_start3A_295] : memref<8x50x32xf32, #tpu.memory_space<vmem>> -> memref<1x50x32xf32, #tpu.memory_space<vmem>>
    %dma_start3A_297 = tpu.memref_squeeze %dma_start3A_296 : memref<1x50x32xf32, #tpu.memory_space<vmem>> -> memref<50x32xf32, #tpu.memory_space<vmem>>
    %dma_start3A_298 = arith.constant 0 : i32
    %dma_start3A_299 = tpu.memref_slice %arg5[%dma_start3A_291, %dma_start3A_298] : memref<512x50xi32, #tpu.memory_space<vmem>> -> memref<1x50xi32, #tpu.memory_space<vmem>>
    %dma_start3A_300 = tpu.memref_squeeze %dma_start3A_299 : memref<1x50xi32, #tpu.memory_space<vmem>> -> memref<50xi32, #tpu.memory_space<vmem>>
    %dma_start3A_301 = arith.constant 0 : i32
    %dma_start3A_302 = arith.constant 0 : i32
    %dma_start3A_303 = tpu.memref_slice %arg3[%dma_start3A_301, %dma_start3A_302] : memref<1000000x32xf32, #tpu.memory_space<hbm>> -> memref<1000000x32xf32, #tpu.memory_space<hbm>>
    %dma_start3A_304 = tpu.memref_slice %arg7[%dma_start3A_293] : memref<8x!tpu.dma_semaphore, #tpu.memory_space<semaphore_mem>> -> memref<1x!tpu.dma_semaphore, #tpu.memory_space<semaphore_mem>>
    %dma_start3A_305 = tpu.memref_squeeze %dma_start3A_304 : memref<1x!tpu.dma_semaphore, #tpu.memory_space<semaphore_mem>> -> memref<!tpu.dma_semaphore, #tpu.memory_space<semaphore_mem>>
    tpu.enqueue_indirect_dma source(%dma_start3A_303 : memref<1000000x32xf32, #tpu.memory_space<hbm>>) target(%dma_start3A_297 : memref<50x32xf32, #tpu.memory_space<vmem>>) offsets(%dma_start3A_300 : memref<50xi32, #tpu.memory_space<vmem>>) semaphore(%dma_start3A_305 : memref<!tpu.dma_semaphore, #tpu.memory_space<semaphore_mem>>)
    %dma_wait3A_306 = arith.constant 4 : i32
    %dma_wait3A_307 = arith.constant 4 : i32
    %dma_wait3A_308 = arith.constant 4 : i32
    %dma_wait3A_309 = arith.constant 0 : i32
    %dma_wait3A_310 = arith.constant 0 : i32
    %dma_wait3A_311 = tpu.memref_slice %arg6[%dma_wait3A_307, %dma_wait3A_309, %dma_wait3A_310] : memref<8x50x32xf32, #tpu.memory_space<vmem>> -> memref<1x50x32xf32, #tpu.memory_space<vmem>>
    %dma_wait3A_312 = tpu.memref_squeeze %dma_wait3A_311 : memref<1x50x32xf32, #tpu.memory_space<vmem>> -> memref<50x32xf32, #tpu.memory_space<vmem>>
    %dma_wait3A_313 = arith.constant 0 : i32
    %dma_wait3A_314 = tpu.memref_slice %arg5[%dma_wait3A_306, %dma_wait3A_313] : memref<512x50xi32, #tpu.memory_space<vmem>> -> memref<1x50xi32, #tpu.memory_space<vmem>>
    %dma_wait3A_315 = tpu.memref_squeeze %dma_wait3A_314 : memref<1x50xi32, #tpu.memory_space<vmem>> -> memref<50xi32, #tpu.memory_space<vmem>>
    %dma_wait3A_316 = arith.constant 0 : i32
    %dma_wait3A_317 = arith.constant 0 : i32
    %dma_wait3A_318 = tpu.memref_slice %arg3[%dma_wait3A_316, %dma_wait3A_317] : memref<1000000x32xf32, #tpu.memory_space<hbm>> -> memref<1000000x32xf32, #tpu.memory_space<hbm>>
    %dma_wait3A_319 = tpu.memref_slice %arg7[%dma_wait3A_308] : memref<8x!tpu.dma_semaphore, #tpu.memory_space<semaphore_mem>> -> memref<1x!tpu.dma_semaphore, #tpu.memory_space<semaphore_mem>>
    %dma_wait3A_320 = tpu.memref_squeeze %dma_wait3A_319 : memref<1x!tpu.dma_semaphore, #tpu.memory_space<semaphore_mem>> -> memref<!tpu.dma_semaphore, #tpu.memory_space<semaphore_mem>>
    tpu.wait_indirect_dma semaphore(%dma_wait3A_320 : memref<!tpu.dma_semaphore, #tpu.memory_space<semaphore_mem>>) src(%dma_wait3A_318 : memref<1000000x32xf32, #tpu.memory_space<hbm>>) dst(%dma_wait3A_312 : memref<50x32xf32, #tpu.memory_space<vmem>>)
    %add3A_321 = arith.constant 4 : i32
    %add3A_322 = arith.addi %mul3A_2, %add3A_321 : i32
    %dma_start3A_323 = arith.constant 4 : i32
    %dma_start3A_324 = arith.constant 4 : i32
    %dma_start3A_325 = arith.constant 0 : i32
    %dma_start3A_326 = arith.constant 0 : i32
    %dma_start3A_327 = tpu.memref_slice %arg6[%dma_start3A_323, %dma_start3A_325, %dma_start3A_326] : memref<8x50x32xf32, #tpu.memory_space<vmem>> -> memref<1x50x32xf32, #tpu.memory_space<vmem>>
    %dma_start3A_328 = tpu.memref_squeeze %dma_start3A_327 : memref<1x50x32xf32, #tpu.memory_space<vmem>> -> memref<50x32xf32, #tpu.memory_space<vmem>>
    %dma_start3A_329 = arith.constant 0 : i32
    %dma_start3A_330 = arith.constant 0 : i32
    %dma_start3A_331 = tpu.memref_slice %arg4[%add3A_322, %dma_start3A_329, %dma_start3A_330] : memref<16384x50x32xf32, #tpu.memory_space<hbm>> -> memref<1x50x32xf32, #tpu.memory_space<hbm>>
    %dma_start3A_332 = tpu.memref_squeeze %dma_start3A_331 : memref<1x50x32xf32, #tpu.memory_space<hbm>> -> memref<50x32xf32, #tpu.memory_space<hbm>>
    %dma_start3A_333 = tpu.memref_slice %arg8[%dma_start3A_324] : memref<8x!tpu.dma_semaphore, #tpu.memory_space<semaphore_mem>> -> memref<1x!tpu.dma_semaphore, #tpu.memory_space<semaphore_mem>>
    %dma_start3A_334 = tpu.memref_squeeze %dma_start3A_333 : memref<1x!tpu.dma_semaphore, #tpu.memory_space<semaphore_mem>> -> memref<!tpu.dma_semaphore, #tpu.memory_space<semaphore_mem>>
    %dma_start3A_335 = arith.constant 0 : i32
    %dma_start3A_336 = arith.constant 0 : i32
    %dma_start3A_337 = tpu.memref_slice %arg4[%add3A_322, %dma_start3A_335, %dma_start3A_336] : memref<16384x50x32xf32, #tpu.memory_space<hbm>> -> memref<1x50x32xf32, #tpu.memory_space<hbm>>
    %dma_start3A_338 = tpu.memref_squeeze %dma_start3A_337 : memref<1x50x32xf32, #tpu.memory_space<hbm>> -> memref<50x32xf32, #tpu.memory_space<hbm>>
    %dma_start3A_339 = arith.constant 0 : i32
    %dma_start3A_340 = arith.constant 0 : i32
    %dma_start3A_341 = tpu.memref_slice %arg6[%dma_start3A_323, %dma_start3A_339, %dma_start3A_340] : memref<8x50x32xf32, #tpu.memory_space<vmem>> -> memref<1x50x32xf32, #tpu.memory_space<vmem>>
    %dma_start3A_342 = tpu.memref_squeeze %dma_start3A_341 : memref<1x50x32xf32, #tpu.memory_space<vmem>> -> memref<50x32xf32, #tpu.memory_space<vmem>>
    tpu.enqueue_dma source(%dma_start3A_342 : memref<50x32xf32, #tpu.memory_space<vmem>>) target(%dma_start3A_338 : memref<50x32xf32, #tpu.memory_space<hbm>>) target_semaphore(%dma_start3A_334 : memref<!tpu.dma_semaphore, #tpu.memory_space<semaphore_mem>>)
    %add3A_343 = arith.constant 1 : i32
    %add3A_344 = arith.addi %mul3A_2, %add3A_343 : i32
    %dma_wait3A_345 = arith.constant 1 : i32
    %dma_wait3A_346 = arith.constant 1 : i32
    %dma_wait3A_347 = arith.constant 0 : i32
    %dma_wait3A_348 = arith.constant 0 : i32
    %dma_wait3A_349 = tpu.memref_slice %arg6[%dma_wait3A_345, %dma_wait3A_347, %dma_wait3A_348] : memref<8x50x32xf32, #tpu.memory_space<vmem>> -> memref<1x50x32xf32, #tpu.memory_space<vmem>>
    %dma_wait3A_350 = tpu.memref_squeeze %dma_wait3A_349 : memref<1x50x32xf32, #tpu.memory_space<vmem>> -> memref<50x32xf32, #tpu.memory_space<vmem>>
    %dma_wait3A_351 = arith.constant 0 : i32
    %dma_wait3A_352 = arith.constant 0 : i32
    %dma_wait3A_353 = tpu.memref_slice %arg4[%add3A_344, %dma_wait3A_351, %dma_wait3A_352] : memref<16384x50x32xf32, #tpu.memory_space<hbm>> -> memref<1x50x32xf32, #tpu.memory_space<hbm>>
    %dma_wait3A_354 = tpu.memref_squeeze %dma_wait3A_353 : memref<1x50x32xf32, #tpu.memory_space<hbm>> -> memref<50x32xf32, #tpu.memory_space<hbm>>
    %dma_wait3A_355 = tpu.memref_slice %arg8[%dma_wait3A_346] : memref<8x!tpu.dma_semaphore, #tpu.memory_space<semaphore_mem>> -> memref<1x!tpu.dma_semaphore, #tpu.memory_space<semaphore_mem>>
    %dma_wait3A_356 = tpu.memref_squeeze %dma_wait3A_355 : memref<1x!tpu.dma_semaphore, #tpu.memory_space<semaphore_mem>> -> memref<!tpu.dma_semaphore, #tpu.memory_space<semaphore_mem>>
    %dma_wait3A_357 = arith.constant 0 : i32
    %dma_wait3A_358 = arith.constant 0 : i32
    %dma_wait3A_359 = tpu.memref_slice %arg4[%add3A_344, %dma_wait3A_357, %dma_wait3A_358] : memref<16384x50x32xf32, #tpu.memory_space<hbm>> -> memref<1x50x32xf32, #tpu.memory_space<hbm>>
    %dma_wait3A_360 = tpu.memref_squeeze %dma_wait3A_359 : memref<1x50x32xf32, #tpu.memory_space<hbm>> -> memref<50x32xf32, #tpu.memory_space<hbm>>
    %dma_wait3A_361 = arith.constant 0 : i32
    %dma_wait3A_362 = arith.constant 0 : i32
    %dma_wait3A_363 = tpu.memref_slice %arg6[%dma_wait3A_345, %dma_wait3A_361, %dma_wait3A_362] : memref<8x50x32xf32, #tpu.memory_space<vmem>> -> memref<1x50x32xf32, #tpu.memory_space<vmem>>
    %dma_wait3A_364 = tpu.memref_squeeze %dma_wait3A_363 : memref<1x50x32xf32, #tpu.memory_space<vmem>> -> memref<50x32xf32, #tpu.memory_space<vmem>>
    tpu.wait_dma2 semaphore(%dma_wait3A_356 : memref<!tpu.dma_semaphore, #tpu.memory_space<semaphore_mem>>) src(%dma_wait3A_364 : memref<50x32xf32, #tpu.memory_space<vmem>>) dst(%dma_wait3A_360 : memref<50x32xf32, #tpu.memory_space<hbm>>)
    %dma_start3A_365 = arith.constant 9 : i32
    %dma_start3A_366 = arith.constant 1 : i32
    %dma_start3A_367 = arith.constant 1 : i32
    %dma_start3A_368 = arith.constant 0 : i32
    %dma_start3A_369 = arith.constant 0 : i32
    %dma_start3A_370 = tpu.memref_slice %arg6[%dma_start3A_366, %dma_start3A_368, %dma_start3A_369] : memref<8x50x32xf32, #tpu.memory_space<vmem>> -> memref<1x50x32xf32, #tpu.memory_space<vmem>>
    %dma_start3A_371 = tpu.memref_squeeze %dma_start3A_370 : memref<1x50x32xf32, #tpu.memory_space<vmem>> -> memref<50x32xf32, #tpu.memory_space<vmem>>
    %dma_start3A_372 = arith.constant 0 : i32
    %dma_start3A_373 = tpu.memref_slice %arg5[%dma_start3A_365, %dma_start3A_372] : memref<512x50xi32, #tpu.memory_space<vmem>> -> memref<1x50xi32, #tpu.memory_space<vmem>>
    %dma_start3A_374 = tpu.memref_squeeze %dma_start3A_373 : memref<1x50xi32, #tpu.memory_space<vmem>> -> memref<50xi32, #tpu.memory_space<vmem>>
    %dma_start3A_375 = arith.constant 0 : i32
    %dma_start3A_376 = arith.constant 0 : i32
    %dma_start3A_377 = tpu.memref_slice %arg3[%dma_start3A_375, %dma_start3A_376] : memref<1000000x32xf32, #tpu.memory_space<hbm>> -> memref<1000000x32xf32, #tpu.memory_space<hbm>>
    %dma_start3A_378 = tpu.memref_slice %arg7[%dma_start3A_367] : memref<8x!tpu.dma_semaphore, #tpu.memory_space<semaphore_mem>> -> memref<1x!tpu.dma_semaphore, #tpu.memory_space<semaphore_mem>>
    %dma_start3A_379 = tpu.memref_squeeze %dma_start3A_378 : memref<1x!tpu.dma_semaphore, #tpu.memory_space<semaphore_mem>> -> memref<!tpu.dma_semaphore, #tpu.memory_space<semaphore_mem>>
    tpu.enqueue_indirect_dma source(%dma_start3A_377 : memref<1000000x32xf32, #tpu.memory_space<hbm>>) target(%dma_start3A_371 : memref<50x32xf32, #tpu.memory_space<vmem>>) offsets(%dma_start3A_374 : memref<50xi32, #tpu.memory_space<vmem>>) semaphore(%dma_start3A_379 : memref<!tpu.dma_semaphore, #tpu.memory_space<semaphore_mem>>)
    %dma_wait3A_380 = arith.constant 5 : i32
    %dma_wait3A_381 = arith.constant 5 : i32
    %dma_wait3A_382 = arith.constant 5 : i32
    %dma_wait3A_383 = arith.constant 0 : i32
    %dma_wait3A_384 = arith.constant 0 : i32
    %dma_wait3A_385 = tpu.memref_slice %arg6[%dma_wait3A_381, %dma_wait3A_383, %dma_wait3A_384] : memref<8x50x32xf32, #tpu.memory_space<vmem>> -> memref<1x50x32xf32, #tpu.memory_space<vmem>>
    %dma_wait3A_386 = tpu.memref_squeeze %dma_wait3A_385 : memref<1x50x32xf32, #tpu.memory_space<vmem>> -> memref<50x32xf32, #tpu.memory_space<vmem>>
    %dma_wait3A_387 = arith.constant 0 : i32
    %dma_wait3A_388 = tpu.memref_slice %arg5[%dma_wait3A_380, %dma_wait3A_387] : memref<512x50xi32, #tpu.memory_space<vmem>> -> memref<1x50xi32, #tpu.memory_space<vmem>>
    %dma_wait3A_389 = tpu.memref_squeeze %dma_wait3A_388 : memref<1x50xi32, #tpu.memory_space<vmem>> -> memref<50xi32, #tpu.memory_space<vmem>>
    %dma_wait3A_390 = arith.constant 0 : i32
    %dma_wait3A_391 = arith.constant 0 : i32
    %dma_wait3A_392 = tpu.memref_slice %arg3[%dma_wait3A_390, %dma_wait3A_391] : memref<1000000x32xf32, #tpu.memory_space<hbm>> -> memref<1000000x32xf32, #tpu.memory_space<hbm>>
    %dma_wait3A_393 = tpu.memref_slice %arg7[%dma_wait3A_382] : memref<8x!tpu.dma_semaphore, #tpu.memory_space<semaphore_mem>> -> memref<1x!tpu.dma_semaphore, #tpu.memory_space<semaphore_mem>>
    %dma_wait3A_394 = tpu.memref_squeeze %dma_wait3A_393 : memref<1x!tpu.dma_semaphore, #tpu.memory_space<semaphore_mem>> -> memref<!tpu.dma_semaphore, #tpu.memory_space<semaphore_mem>>
    tpu.wait_indirect_dma semaphore(%dma_wait3A_394 : memref<!tpu.dma_semaphore, #tpu.memory_space<semaphore_mem>>) src(%dma_wait3A_392 : memref<1000000x32xf32, #tpu.memory_space<hbm>>) dst(%dma_wait3A_386 : memref<50x32xf32, #tpu.memory_space<vmem>>)
    %add3A_395 = arith.constant 5 : i32
    %add3A_396 = arith.addi %mul3A_2, %add3A_395 : i32
    %dma_start3A_397 = arith.constant 5 : i32
    %dma_start3A_398 = arith.constant 5 : i32
    %dma_start3A_399 = arith.constant 0 : i32
    %dma_start3A_400 = arith.constant 0 : i32
    %dma_start3A_401 = tpu.memref_slice %arg6[%dma_start3A_397, %dma_start3A_399, %dma_start3A_400] : memref<8x50x32xf32, #tpu.memory_space<vmem>> -> memref<1x50x32xf32, #tpu.memory_space<vmem>>
    %dma_start3A_402 = tpu.memref_squeeze %dma_start3A_401 : memref<1x50x32xf32, #tpu.memory_space<vmem>> -> memref<50x32xf32, #tpu.memory_space<vmem>>
    %dma_start3A_403 = arith.constant 0 : i32
    %dma_start3A_404 = arith.constant 0 : i32
    %dma_start3A_405 = tpu.memref_slice %arg4[%add3A_396, %dma_start3A_403, %dma_start3A_404] : memref<16384x50x32xf32, #tpu.memory_space<hbm>> -> memref<1x50x32xf32, #tpu.memory_space<hbm>>
    %dma_start3A_406 = tpu.memref_squeeze %dma_start3A_405 : memref<1x50x32xf32, #tpu.memory_space<hbm>> -> memref<50x32xf32, #tpu.memory_space<hbm>>
    %dma_start3A_407 = tpu.memref_slice %arg8[%dma_start3A_398] : memref<8x!tpu.dma_semaphore, #tpu.memory_space<semaphore_mem>> -> memref<1x!tpu.dma_semaphore, #tpu.memory_space<semaphore_mem>>
    %dma_start3A_408 = tpu.memref_squeeze %dma_start3A_407 : memref<1x!tpu.dma_semaphore, #tpu.memory_space<semaphore_mem>> -> memref<!tpu.dma_semaphore, #tpu.memory_space<semaphore_mem>>
    %dma_start3A_409 = arith.constant 0 : i32
    %dma_start3A_410 = arith.constant 0 : i32
    %dma_start3A_411 = tpu.memref_slice %arg4[%add3A_396, %dma_start3A_409, %dma_start3A_410] : memref<16384x50x32xf32, #tpu.memory_space<hbm>> -> memref<1x50x32xf32, #tpu.memory_space<hbm>>
    %dma_start3A_412 = tpu.memref_squeeze %dma_start3A_411 : memref<1x50x32xf32, #tpu.memory_space<hbm>> -> memref<50x32xf32, #tpu.memory_space<hbm>>
    %dma_start3A_413 = arith.constant 0 : i32
    %dma_start3A_414 = arith.constant 0 : i32
    %dma_start3A_415 = tpu.memref_slice %arg6[%dma_start3A_397, %dma_start3A_413, %dma_start3A_414] : memref<8x50x32xf32, #tpu.memory_space<vmem>> -> memref<1x50x32xf32, #tpu.memory_space<vmem>>
    %dma_start3A_416 = tpu.memref_squeeze %dma_start3A_415 : memref<1x50x32xf32, #tpu.memory_space<vmem>> -> memref<50x32xf32, #tpu.memory_space<vmem>>
    tpu.enqueue_dma source(%dma_start3A_416 : memref<50x32xf32, #tpu.memory_space<vmem>>) target(%dma_start3A_412 : memref<50x32xf32, #tpu.memory_space<hbm>>) target_semaphore(%dma_start3A_408 : memref<!tpu.dma_semaphore, #tpu.memory_space<semaphore_mem>>)
    %add3A_417 = arith.constant 2 : i32
    %add3A_418 = arith.addi %mul3A_2, %add3A_417 : i32
    %dma_wait3A_419 = arith.constant 2 : i32
    %dma_wait3A_420 = arith.constant 2 : i32
    %dma_wait3A_421 = arith.constant 0 : i32
    %dma_wait3A_422 = arith.constant 0 : i32
    %dma_wait3A_423 = tpu.memref_slice %arg6[%dma_wait3A_419, %dma_wait3A_421, %dma_wait3A_422] : memref<8x50x32xf32, #tpu.memory_space<vmem>> -> memref<1x50x32xf32, #tpu.memory_space<vmem>>
    %dma_wait3A_424 = tpu.memref_squeeze %dma_wait3A_423 : memref<1x50x32xf32, #tpu.memory_space<vmem>> -> memref<50x32xf32, #tpu.memory_space<vmem>>
    %dma_wait3A_425 = arith.constant 0 : i32
    %dma_wait3A_426 = arith.constant 0 : i32
    %dma_wait3A_427 = tpu.memref_slice %arg4[%add3A_418, %dma_wait3A_425, %dma_wait3A_426] : memref<16384x50x32xf32, #tpu.memory_space<hbm>> -> memref<1x50x32xf32, #tpu.memory_space<hbm>>
    %dma_wait3A_428 = tpu.memref_squeeze %dma_wait3A_427 : memref<1x50x32xf32, #tpu.memory_space<hbm>> -> memref<50x32xf32, #tpu.memory_space<hbm>>
    %dma_wait3A_429 = tpu.memref_slice %arg8[%dma_wait3A_420] : memref<8x!tpu.dma_semaphore, #tpu.memory_space<semaphore_mem>> -> memref<1x!tpu.dma_semaphore, #tpu.memory_space<semaphore_mem>>
    %dma_wait3A_430 = tpu.memref_squeeze %dma_wait3A_429 : memref<1x!tpu.dma_semaphore, #tpu.memory_space<semaphore_mem>> -> memref<!tpu.dma_semaphore, #tpu.memory_space<semaphore_mem>>
    %dma_wait3A_431 = arith.constant 0 : i32
    %dma_wait3A_432 = arith.constant 0 : i32
    %dma_wait3A_433 = tpu.memref_slice %arg4[%add3A_418, %dma_wait3A_431, %dma_wait3A_432] : memref<16384x50x32xf32, #tpu.memory_space<hbm>> -> memref<1x50x32xf32, #tpu.memory_space<hbm>>
    %dma_wait3A_434 = tpu.memref_squeeze %dma_wait3A_433 : memref<1x50x32xf32, #tpu.memory_space<hbm>> -> memref<50x32xf32, #tpu.memory_space<hbm>>
    %dma_wait3A_435 = arith.constant 0 : i32
    %dma_wait3A_436 = arith.constant 0 : i32
    %dma_wait3A_437 = tpu.memref_slice %arg6[%dma_wait3A_419, %dma_wait3A_435, %dma_wait3A_436] : memref<8x50x32xf32, #tpu.memory_space<vmem>> -> memref<1x50x32xf32, #tpu.memory_space<vmem>>
    %dma_wait3A_438 = tpu.memref_squeeze %dma_wait3A_437 : memref<1x50x32xf32, #tpu.memory_space<vmem>> -> memref<50x32xf32, #tpu.memory_space<vmem>>
    tpu.wait_dma2 semaphore(%dma_wait3A_430 : memref<!tpu.dma_semaphore, #tpu.memory_space<semaphore_mem>>) src(%dma_wait3A_438 : memref<50x32xf32, #tpu.memory_space<vmem>>) dst(%dma_wait3A_434 : memref<50x32xf32, #tpu.memory_space<hbm>>)
    %dma_start3A_439 = arith.constant 10 : i32
    %dma_start3A_440 = arith.constant 2 : i32
    %dma_start3A_441 = arith.constant 2 : i32
    %dma_start3A_442 = arith.constant 0 : i32
    %dma_start3A_443 = arith.constant 0 : i32
    %dma_start3A_444 = tpu.memref_slice %arg6[%dma_start3A_440, %dma_start3A_442, %dma_start3A_443] : memref<8x50x32xf32, #tpu.memory_space<vmem>> -> memref<1x50x32xf32, #tpu.memory_space<vmem>>
    %dma_start3A_445 = tpu.memref_squeeze %dma_start3A_444 : memref<1x50x32xf32, #tpu.memory_space<vmem>> -> memref<50x32xf32, #tpu.memory_space<vmem>>
    %dma_start3A_446 = arith.constant 0 : i32
    %dma_start3A_447 = tpu.memref_slice %arg5[%dma_start3A_439, %dma_start3A_446] : memref<512x50xi32, #tpu.memory_space<vmem>> -> memref<1x50xi32, #tpu.memory_space<vmem>>
    %dma_start3A_448 = tpu.memref_squeeze %dma_start3A_447 : memref<1x50xi32, #tpu.memory_space<vmem>> -> memref<50xi32, #tpu.memory_space<vmem>>
    %dma_start3A_449 = arith.constant 0 : i32
    %dma_start3A_450 = arith.constant 0 : i32
    %dma_start3A_451 = tpu.memref_slice %arg3[%dma_start3A_449, %dma_start3A_450] : memref<1000000x32xf32, #tpu.memory_space<hbm>> -> memref<1000000x32xf32, #tpu.memory_space<hbm>>
    %dma_start3A_452 = tpu.memref_slice %arg7[%dma_start3A_441] : memref<8x!tpu.dma_semaphore, #tpu.memory_space<semaphore_mem>> -> memref<1x!tpu.dma_semaphore, #tpu.memory_space<semaphore_mem>>
    %dma_start3A_453 = tpu.memref_squeeze %dma_start3A_452 : memref<1x!tpu.dma_semaphore, #tpu.memory_space<semaphore_mem>> -> memref<!tpu.dma_semaphore, #tpu.memory_space<semaphore_mem>>
    tpu.enqueue_indirect_dma source(%dma_start3A_451 : memref<1000000x32xf32, #tpu.memory_space<hbm>>) target(%dma_start3A_445 : memref<50x32xf32, #tpu.memory_space<vmem>>) offsets(%dma_start3A_448 : memref<50xi32, #tpu.memory_space<vmem>>) semaphore(%dma_start3A_453 : memref<!tpu.dma_semaphore, #tpu.memory_space<semaphore_mem>>)
    %dma_wait3A_454 = arith.constant 6 : i32
    %dma_wait3A_455 = arith.constant 6 : i32
    %dma_wait3A_456 = arith.constant 6 : i32
    %dma_wait3A_457 = arith.constant 0 : i32
    %dma_wait3A_458 = arith.constant 0 : i32
    %dma_wait3A_459 = tpu.memref_slice %arg6[%dma_wait3A_455, %dma_wait3A_457, %dma_wait3A_458] : memref<8x50x32xf32, #tpu.memory_space<vmem>> -> memref<1x50x32xf32, #tpu.memory_space<vmem>>
    %dma_wait3A_460 = tpu.memref_squeeze %dma_wait3A_459 : memref<1x50x32xf32, #tpu.memory_space<vmem>> -> memref<50x32xf32, #tpu.memory_space<vmem>>
    %dma_wait3A_461 = arith.constant 0 : i32
    %dma_wait3A_462 = tpu.memref_slice %arg5[%dma_wait3A_454, %dma_wait3A_461] : memref<512x50xi32, #tpu.memory_space<vmem>> -> memref<1x50xi32, #tpu.memory_space<vmem>>
    %dma_wait3A_463 = tpu.memref_squeeze %dma_wait3A_462 : memref<1x50xi32, #tpu.memory_space<vmem>> -> memref<50xi32, #tpu.memory_space<vmem>>
    %dma_wait3A_464 = arith.constant 0 : i32
    %dma_wait3A_465 = arith.constant 0 : i32
    %dma_wait3A_466 = tpu.memref_slice %arg3[%dma_wait3A_464, %dma_wait3A_465] : memref<1000000x32xf32, #tpu.memory_space<hbm>> -> memref<1000000x32xf32, #tpu.memory_space<hbm>>
    %dma_wait3A_467 = tpu.memref_slice %arg7[%dma_wait3A_456] : memref<8x!tpu.dma_semaphore, #tpu.memory_space<semaphore_mem>> -> memref<1x!tpu.dma_semaphore, #tpu.memory_space<semaphore_mem>>
    %dma_wait3A_468 = tpu.memref_squeeze %dma_wait3A_467 : memref<1x!tpu.dma_semaphore, #tpu.memory_space<semaphore_mem>> -> memref<!tpu.dma_semaphore, #tpu.memory_space<semaphore_mem>>
    tpu.wait_indirect_dma semaphore(%dma_wait3A_468 : memref<!tpu.dma_semaphore, #tpu.memory_space<semaphore_mem>>) src(%dma_wait3A_466 : memref<1000000x32xf32, #tpu.memory_space<hbm>>) dst(%dma_wait3A_460 : memref<50x32xf32, #tpu.memory_space<vmem>>)
    %add3A_469 = arith.constant 6 : i32
    %add3A_470 = arith.addi %mul3A_2, %add3A_469 : i32
    %dma_start3A_471 = arith.constant 6 : i32
    %dma_start3A_472 = arith.constant 6 : i32
    %dma_start3A_473 = arith.constant 0 : i32
    %dma_start3A_474 = arith.constant 0 : i32
    %dma_start3A_475 = tpu.memref_slice %arg6[%dma_start3A_471, %dma_start3A_473, %dma_start3A_474] : memref<8x50x32xf32, #tpu.memory_space<vmem>> -> memref<1x50x32xf32, #tpu.memory_space<vmem>>
    %dma_start3A_476 = tpu.memref_squeeze %dma_start3A_475 : memref<1x50x32xf32, #tpu.memory_space<vmem>> -> memref<50x32xf32, #tpu.memory_space<vmem>>
    %dma_start3A_477 = arith.constant 0 : i32
    %dma_start3A_478 = arith.constant 0 : i32
    %dma_start3A_479 = tpu.memref_slice %arg4[%add3A_470, %dma_start3A_477, %dma_start3A_478] : memref<16384x50x32xf32, #tpu.memory_space<hbm>> -> memref<1x50x32xf32, #tpu.memory_space<hbm>>
    %dma_start3A_480 = tpu.memref_squeeze %dma_start3A_479 : memref<1x50x32xf32, #tpu.memory_space<hbm>> -> memref<50x32xf32, #tpu.memory_space<hbm>>
    %dma_start3A_481 = tpu.memref_slice %arg8[%dma_start3A_472] : memref<8x!tpu.dma_semaphore, #tpu.memory_space<semaphore_mem>> -> memref<1x!tpu.dma_semaphore, #tpu.memory_space<semaphore_mem>>
    %dma_start3A_482 = tpu.memref_squeeze %dma_start3A_481 : memref<1x!tpu.dma_semaphore, #tpu.memory_space<semaphore_mem>> -> memref<!tpu.dma_semaphore, #tpu.memory_space<semaphore_mem>>
    %dma_start3A_483 = arith.constant 0 : i32
    %dma_start3A_484 = arith.constant 0 : i32
    %dma_start3A_485 = tpu.memref_slice %arg4[%add3A_470, %dma_start3A_483, %dma_start3A_484] : memref<16384x50x32xf32, #tpu.memory_space<hbm>> -> memref<1x50x32xf32, #tpu.memory_space<hbm>>
    %dma_start3A_486 = tpu.memref_squeeze %dma_start3A_485 : memref<1x50x32xf32, #tpu.memory_space<hbm>> -> memref<50x32xf32, #tpu.memory_space<hbm>>
    %dma_start3A_487 = arith.constant 0 : i32
    %dma_start3A_488 = arith.constant 0 : i32
    %dma_start3A_489 = tpu.memref_slice %arg6[%dma_start3A_471, %dma_start3A_487, %dma_start3A_488] : memref<8x50x32xf32, #tpu.memory_space<vmem>> -> memref<1x50x32xf32, #tpu.memory_space<vmem>>
    %dma_start3A_490 = tpu.memref_squeeze %dma_start3A_489 : memref<1x50x32xf32, #tpu.memory_space<vmem>> -> memref<50x32xf32, #tpu.memory_space<vmem>>
    tpu.enqueue_dma source(%dma_start3A_490 : memref<50x32xf32, #tpu.memory_space<vmem>>) target(%dma_start3A_486 : memref<50x32xf32, #tpu.memory_space<hbm>>) target_semaphore(%dma_start3A_482 : memref<!tpu.dma_semaphore, #tpu.memory_space<semaphore_mem>>)
    %add3A_491 = arith.constant 3 : i32
    %add3A_492 = arith.addi %mul3A_2, %add3A_491 : i32
    %dma_wait3A_493 = arith.constant 3 : i32
    %dma_wait3A_494 = arith.constant 3 : i32
    %dma_wait3A_495 = arith.constant 0 : i32
    %dma_wait3A_496 = arith.constant 0 : i32
    %dma_wait3A_497 = tpu.memref_slice %arg6[%dma_wait3A_493, %dma_wait3A_495, %dma_wait3A_496] : memref<8x50x32xf32, #tpu.memory_space<vmem>> -> memref<1x50x32xf32, #tpu.memory_space<vmem>>
    %dma_wait3A_498 = tpu.memref_squeeze %dma_wait3A_497 : memref<1x50x32xf32, #tpu.memory_space<vmem>> -> memref<50x32xf32, #tpu.memory_space<vmem>>
    %dma_wait3A_499 = arith.constant 0 : i32
    %dma_wait3A_500 = arith.constant 0 : i32
    %dma_wait3A_501 = tpu.memref_slice %arg4[%add3A_492, %dma_wait3A_499, %dma_wait3A_500] : memref<16384x50x32xf32, #tpu.memory_space<hbm>> -> memref<1x50x32xf32, #tpu.memory_space<hbm>>
    %dma_wait3A_502 = tpu.memref_squeeze %dma_wait3A_501 : memref<1x50x32xf32, #tpu.memory_space<hbm>> -> memref<50x32xf32, #tpu.memory_space<hbm>>
    %dma_wait3A_503 = tpu.memref_slice %arg8[%dma_wait3A_494] : memref<8x!tpu.dma_semaphore, #tpu.memory_space<semaphore_mem>> -> memref<1x!tpu.dma_semaphore, #tpu.memory_space<semaphore_mem>>
    %dma_wait3A_504 = tpu.memref_squeeze %dma_wait3A_503 : memref<1x!tpu.dma_semaphore, #tpu.memory_space<semaphore_mem>> -> memref<!tpu.dma_semaphore, #tpu.memory_space<semaphore_mem>>
    %dma_wait3A_505 = arith.constant 0 : i32
    %dma_wait3A_506 = arith.constant 0 : i32
    %dma_wait3A_507 = tpu.memref_slice %arg4[%add3A_492, %dma_wait3A_505, %dma_wait3A_506] : memref<16384x50x32xf32, #tpu.memory_space<hbm>> -> memref<1x50x32xf32, #tpu.memory_space<hbm>>
    %dma_wait3A_508 = tpu.memref_squeeze %dma_wait3A_507 : memref<1x50x32xf32, #tpu.memory_space<hbm>> -> memref<50x32xf32, #tpu.memory_space<hbm>>
    %dma_wait3A_509 = arith.constant 0 : i32
    %dma_wait3A_510 = arith.constant 0 : i32
    %dma_wait3A_511 = tpu.memref_slice %arg6[%dma_wait3A_493, %dma_wait3A_509, %dma_wait3A_510] : memref<8x50x32xf32, #tpu.memory_space<vmem>> -> memref<1x50x32xf32, #tpu.memory_space<vmem>>
    %dma_wait3A_512 = tpu.memref_squeeze %dma_wait3A_511 : memref<1x50x32xf32, #tpu.memory_space<vmem>> -> memref<50x32xf32, #tpu.memory_space<vmem>>
    tpu.wait_dma2 semaphore(%dma_wait3A_504 : memref<!tpu.dma_semaphore, #tpu.memory_space<semaphore_mem>>) src(%dma_wait3A_512 : memref<50x32xf32, #tpu.memory_space<vmem>>) dst(%dma_wait3A_508 : memref<50x32xf32, #tpu.memory_space<hbm>>)
    %dma_start3A_513 = arith.constant 11 : i32
    %dma_start3A_514 = arith.constant 3 : i32
    %dma_start3A_515 = arith.constant 3 : i32
    %dma_start3A_516 = arith.constant 0 : i32
    %dma_start3A_517 = arith.constant 0 : i32
    %dma_start3A_518 = tpu.memref_slice %arg6[%dma_start3A_514, %dma_start3A_516, %dma_start3A_517] : memref<8x50x32xf32, #tpu.memory_space<vmem>> -> memref<1x50x32xf32, #tpu.memory_space<vmem>>
    %dma_start3A_519 = tpu.memref_squeeze %dma_start3A_518 : memref<1x50x32xf32, #tpu.memory_space<vmem>> -> memref<50x32xf32, #tpu.memory_space<vmem>>
    %dma_start3A_520 = arith.constant 0 : i32
    %dma_start3A_521 = tpu.memref_slice %arg5[%dma_start3A_513, %dma_start3A_520] : memref<512x50xi32, #tpu.memory_space<vmem>> -> memref<1x50xi32, #tpu.memory_space<vmem>>
    %dma_start3A_522 = tpu.memref_squeeze %dma_start3A_521 : memref<1x50xi32, #tpu.memory_space<vmem>> -> memref<50xi32, #tpu.memory_space<vmem>>
    %dma_start3A_523 = arith.constant 0 : i32
    %dma_start3A_524 = arith.constant 0 : i32
    %dma_start3A_525 = tpu.memref_slice %arg3[%dma_start3A_523, %dma_start3A_524] : memref<1000000x32xf32, #tpu.memory_space<hbm>> -> memref<1000000x32xf32, #tpu.memory_space<hbm>>
    %dma_start3A_526 = tpu.memref_slice %arg7[%dma_start3A_515] : memref<8x!tpu.dma_semaphore, #tpu.memory_space<semaphore_mem>> -> memref<1x!tpu.dma_semaphore, #tpu.memory_space<semaphore_mem>>
    %dma_start3A_527 = tpu.memref_squeeze %dma_start3A_526 : memref<1x!tpu.dma_semaphore, #tpu.memory_space<semaphore_mem>> -> memref<!tpu.dma_semaphore, #tpu.memory_space<semaphore_mem>>
    tpu.enqueue_indirect_dma source(%dma_start3A_525 : memref<1000000x32xf32, #tpu.memory_space<hbm>>) target(%dma_start3A_519 : memref<50x32xf32, #tpu.memory_space<vmem>>) offsets(%dma_start3A_522 : memref<50xi32, #tpu.memory_space<vmem>>) semaphore(%dma_start3A_527 : memref<!tpu.dma_semaphore, #tpu.memory_space<semaphore_mem>>)
    %dma_wait3A_528 = arith.constant 7 : i32
    %dma_wait3A_529 = arith.constant 7 : i32
    %dma_wait3A_530 = arith.constant 7 : i32
    %dma_wait3A_531 = arith.constant 0 : i32
    %dma_wait3A_532 = arith.constant 0 : i32
    %dma_wait3A_533 = tpu.memref_slice %arg6[%dma_wait3A_529, %dma_wait3A_531, %dma_wait3A_532] : memref<8x50x32xf32, #tpu.memory_space<vmem>> -> memref<1x50x32xf32, #tpu.memory_space<vmem>>
    %dma_wait3A_534 = tpu.memref_squeeze %dma_wait3A_533 : memref<1x50x32xf32, #tpu.memory_space<vmem>> -> memref<50x32xf32, #tpu.memory_space<vmem>>
    %dma_wait3A_535 = arith.constant 0 : i32
    %dma_wait3A_536 = tpu.memref_slice %arg5[%dma_wait3A_528, %dma_wait3A_535] : memref<512x50xi32, #tpu.memory_space<vmem>> -> memref<1x50xi32, #tpu.memory_space<vmem>>
    %dma_wait3A_537 = tpu.memref_squeeze %dma_wait3A_536 : memref<1x50xi32, #tpu.memory_space<vmem>> -> memref<50xi32, #tpu.memory_space<vmem>>
    %dma_wait3A_538 = arith.constant 0 : i32
    %dma_wait3A_539 = arith.constant 0 : i32
    %dma_wait3A_540 = tpu.memref_slice %arg3[%dma_wait3A_538, %dma_wait3A_539] : memref<1000000x32xf32, #tpu.memory_space<hbm>> -> memref<1000000x32xf32, #tpu.memory_space<hbm>>
    %dma_wait3A_541 = tpu.memref_slice %arg7[%dma_wait3A_530] : memref<8x!tpu.dma_semaphore, #tpu.memory_space<semaphore_mem>> -> memref<1x!tpu.dma_semaphore, #tpu.memory_space<semaphore_mem>>
    %dma_wait3A_542 = tpu.memref_squeeze %dma_wait3A_541 : memref<1x!tpu.dma_semaphore, #tpu.memory_space<semaphore_mem>> -> memref<!tpu.dma_semaphore, #tpu.memory_space<semaphore_mem>>
    tpu.wait_indirect_dma semaphore(%dma_wait3A_542 : memref<!tpu.dma_semaphore, #tpu.memory_space<semaphore_mem>>) src(%dma_wait3A_540 : memref<1000000x32xf32, #tpu.memory_space<hbm>>) dst(%dma_wait3A_534 : memref<50x32xf32, #tpu.memory_space<vmem>>)
    %add3A_543 = arith.constant 7 : i32
    %add3A_544 = arith.addi %mul3A_2, %add3A_543 : i32
    %dma_start3A_545 = arith.constant 7 : i32
    %dma_start3A_546 = arith.constant 7 : i32
    %dma_start3A_547 = arith.constant 0 : i32
    %dma_start3A_548 = arith.constant 0 : i32
    %dma_start3A_549 = tpu.memref_slice %arg6[%dma_start3A_545, %dma_start3A_547, %dma_start3A_548] : memref<8x50x32xf32, #tpu.memory_space<vmem>> -> memref<1x50x32xf32, #tpu.memory_space<vmem>>
    %dma_start3A_550 = tpu.memref_squeeze %dma_start3A_549 : memref<1x50x32xf32, #tpu.memory_space<vmem>> -> memref<50x32xf32, #tpu.memory_space<vmem>>
    %dma_start3A_551 = arith.constant 0 : i32
    %dma_start3A_552 = arith.constant 0 : i32
    %dma_start3A_553 = tpu.memref_slice %arg4[%add3A_544, %dma_start3A_551, %dma_start3A_552] : memref<16384x50x32xf32, #tpu.memory_space<hbm>> -> memref<1x50x32xf32, #tpu.memory_space<hbm>>
    %dma_start3A_554 = tpu.memref_squeeze %dma_start3A_553 : memref<1x50x32xf32, #tpu.memory_space<hbm>> -> memref<50x32xf32, #tpu.memory_space<hbm>>
    %dma_start3A_555 = tpu.memref_slice %arg8[%dma_start3A_546] : memref<8x!tpu.dma_semaphore, #tpu.memory_space<semaphore_mem>> -> memref<1x!tpu.dma_semaphore, #tpu.memory_space<semaphore_mem>>
    %dma_start3A_556 = tpu.memref_squeeze %dma_start3A_555 : memref<1x!tpu.dma_semaphore, #tpu.memory_space<semaphore_mem>> -> memref<!tpu.dma_semaphore, #tpu.memory_space<semaphore_mem>>
    %dma_start3A_557 = arith.constant 0 : i32
    %dma_start3A_558 = arith.constant 0 : i32
    %dma_start3A_559 = tpu.memref_slice %arg4[%add3A_544, %dma_start3A_557, %dma_start3A_558] : memref<16384x50x32xf32, #tpu.memory_space<hbm>> -> memref<1x50x32xf32, #tpu.memory_space<hbm>>
    %dma_start3A_560 = tpu.memref_squeeze %dma_start3A_559 : memref<1x50x32xf32, #tpu.memory_space<hbm>> -> memref<50x32xf32, #tpu.memory_space<hbm>>
    %dma_start3A_561 = arith.constant 0 : i32
    %dma_start3A_562 = arith.constant 0 : i32
    %dma_start3A_563 = tpu.memref_slice %arg6[%dma_start3A_545, %dma_start3A_561, %dma_start3A_562] : memref<8x50x32xf32, #tpu.memory_space<vmem>> -> memref<1x50x32xf32, #tpu.memory_space<vmem>>
    %dma_start3A_564 = tpu.memref_squeeze %dma_start3A_563 : memref<1x50x32xf32, #tpu.memory_space<vmem>> -> memref<50x32xf32, #tpu.memory_space<vmem>>
    tpu.enqueue_dma source(%dma_start3A_564 : memref<50x32xf32, #tpu.memory_space<vmem>>) target(%dma_start3A_560 : memref<50x32xf32, #tpu.memory_space<hbm>>) target_semaphore(%dma_start3A_556 : memref<!tpu.dma_semaphore, #tpu.memory_space<semaphore_mem>>)
    %scan3A = arith.constant 0 : i32
    %scan3A_565 = arith.constant 1 : i32
    %scan3A_566 = arith.constant 62 : i32
    %scan3A_567 = arith.addi %scan3A_565, %scan3A_566 : i32
    %scan3A_568 = arith.constant 1 : i32
    scf.for %scan3A_1190 = %scan3A_565 to %scan3A_567 step %scan3A_568  : i32 {
      %mul3A_1191 = arith.constant 8 : i32
      %mul3A_1192 = arith.muli %scan3A_1190, %mul3A_1191 : i32
      %add3A_1193 = arith.constant 0 : i32
      %add3A_1194 = arith.addi %mul3A_1192, %add3A_1193 : i32
      %add3A_1195 = arith.constant 4 : i32
      %add3A_1196 = arith.addi %add3A_1194, %add3A_1195 : i32
      %sub3A = arith.constant 8 : i32
      %sub3A_1197 = arith.subi %add3A_1196, %sub3A : i32
      %add3A_1198 = arith.addi %mul3A_2, %sub3A_1197 : i32
      %dma_wait3A_1199 = arith.constant 4 : i32
      %dma_wait3A_1200 = arith.constant 4 : i32
      %dma_wait3A_1201 = arith.constant 0 : i32
      %dma_wait3A_1202 = arith.constant 0 : i32
      %dma_wait3A_1203 = tpu.memref_slice %arg6[%dma_wait3A_1199, %dma_wait3A_1201, %dma_wait3A_1202] : memref<8x50x32xf32, #tpu.memory_space<vmem>> -> memref<1x50x32xf32, #tpu.memory_space<vmem>>
      %dma_wait3A_1204 = tpu.memref_squeeze %dma_wait3A_1203 : memref<1x50x32xf32, #tpu.memory_space<vmem>> -> memref<50x32xf32, #tpu.memory_space<vmem>>
      %dma_wait3A_1205 = arith.constant 0 : i32
      %dma_wait3A_1206 = arith.constant 0 : i32
      %dma_wait3A_1207 = tpu.memref_slice %arg4[%add3A_1198, %dma_wait3A_1205, %dma_wait3A_1206] : memref<16384x50x32xf32, #tpu.memory_space<hbm>> -> memref<1x50x32xf32, #tpu.memory_space<hbm>>
      %dma_wait3A_1208 = tpu.memref_squeeze %dma_wait3A_1207 : memref<1x50x32xf32, #tpu.memory_space<hbm>> -> memref<50x32xf32, #tpu.memory_space<hbm>>
      %dma_wait3A_1209 = tpu.memref_slice %arg8[%dma_wait3A_1200] : memref<8x!tpu.dma_semaphore, #tpu.memory_space<semaphore_mem>> -> memref<1x!tpu.dma_semaphore, #tpu.memory_space<semaphore_mem>>
      %dma_wait3A_1210 = tpu.memref_squeeze %dma_wait3A_1209 : memref<1x!tpu.dma_semaphore, #tpu.memory_space<semaphore_mem>> -> memref<!tpu.dma_semaphore, #tpu.memory_space<semaphore_mem>>
      %dma_wait3A_1211 = arith.constant 0 : i32
      %dma_wait3A_1212 = arith.constant 0 : i32
      %dma_wait3A_1213 = tpu.memref_slice %arg4[%add3A_1198, %dma_wait3A_1211, %dma_wait3A_1212] : memref<16384x50x32xf32, #tpu.memory_space<hbm>> -> memref<1x50x32xf32, #tpu.memory_space<hbm>>
      %dma_wait3A_1214 = tpu.memref_squeeze %dma_wait3A_1213 : memref<1x50x32xf32, #tpu.memory_space<hbm>> -> memref<50x32xf32, #tpu.memory_space<hbm>>
      %dma_wait3A_1215 = arith.constant 0 : i32
      %dma_wait3A_1216 = arith.constant 0 : i32
      %dma_wait3A_1217 = tpu.memref_slice %arg6[%dma_wait3A_1199, %dma_wait3A_1215, %dma_wait3A_1216] : memref<8x50x32xf32, #tpu.memory_space<vmem>> -> memref<1x50x32xf32, #tpu.memory_space<vmem>>
      %dma_wait3A_1218 = tpu.memref_squeeze %dma_wait3A_1217 : memref<1x50x32xf32, #tpu.memory_space<vmem>> -> memref<50x32xf32, #tpu.memory_space<vmem>>
      tpu.wait_dma2 semaphore(%dma_wait3A_1210 : memref<!tpu.dma_semaphore, #tpu.memory_space<semaphore_mem>>) src(%dma_wait3A_1218 : memref<50x32xf32, #tpu.memory_space<vmem>>) dst(%dma_wait3A_1214 : memref<50x32xf32, #tpu.memory_space<hbm>>)
      %dma_start3A_1219 = arith.constant 4 : i32
      %dma_start3A_1220 = arith.constant 4 : i32
      %dma_start3A_1221 = arith.constant 0 : i32
      %dma_start3A_1222 = arith.constant 0 : i32
      %dma_start3A_1223 = tpu.memref_slice %arg6[%dma_start3A_1219, %dma_start3A_1221, %dma_start3A_1222] : memref<8x50x32xf32, #tpu.memory_space<vmem>> -> memref<1x50x32xf32, #tpu.memory_space<vmem>>
      %dma_start3A_1224 = tpu.memref_squeeze %dma_start3A_1223 : memref<1x50x32xf32, #tpu.memory_space<vmem>> -> memref<50x32xf32, #tpu.memory_space<vmem>>
      %dma_start3A_1225 = arith.constant 0 : i32
      %dma_start3A_1226 = tpu.memref_slice %arg5[%add3A_1196, %dma_start3A_1225] : memref<512x50xi32, #tpu.memory_space<vmem>> -> memref<1x50xi32, #tpu.memory_space<vmem>>
      %dma_start3A_1227 = tpu.memref_squeeze %dma_start3A_1226 : memref<1x50xi32, #tpu.memory_space<vmem>> -> memref<50xi32, #tpu.memory_space<vmem>>
      %dma_start3A_1228 = arith.constant 0 : i32
      %dma_start3A_1229 = arith.constant 0 : i32
      %dma_start3A_1230 = tpu.memref_slice %arg3[%dma_start3A_1228, %dma_start3A_1229] : memref<1000000x32xf32, #tpu.memory_space<hbm>> -> memref<1000000x32xf32, #tpu.memory_space<hbm>>
      %dma_start3A_1231 = tpu.memref_slice %arg7[%dma_start3A_1220] : memref<8x!tpu.dma_semaphore, #tpu.memory_space<semaphore_mem>> -> memref<1x!tpu.dma_semaphore, #tpu.memory_space<semaphore_mem>>
      %dma_start3A_1232 = tpu.memref_squeeze %dma_start3A_1231 : memref<1x!tpu.dma_semaphore, #tpu.memory_space<semaphore_mem>> -> memref<!tpu.dma_semaphore, #tpu.memory_space<semaphore_mem>>
      tpu.enqueue_indirect_dma source(%dma_start3A_1230 : memref<1000000x32xf32, #tpu.memory_space<hbm>>) target(%dma_start3A_1224 : memref<50x32xf32, #tpu.memory_space<vmem>>) offsets(%dma_start3A_1227 : memref<50xi32, #tpu.memory_space<vmem>>) semaphore(%dma_start3A_1232 : memref<!tpu.dma_semaphore, #tpu.memory_space<semaphore_mem>>)
      %dma_wait3A_1233 = arith.constant 0 : i32
      %dma_wait3A_1234 = arith.constant 0 : i32
      %dma_wait3A_1235 = arith.constant 0 : i32
      %dma_wait3A_1236 = arith.constant 0 : i32
      %dma_wait3A_1237 = tpu.memref_slice %arg6[%dma_wait3A_1233, %dma_wait3A_1235, %dma_wait3A_1236] : memref<8x50x32xf32, #tpu.memory_space<vmem>> -> memref<1x50x32xf32, #tpu.memory_space<vmem>>
      %dma_wait3A_1238 = tpu.memref_squeeze %dma_wait3A_1237 : memref<1x50x32xf32, #tpu.memory_space<vmem>> -> memref<50x32xf32, #tpu.memory_space<vmem>>
      %dma_wait3A_1239 = arith.constant 0 : i32
      %dma_wait3A_1240 = tpu.memref_slice %arg5[%add3A_1194, %dma_wait3A_1239] : memref<512x50xi32, #tpu.memory_space<vmem>> -> memref<1x50xi32, #tpu.memory_space<vmem>>
      %dma_wait3A_1241 = tpu.memref_squeeze %dma_wait3A_1240 : memref<1x50xi32, #tpu.memory_space<vmem>> -> memref<50xi32, #tpu.memory_space<vmem>>
      %dma_wait3A_1242 = arith.constant 0 : i32
      %dma_wait3A_1243 = arith.constant 0 : i32
      %dma_wait3A_1244 = tpu.memref_slice %arg3[%dma_wait3A_1242, %dma_wait3A_1243] : memref<1000000x32xf32, #tpu.memory_space<hbm>> -> memref<1000000x32xf32, #tpu.memory_space<hbm>>
      %dma_wait3A_1245 = tpu.memref_slice %arg7[%dma_wait3A_1234] : memref<8x!tpu.dma_semaphore, #tpu.memory_space<semaphore_mem>> -> memref<1x!tpu.dma_semaphore, #tpu.memory_space<semaphore_mem>>
      %dma_wait3A_1246 = tpu.memref_squeeze %dma_wait3A_1245 : memref<1x!tpu.dma_semaphore, #tpu.memory_space<semaphore_mem>> -> memref<!tpu.dma_semaphore, #tpu.memory_space<semaphore_mem>>
      tpu.wait_indirect_dma semaphore(%dma_wait3A_1246 : memref<!tpu.dma_semaphore, #tpu.memory_space<semaphore_mem>>) src(%dma_wait3A_1244 : memref<1000000x32xf32, #tpu.memory_space<hbm>>) dst(%dma_wait3A_1238 : memref<50x32xf32, #tpu.memory_space<vmem>>)
      %add3A_1247 = arith.addi %mul3A_2, %add3A_1194 : i32
      %dma_start3A_1248 = arith.constant 0 : i32
      %dma_start3A_1249 = arith.constant 0 : i32
      %dma_start3A_1250 = arith.constant 0 : i32
      %dma_start3A_1251 = arith.constant 0 : i32
      %dma_start3A_1252 = tpu.memref_slice %arg6[%dma_start3A_1248, %dma_start3A_1250, %dma_start3A_1251] : memref<8x50x32xf32, #tpu.memory_space<vmem>> -> memref<1x50x32xf32, #tpu.memory_space<vmem>>
      %dma_start3A_1253 = tpu.memref_squeeze %dma_start3A_1252 : memref<1x50x32xf32, #tpu.memory_space<vmem>> -> memref<50x32xf32, #tpu.memory_space<vmem>>
      %dma_start3A_1254 = arith.constant 0 : i32
      %dma_start3A_1255 = arith.constant 0 : i32
      %dma_start3A_1256 = tpu.memref_slice %arg4[%add3A_1247, %dma_start3A_1254, %dma_start3A_1255] : memref<16384x50x32xf32, #tpu.memory_space<hbm>> -> memref<1x50x32xf32, #tpu.memory_space<hbm>>
      %dma_start3A_1257 = tpu.memref_squeeze %dma_start3A_1256 : memref<1x50x32xf32, #tpu.memory_space<hbm>> -> memref<50x32xf32, #tpu.memory_space<hbm>>
      %dma_start3A_1258 = tpu.memref_slice %arg8[%dma_start3A_1249] : memref<8x!tpu.dma_semaphore, #tpu.memory_space<semaphore_mem>> -> memref<1x!tpu.dma_semaphore, #tpu.memory_space<semaphore_mem>>
      %dma_start3A_1259 = tpu.memref_squeeze %dma_start3A_1258 : memref<1x!tpu.dma_semaphore, #tpu.memory_space<semaphore_mem>> -> memref<!tpu.dma_semaphore, #tpu.memory_space<semaphore_mem>>
      %dma_start3A_1260 = arith.constant 0 : i32
      %dma_start3A_1261 = arith.constant 0 : i32
      %dma_start3A_1262 = tpu.memref_slice %arg4[%add3A_1247, %dma_start3A_1260, %dma_start3A_1261] : memref<16384x50x32xf32, #tpu.memory_space<hbm>> -> memref<1x50x32xf32, #tpu.memory_space<hbm>>
      %dma_start3A_1263 = tpu.memref_squeeze %dma_start3A_1262 : memref<1x50x32xf32, #tpu.memory_space<hbm>> -> memref<50x32xf32, #tpu.memory_space<hbm>>
      %dma_start3A_1264 = arith.constant 0 : i32
      %dma_start3A_1265 = arith.constant 0 : i32
      %dma_start3A_1266 = tpu.memref_slice %arg6[%dma_start3A_1248, %dma_start3A_1264, %dma_start3A_1265] : memref<8x50x32xf32, #tpu.memory_space<vmem>> -> memref<1x50x32xf32, #tpu.memory_space<vmem>>
      %dma_start3A_1267 = tpu.memref_squeeze %dma_start3A_1266 : memref<1x50x32xf32, #tpu.memory_space<vmem>> -> memref<50x32xf32, #tpu.memory_space<vmem>>
      tpu.enqueue_dma source(%dma_start3A_1267 : memref<50x32xf32, #tpu.memory_space<vmem>>) target(%dma_start3A_1263 : memref<50x32xf32, #tpu.memory_space<hbm>>) target_semaphore(%dma_start3A_1259 : memref<!tpu.dma_semaphore, #tpu.memory_space<semaphore_mem>>)
      %mul3A_1268 = arith.constant 8 : i32
      %mul3A_1269 = arith.muli %scan3A_1190, %mul3A_1268 : i32
      %add3A_1270 = arith.constant 1 : i32
      %add3A_1271 = arith.addi %mul3A_1269, %add3A_1270 : i32
      %add3A_1272 = arith.constant 4 : i32
      %add3A_1273 = arith.addi %add3A_1271, %add3A_1272 : i32
      %sub3A_1274 = arith.constant 8 : i32
      %sub3A_1275 = arith.subi %add3A_1273, %sub3A_1274 : i32
      %add3A_1276 = arith.addi %mul3A_2, %sub3A_1275 : i32
      %dma_wait3A_1277 = arith.constant 5 : i32
      %dma_wait3A_1278 = arith.constant 5 : i32
      %dma_wait3A_1279 = arith.constant 0 : i32
      %dma_wait3A_1280 = arith.constant 0 : i32
      %dma_wait3A_1281 = tpu.memref_slice %arg6[%dma_wait3A_1277, %dma_wait3A_1279, %dma_wait3A_1280] : memref<8x50x32xf32, #tpu.memory_space<vmem>> -> memref<1x50x32xf32, #tpu.memory_space<vmem>>
      %dma_wait3A_1282 = tpu.memref_squeeze %dma_wait3A_1281 : memref<1x50x32xf32, #tpu.memory_space<vmem>> -> memref<50x32xf32, #tpu.memory_space<vmem>>
      %dma_wait3A_1283 = arith.constant 0 : i32
      %dma_wait3A_1284 = arith.constant 0 : i32
      %dma_wait3A_1285 = tpu.memref_slice %arg4[%add3A_1276, %dma_wait3A_1283, %dma_wait3A_1284] : memref<16384x50x32xf32, #tpu.memory_space<hbm>> -> memref<1x50x32xf32, #tpu.memory_space<hbm>>
      %dma_wait3A_1286 = tpu.memref_squeeze %dma_wait3A_1285 : memref<1x50x32xf32, #tpu.memory_space<hbm>> -> memref<50x32xf32, #tpu.memory_space<hbm>>
      %dma_wait3A_1287 = tpu.memref_slice %arg8[%dma_wait3A_1278] : memref<8x!tpu.dma_semaphore, #tpu.memory_space<semaphore_mem>> -> memref<1x!tpu.dma_semaphore, #tpu.memory_space<semaphore_mem>>
      %dma_wait3A_1288 = tpu.memref_squeeze %dma_wait3A_1287 : memref<1x!tpu.dma_semaphore, #tpu.memory_space<semaphore_mem>> -> memref<!tpu.dma_semaphore, #tpu.memory_space<semaphore_mem>>
      %dma_wait3A_1289 = arith.constant 0 : i32
      %dma_wait3A_1290 = arith.constant 0 : i32
      %dma_wait3A_1291 = tpu.memref_slice %arg4[%add3A_1276, %dma_wait3A_1289, %dma_wait3A_1290] : memref<16384x50x32xf32, #tpu.memory_space<hbm>> -> memref<1x50x32xf32, #tpu.memory_space<hbm>>
      %dma_wait3A_1292 = tpu.memref_squeeze %dma_wait3A_1291 : memref<1x50x32xf32, #tpu.memory_space<hbm>> -> memref<50x32xf32, #tpu.memory_space<hbm>>
      %dma_wait3A_1293 = arith.constant 0 : i32
      %dma_wait3A_1294 = arith.constant 0 : i32
      %dma_wait3A_1295 = tpu.memref_slice %arg6[%dma_wait3A_1277, %dma_wait3A_1293, %dma_wait3A_1294] : memref<8x50x32xf32, #tpu.memory_space<vmem>> -> memref<1x50x32xf32, #tpu.memory_space<vmem>>
      %dma_wait3A_1296 = tpu.memref_squeeze %dma_wait3A_1295 : memref<1x50x32xf32, #tpu.memory_space<vmem>> -> memref<50x32xf32, #tpu.memory_space<vmem>>
      tpu.wait_dma2 semaphore(%dma_wait3A_1288 : memref<!tpu.dma_semaphore, #tpu.memory_space<semaphore_mem>>) src(%dma_wait3A_1296 : memref<50x32xf32, #tpu.memory_space<vmem>>) dst(%dma_wait3A_1292 : memref<50x32xf32, #tpu.memory_space<hbm>>)
      %dma_start3A_1297 = arith.constant 5 : i32
      %dma_start3A_1298 = arith.constant 5 : i32
      %dma_start3A_1299 = arith.constant 0 : i32
      %dma_start3A_1300 = arith.constant 0 : i32
      %dma_start3A_1301 = tpu.memref_slice %arg6[%dma_start3A_1297, %dma_start3A_1299, %dma_start3A_1300] : memref<8x50x32xf32, #tpu.memory_space<vmem>> -> memref<1x50x32xf32, #tpu.memory_space<vmem>>
      %dma_start3A_1302 = tpu.memref_squeeze %dma_start3A_1301 : memref<1x50x32xf32, #tpu.memory_space<vmem>> -> memref<50x32xf32, #tpu.memory_space<vmem>>
      %dma_start3A_1303 = arith.constant 0 : i32
      %dma_start3A_1304 = tpu.memref_slice %arg5[%add3A_1273, %dma_start3A_1303] : memref<512x50xi32, #tpu.memory_space<vmem>> -> memref<1x50xi32, #tpu.memory_space<vmem>>
      %dma_start3A_1305 = tpu.memref_squeeze %dma_start3A_1304 : memref<1x50xi32, #tpu.memory_space<vmem>> -> memref<50xi32, #tpu.memory_space<vmem>>
      %dma_start3A_1306 = arith.constant 0 : i32
      %dma_start3A_1307 = arith.constant 0 : i32
      %dma_start3A_1308 = tpu.memref_slice %arg3[%dma_start3A_1306, %dma_start3A_1307] : memref<1000000x32xf32, #tpu.memory_space<hbm>> -> memref<1000000x32xf32, #tpu.memory_space<hbm>>
      %dma_start3A_1309 = tpu.memref_slice %arg7[%dma_start3A_1298] : memref<8x!tpu.dma_semaphore, #tpu.memory_space<semaphore_mem>> -> memref<1x!tpu.dma_semaphore, #tpu.memory_space<semaphore_mem>>
      %dma_start3A_1310 = tpu.memref_squeeze %dma_start3A_1309 : memref<1x!tpu.dma_semaphore, #tpu.memory_space<semaphore_mem>> -> memref<!tpu.dma_semaphore, #tpu.memory_space<semaphore_mem>>
      tpu.enqueue_indirect_dma source(%dma_start3A_1308 : memref<1000000x32xf32, #tpu.memory_space<hbm>>) target(%dma_start3A_1302 : memref<50x32xf32, #tpu.memory_space<vmem>>) offsets(%dma_start3A_1305 : memref<50xi32, #tpu.memory_space<vmem>>) semaphore(%dma_start3A_1310 : memref<!tpu.dma_semaphore, #tpu.memory_space<semaphore_mem>>)
      %dma_wait3A_1311 = arith.constant 1 : i32
      %dma_wait3A_1312 = arith.constant 1 : i32
      %dma_wait3A_1313 = arith.constant 0 : i32
      %dma_wait3A_1314 = arith.constant 0 : i32
      %dma_wait3A_1315 = tpu.memref_slice %arg6[%dma_wait3A_1311, %dma_wait3A_1313, %dma_wait3A_1314] : memref<8x50x32xf32, #tpu.memory_space<vmem>> -> memref<1x50x32xf32, #tpu.memory_space<vmem>>
      %dma_wait3A_1316 = tpu.memref_squeeze %dma_wait3A_1315 : memref<1x50x32xf32, #tpu.memory_space<vmem>> -> memref<50x32xf32, #tpu.memory_space<vmem>>
      %dma_wait3A_1317 = arith.constant 0 : i32
      %dma_wait3A_1318 = tpu.memref_slice %arg5[%add3A_1271, %dma_wait3A_1317] : memref<512x50xi32, #tpu.memory_space<vmem>> -> memref<1x50xi32, #tpu.memory_space<vmem>>
      %dma_wait3A_1319 = tpu.memref_squeeze %dma_wait3A_1318 : memref<1x50xi32, #tpu.memory_space<vmem>> -> memref<50xi32, #tpu.memory_space<vmem>>
      %dma_wait3A_1320 = arith.constant 0 : i32
      %dma_wait3A_1321 = arith.constant 0 : i32
      %dma_wait3A_1322 = tpu.memref_slice %arg3[%dma_wait3A_1320, %dma_wait3A_1321] : memref<1000000x32xf32, #tpu.memory_space<hbm>> -> memref<1000000x32xf32, #tpu.memory_space<hbm>>
      %dma_wait3A_1323 = tpu.memref_slice %arg7[%dma_wait3A_1312] : memref<8x!tpu.dma_semaphore, #tpu.memory_space<semaphore_mem>> -> memref<1x!tpu.dma_semaphore, #tpu.memory_space<semaphore_mem>>
      %dma_wait3A_1324 = tpu.memref_squeeze %dma_wait3A_1323 : memref<1x!tpu.dma_semaphore, #tpu.memory_space<semaphore_mem>> -> memref<!tpu.dma_semaphore, #tpu.memory_space<semaphore_mem>>
      tpu.wait_indirect_dma semaphore(%dma_wait3A_1324 : memref<!tpu.dma_semaphore, #tpu.memory_space<semaphore_mem>>) src(%dma_wait3A_1322 : memref<1000000x32xf32, #tpu.memory_space<hbm>>) dst(%dma_wait3A_1316 : memref<50x32xf32, #tpu.memory_space<vmem>>)
      %add3A_1325 = arith.addi %mul3A_2, %add3A_1271 : i32
      %dma_start3A_1326 = arith.constant 1 : i32
      %dma_start3A_1327 = arith.constant 1 : i32
      %dma_start3A_1328 = arith.constant 0 : i32
      %dma_start3A_1329 = arith.constant 0 : i32
      %dma_start3A_1330 = tpu.memref_slice %arg6[%dma_start3A_1326, %dma_start3A_1328, %dma_start3A_1329] : memref<8x50x32xf32, #tpu.memory_space<vmem>> -> memref<1x50x32xf32, #tpu.memory_space<vmem>>
      %dma_start3A_1331 = tpu.memref_squeeze %dma_start3A_1330 : memref<1x50x32xf32, #tpu.memory_space<vmem>> -> memref<50x32xf32, #tpu.memory_space<vmem>>
      %dma_start3A_1332 = arith.constant 0 : i32
      %dma_start3A_1333 = arith.constant 0 : i32
      %dma_start3A_1334 = tpu.memref_slice %arg4[%add3A_1325, %dma_start3A_1332, %dma_start3A_1333] : memref<16384x50x32xf32, #tpu.memory_space<hbm>> -> memref<1x50x32xf32, #tpu.memory_space<hbm>>
      %dma_start3A_1335 = tpu.memref_squeeze %dma_start3A_1334 : memref<1x50x32xf32, #tpu.memory_space<hbm>> -> memref<50x32xf32, #tpu.memory_space<hbm>>
      %dma_start3A_1336 = tpu.memref_slice %arg8[%dma_start3A_1327] : memref<8x!tpu.dma_semaphore, #tpu.memory_space<semaphore_mem>> -> memref<1x!tpu.dma_semaphore, #tpu.memory_space<semaphore_mem>>
      %dma_start3A_1337 = tpu.memref_squeeze %dma_start3A_1336 : memref<1x!tpu.dma_semaphore, #tpu.memory_space<semaphore_mem>> -> memref<!tpu.dma_semaphore, #tpu.memory_space<semaphore_mem>>
      %dma_start3A_1338 = arith.constant 0 : i32
      %dma_start3A_1339 = arith.constant 0 : i32
      %dma_start3A_1340 = tpu.memref_slice %arg4[%add3A_1325, %dma_start3A_1338, %dma_start3A_1339] : memref<16384x50x32xf32, #tpu.memory_space<hbm>> -> memref<1x50x32xf32, #tpu.memory_space<hbm>>
      %dma_start3A_1341 = tpu.memref_squeeze %dma_start3A_1340 : memref<1x50x32xf32, #tpu.memory_space<hbm>> -> memref<50x32xf32, #tpu.memory_space<hbm>>
      %dma_start3A_1342 = arith.constant 0 : i32
      %dma_start3A_1343 = arith.constant 0 : i32
      %dma_start3A_1344 = tpu.memref_slice %arg6[%dma_start3A_1326, %dma_start3A_1342, %dma_start3A_1343] : memref<8x50x32xf32, #tpu.memory_space<vmem>> -> memref<1x50x32xf32, #tpu.memory_space<vmem>>
      %dma_start3A_1345 = tpu.memref_squeeze %dma_start3A_1344 : memref<1x50x32xf32, #tpu.memory_space<vmem>> -> memref<50x32xf32, #tpu.memory_space<vmem>>
      tpu.enqueue_dma source(%dma_start3A_1345 : memref<50x32xf32, #tpu.memory_space<vmem>>) target(%dma_start3A_1341 : memref<50x32xf32, #tpu.memory_space<hbm>>) target_semaphore(%dma_start3A_1337 : memref<!tpu.dma_semaphore, #tpu.memory_space<semaphore_mem>>)
      %mul3A_1346 = arith.constant 8 : i32
      %mul3A_1347 = arith.muli %scan3A_1190, %mul3A_1346 : i32
      %add3A_1348 = arith.constant 2 : i32
      %add3A_1349 = arith.addi %mul3A_1347, %add3A_1348 : i32
      %add3A_1350 = arith.constant 4 : i32
      %add3A_1351 = arith.addi %add3A_1349, %add3A_1350 : i32
      %sub3A_1352 = arith.constant 8 : i32
      %sub3A_1353 = arith.subi %add3A_1351, %sub3A_1352 : i32
      %add3A_1354 = arith.addi %mul3A_2, %sub3A_1353 : i32
      %dma_wait3A_1355 = arith.constant 6 : i32
      %dma_wait3A_1356 = arith.constant 6 : i32
      %dma_wait3A_1357 = arith.constant 0 : i32
      %dma_wait3A_1358 = arith.constant 0 : i32
      %dma_wait3A_1359 = tpu.memref_slice %arg6[%dma_wait3A_1355, %dma_wait3A_1357, %dma_wait3A_1358] : memref<8x50x32xf32, #tpu.memory_space<vmem>> -> memref<1x50x32xf32, #tpu.memory_space<vmem>>
      %dma_wait3A_1360 = tpu.memref_squeeze %dma_wait3A_1359 : memref<1x50x32xf32, #tpu.memory_space<vmem>> -> memref<50x32xf32, #tpu.memory_space<vmem>>
      %dma_wait3A_1361 = arith.constant 0 : i32
      %dma_wait3A_1362 = arith.constant 0 : i32
      %dma_wait3A_1363 = tpu.memref_slice %arg4[%add3A_1354, %dma_wait3A_1361, %dma_wait3A_1362] : memref<16384x50x32xf32, #tpu.memory_space<hbm>> -> memref<1x50x32xf32, #tpu.memory_space<hbm>>
      %dma_wait3A_1364 = tpu.memref_squeeze %dma_wait3A_1363 : memref<1x50x32xf32, #tpu.memory_space<hbm>> -> memref<50x32xf32, #tpu.memory_space<hbm>>
      %dma_wait3A_1365 = tpu.memref_slice %arg8[%dma_wait3A_1356] : memref<8x!tpu.dma_semaphore, #tpu.memory_space<semaphore_mem>> -> memref<1x!tpu.dma_semaphore, #tpu.memory_space<semaphore_mem>>
      %dma_wait3A_1366 = tpu.memref_squeeze %dma_wait3A_1365 : memref<1x!tpu.dma_semaphore, #tpu.memory_space<semaphore_mem>> -> memref<!tpu.dma_semaphore, #tpu.memory_space<semaphore_mem>>
      %dma_wait3A_1367 = arith.constant 0 : i32
      %dma_wait3A_1368 = arith.constant 0 : i32
      %dma_wait3A_1369 = tpu.memref_slice %arg4[%add3A_1354, %dma_wait3A_1367, %dma_wait3A_1368] : memref<16384x50x32xf32, #tpu.memory_space<hbm>> -> memref<1x50x32xf32, #tpu.memory_space<hbm>>
      %dma_wait3A_1370 = tpu.memref_squeeze %dma_wait3A_1369 : memref<1x50x32xf32, #tpu.memory_space<hbm>> -> memref<50x32xf32, #tpu.memory_space<hbm>>
      %dma_wait3A_1371 = arith.constant 0 : i32
      %dma_wait3A_1372 = arith.constant 0 : i32
      %dma_wait3A_1373 = tpu.memref_slice %arg6[%dma_wait3A_1355, %dma_wait3A_1371, %dma_wait3A_1372] : memref<8x50x32xf32, #tpu.memory_space<vmem>> -> memref<1x50x32xf32, #tpu.memory_space<vmem>>
      %dma_wait3A_1374 = tpu.memref_squeeze %dma_wait3A_1373 : memref<1x50x32xf32, #tpu.memory_space<vmem>> -> memref<50x32xf32, #tpu.memory_space<vmem>>
      tpu.wait_dma2 semaphore(%dma_wait3A_1366 : memref<!tpu.dma_semaphore, #tpu.memory_space<semaphore_mem>>) src(%dma_wait3A_1374 : memref<50x32xf32, #tpu.memory_space<vmem>>) dst(%dma_wait3A_1370 : memref<50x32xf32, #tpu.memory_space<hbm>>)
      %dma_start3A_1375 = arith.constant 6 : i32
      %dma_start3A_1376 = arith.constant 6 : i32
      %dma_start3A_1377 = arith.constant 0 : i32
      %dma_start3A_1378 = arith.constant 0 : i32
      %dma_start3A_1379 = tpu.memref_slice %arg6[%dma_start3A_1375, %dma_start3A_1377, %dma_start3A_1378] : memref<8x50x32xf32, #tpu.memory_space<vmem>> -> memref<1x50x32xf32, #tpu.memory_space<vmem>>
      %dma_start3A_1380 = tpu.memref_squeeze %dma_start3A_1379 : memref<1x50x32xf32, #tpu.memory_space<vmem>> -> memref<50x32xf32, #tpu.memory_space<vmem>>
      %dma_start3A_1381 = arith.constant 0 : i32
      %dma_start3A_1382 = tpu.memref_slice %arg5[%add3A_1351, %dma_start3A_1381] : memref<512x50xi32, #tpu.memory_space<vmem>> -> memref<1x50xi32, #tpu.memory_space<vmem>>
      %dma_start3A_1383 = tpu.memref_squeeze %dma_start3A_1382 : memref<1x50xi32, #tpu.memory_space<vmem>> -> memref<50xi32, #tpu.memory_space<vmem>>
      %dma_start3A_1384 = arith.constant 0 : i32
      %dma_start3A_1385 = arith.constant 0 : i32
      %dma_start3A_1386 = tpu.memref_slice %arg3[%dma_start3A_1384, %dma_start3A_1385] : memref<1000000x32xf32, #tpu.memory_space<hbm>> -> memref<1000000x32xf32, #tpu.memory_space<hbm>>
      %dma_start3A_1387 = tpu.memref_slice %arg7[%dma_start3A_1376] : memref<8x!tpu.dma_semaphore, #tpu.memory_space<semaphore_mem>> -> memref<1x!tpu.dma_semaphore, #tpu.memory_space<semaphore_mem>>
      %dma_start3A_1388 = tpu.memref_squeeze %dma_start3A_1387 : memref<1x!tpu.dma_semaphore, #tpu.memory_space<semaphore_mem>> -> memref<!tpu.dma_semaphore, #tpu.memory_space<semaphore_mem>>
      tpu.enqueue_indirect_dma source(%dma_start3A_1386 : memref<1000000x32xf32, #tpu.memory_space<hbm>>) target(%dma_start3A_1380 : memref<50x32xf32, #tpu.memory_space<vmem>>) offsets(%dma_start3A_1383 : memref<50xi32, #tpu.memory_space<vmem>>) semaphore(%dma_start3A_1388 : memref<!tpu.dma_semaphore, #tpu.memory_space<semaphore_mem>>)
      %dma_wait3A_1389 = arith.constant 2 : i32
      %dma_wait3A_1390 = arith.constant 2 : i32
      %dma_wait3A_1391 = arith.constant 0 : i32
      %dma_wait3A_1392 = arith.constant 0 : i32
      %dma_wait3A_1393 = tpu.memref_slice %arg6[%dma_wait3A_1389, %dma_wait3A_1391, %dma_wait3A_1392] : memref<8x50x32xf32, #tpu.memory_space<vmem>> -> memref<1x50x32xf32, #tpu.memory_space<vmem>>
      %dma_wait3A_1394 = tpu.memref_squeeze %dma_wait3A_1393 : memref<1x50x32xf32, #tpu.memory_space<vmem>> -> memref<50x32xf32, #tpu.memory_space<vmem>>
      %dma_wait3A_1395 = arith.constant 0 : i32
      %dma_wait3A_1396 = tpu.memref_slice %arg5[%add3A_1349, %dma_wait3A_1395] : memref<512x50xi32, #tpu.memory_space<vmem>> -> memref<1x50xi32, #tpu.memory_space<vmem>>
      %dma_wait3A_1397 = tpu.memref_squeeze %dma_wait3A_1396 : memref<1x50xi32, #tpu.memory_space<vmem>> -> memref<50xi32, #tpu.memory_space<vmem>>
      %dma_wait3A_1398 = arith.constant 0 : i32
      %dma_wait3A_1399 = arith.constant 0 : i32
      %dma_wait3A_1400 = tpu.memref_slice %arg3[%dma_wait3A_1398, %dma_wait3A_1399] : memref<1000000x32xf32, #tpu.memory_space<hbm>> -> memref<1000000x32xf32, #tpu.memory_space<hbm>>
      %dma_wait3A_1401 = tpu.memref_slice %arg7[%dma_wait3A_1390] : memref<8x!tpu.dma_semaphore, #tpu.memory_space<semaphore_mem>> -> memref<1x!tpu.dma_semaphore, #tpu.memory_space<semaphore_mem>>
      %dma_wait3A_1402 = tpu.memref_squeeze %dma_wait3A_1401 : memref<1x!tpu.dma_semaphore, #tpu.memory_space<semaphore_mem>> -> memref<!tpu.dma_semaphore, #tpu.memory_space<semaphore_mem>>
      tpu.wait_indirect_dma semaphore(%dma_wait3A_1402 : memref<!tpu.dma_semaphore, #tpu.memory_space<semaphore_mem>>) src(%dma_wait3A_1400 : memref<1000000x32xf32, #tpu.memory_space<hbm>>) dst(%dma_wait3A_1394 : memref<50x32xf32, #tpu.memory_space<vmem>>)
      %add3A_1403 = arith.addi %mul3A_2, %add3A_1349 : i32
      %dma_start3A_1404 = arith.constant 2 : i32
      %dma_start3A_1405 = arith.constant 2 : i32
      %dma_start3A_1406 = arith.constant 0 : i32
      %dma_start3A_1407 = arith.constant 0 : i32
      %dma_start3A_1408 = tpu.memref_slice %arg6[%dma_start3A_1404, %dma_start3A_1406, %dma_start3A_1407] : memref<8x50x32xf32, #tpu.memory_space<vmem>> -> memref<1x50x32xf32, #tpu.memory_space<vmem>>
      %dma_start3A_1409 = tpu.memref_squeeze %dma_start3A_1408 : memref<1x50x32xf32, #tpu.memory_space<vmem>> -> memref<50x32xf32, #tpu.memory_space<vmem>>
      %dma_start3A_1410 = arith.constant 0 : i32
      %dma_start3A_1411 = arith.constant 0 : i32
      %dma_start3A_1412 = tpu.memref_slice %arg4[%add3A_1403, %dma_start3A_1410, %dma_start3A_1411] : memref<16384x50x32xf32, #tpu.memory_space<hbm>> -> memref<1x50x32xf32, #tpu.memory_space<hbm>>
      %dma_start3A_1413 = tpu.memref_squeeze %dma_start3A_1412 : memref<1x50x32xf32, #tpu.memory_space<hbm>> -> memref<50x32xf32, #tpu.memory_space<hbm>>
      %dma_start3A_1414 = tpu.memref_slice %arg8[%dma_start3A_1405] : memref<8x!tpu.dma_semaphore, #tpu.memory_space<semaphore_mem>> -> memref<1x!tpu.dma_semaphore, #tpu.memory_space<semaphore_mem>>
      %dma_start3A_1415 = tpu.memref_squeeze %dma_start3A_1414 : memref<1x!tpu.dma_semaphore, #tpu.memory_space<semaphore_mem>> -> memref<!tpu.dma_semaphore, #tpu.memory_space<semaphore_mem>>
      %dma_start3A_1416 = arith.constant 0 : i32
      %dma_start3A_1417 = arith.constant 0 : i32
      %dma_start3A_1418 = tpu.memref_slice %arg4[%add3A_1403, %dma_start3A_1416, %dma_start3A_1417] : memref<16384x50x32xf32, #tpu.memory_space<hbm>> -> memref<1x50x32xf32, #tpu.memory_space<hbm>>
      %dma_start3A_1419 = tpu.memref_squeeze %dma_start3A_1418 : memref<1x50x32xf32, #tpu.memory_space<hbm>> -> memref<50x32xf32, #tpu.memory_space<hbm>>
      %dma_start3A_1420 = arith.constant 0 : i32
      %dma_start3A_1421 = arith.constant 0 : i32
      %dma_start3A_1422 = tpu.memref_slice %arg6[%dma_start3A_1404, %dma_start3A_1420, %dma_start3A_1421] : memref<8x50x32xf32, #tpu.memory_space<vmem>> -> memref<1x50x32xf32, #tpu.memory_space<vmem>>
      %dma_start3A_1423 = tpu.memref_squeeze %dma_start3A_1422 : memref<1x50x32xf32, #tpu.memory_space<vmem>> -> memref<50x32xf32, #tpu.memory_space<vmem>>
      tpu.enqueue_dma source(%dma_start3A_1423 : memref<50x32xf32, #tpu.memory_space<vmem>>) target(%dma_start3A_1419 : memref<50x32xf32, #tpu.memory_space<hbm>>) target_semaphore(%dma_start3A_1415 : memref<!tpu.dma_semaphore, #tpu.memory_space<semaphore_mem>>)
      %mul3A_1424 = arith.constant 8 : i32
      %mul3A_1425 = arith.muli %scan3A_1190, %mul3A_1424 : i32
      %add3A_1426 = arith.constant 3 : i32
      %add3A_1427 = arith.addi %mul3A_1425, %add3A_1426 : i32
      %add3A_1428 = arith.constant 4 : i32
      %add3A_1429 = arith.addi %add3A_1427, %add3A_1428 : i32
      %sub3A_1430 = arith.constant 8 : i32
      %sub3A_1431 = arith.subi %add3A_1429, %sub3A_1430 : i32
      %add3A_1432 = arith.addi %mul3A_2, %sub3A_1431 : i32
      %dma_wait3A_1433 = arith.constant 7 : i32
      %dma_wait3A_1434 = arith.constant 7 : i32
      %dma_wait3A_1435 = arith.constant 0 : i32
      %dma_wait3A_1436 = arith.constant 0 : i32
      %dma_wait3A_1437 = tpu.memref_slice %arg6[%dma_wait3A_1433, %dma_wait3A_1435, %dma_wait3A_1436] : memref<8x50x32xf32, #tpu.memory_space<vmem>> -> memref<1x50x32xf32, #tpu.memory_space<vmem>>
      %dma_wait3A_1438 = tpu.memref_squeeze %dma_wait3A_1437 : memref<1x50x32xf32, #tpu.memory_space<vmem>> -> memref<50x32xf32, #tpu.memory_space<vmem>>
      %dma_wait3A_1439 = arith.constant 0 : i32
      %dma_wait3A_1440 = arith.constant 0 : i32
      %dma_wait3A_1441 = tpu.memref_slice %arg4[%add3A_1432, %dma_wait3A_1439, %dma_wait3A_1440] : memref<16384x50x32xf32, #tpu.memory_space<hbm>> -> memref<1x50x32xf32, #tpu.memory_space<hbm>>
      %dma_wait3A_1442 = tpu.memref_squeeze %dma_wait3A_1441 : memref<1x50x32xf32, #tpu.memory_space<hbm>> -> memref<50x32xf32, #tpu.memory_space<hbm>>
      %dma_wait3A_1443 = tpu.memref_slice %arg8[%dma_wait3A_1434] : memref<8x!tpu.dma_semaphore, #tpu.memory_space<semaphore_mem>> -> memref<1x!tpu.dma_semaphore, #tpu.memory_space<semaphore_mem>>
      %dma_wait3A_1444 = tpu.memref_squeeze %dma_wait3A_1443 : memref<1x!tpu.dma_semaphore, #tpu.memory_space<semaphore_mem>> -> memref<!tpu.dma_semaphore, #tpu.memory_space<semaphore_mem>>
      %dma_wait3A_1445 = arith.constant 0 : i32
      %dma_wait3A_1446 = arith.constant 0 : i32
      %dma_wait3A_1447 = tpu.memref_slice %arg4[%add3A_1432, %dma_wait3A_1445, %dma_wait3A_1446] : memref<16384x50x32xf32, #tpu.memory_space<hbm>> -> memref<1x50x32xf32, #tpu.memory_space<hbm>>
      %dma_wait3A_1448 = tpu.memref_squeeze %dma_wait3A_1447 : memref<1x50x32xf32, #tpu.memory_space<hbm>> -> memref<50x32xf32, #tpu.memory_space<hbm>>
      %dma_wait3A_1449 = arith.constant 0 : i32
      %dma_wait3A_1450 = arith.constant 0 : i32
      %dma_wait3A_1451 = tpu.memref_slice %arg6[%dma_wait3A_1433, %dma_wait3A_1449, %dma_wait3A_1450] : memref<8x50x32xf32, #tpu.memory_space<vmem>> -> memref<1x50x32xf32, #tpu.memory_space<vmem>>
      %dma_wait3A_1452 = tpu.memref_squeeze %dma_wait3A_1451 : memref<1x50x32xf32, #tpu.memory_space<vmem>> -> memref<50x32xf32, #tpu.memory_space<vmem>>
      tpu.wait_dma2 semaphore(%dma_wait3A_1444 : memref<!tpu.dma_semaphore, #tpu.memory_space<semaphore_mem>>) src(%dma_wait3A_1452 : memref<50x32xf32, #tpu.memory_space<vmem>>) dst(%dma_wait3A_1448 : memref<50x32xf32, #tpu.memory_space<hbm>>)
      %dma_start3A_1453 = arith.constant 7 : i32
      %dma_start3A_1454 = arith.constant 7 : i32
      %dma_start3A_1455 = arith.constant 0 : i32
      %dma_start3A_1456 = arith.constant 0 : i32
      %dma_start3A_1457 = tpu.memref_slice %arg6[%dma_start3A_1453, %dma_start3A_1455, %dma_start3A_1456] : memref<8x50x32xf32, #tpu.memory_space<vmem>> -> memref<1x50x32xf32, #tpu.memory_space<vmem>>
      %dma_start3A_1458 = tpu.memref_squeeze %dma_start3A_1457 : memref<1x50x32xf32, #tpu.memory_space<vmem>> -> memref<50x32xf32, #tpu.memory_space<vmem>>
      %dma_start3A_1459 = arith.constant 0 : i32
      %dma_start3A_1460 = tpu.memref_slice %arg5[%add3A_1429, %dma_start3A_1459] : memref<512x50xi32, #tpu.memory_space<vmem>> -> memref<1x50xi32, #tpu.memory_space<vmem>>
      %dma_start3A_1461 = tpu.memref_squeeze %dma_start3A_1460 : memref<1x50xi32, #tpu.memory_space<vmem>> -> memref<50xi32, #tpu.memory_space<vmem>>
      %dma_start3A_1462 = arith.constant 0 : i32
      %dma_start3A_1463 = arith.constant 0 : i32
      %dma_start3A_1464 = tpu.memref_slice %arg3[%dma_start3A_1462, %dma_start3A_1463] : memref<1000000x32xf32, #tpu.memory_space<hbm>> -> memref<1000000x32xf32, #tpu.memory_space<hbm>>
      %dma_start3A_1465 = tpu.memref_slice %arg7[%dma_start3A_1454] : memref<8x!tpu.dma_semaphore, #tpu.memory_space<semaphore_mem>> -> memref<1x!tpu.dma_semaphore, #tpu.memory_space<semaphore_mem>>
      %dma_start3A_1466 = tpu.memref_squeeze %dma_start3A_1465 : memref<1x!tpu.dma_semaphore, #tpu.memory_space<semaphore_mem>> -> memref<!tpu.dma_semaphore, #tpu.memory_space<semaphore_mem>>
      tpu.enqueue_indirect_dma source(%dma_start3A_1464 : memref<1000000x32xf32, #tpu.memory_space<hbm>>) target(%dma_start3A_1458 : memref<50x32xf32, #tpu.memory_space<vmem>>) offsets(%dma_start3A_1461 : memref<50xi32, #tpu.memory_space<vmem>>) semaphore(%dma_start3A_1466 : memref<!tpu.dma_semaphore, #tpu.memory_space<semaphore_mem>>)
      %dma_wait3A_1467 = arith.constant 3 : i32
      %dma_wait3A_1468 = arith.constant 3 : i32
      %dma_wait3A_1469 = arith.constant 0 : i32
      %dma_wait3A_1470 = arith.constant 0 : i32
      %dma_wait3A_1471 = tpu.memref_slice %arg6[%dma_wait3A_1467, %dma_wait3A_1469, %dma_wait3A_1470] : memref<8x50x32xf32, #tpu.memory_space<vmem>> -> memref<1x50x32xf32, #tpu.memory_space<vmem>>
      %dma_wait3A_1472 = tpu.memref_squeeze %dma_wait3A_1471 : memref<1x50x32xf32, #tpu.memory_space<vmem>> -> memref<50x32xf32, #tpu.memory_space<vmem>>
      %dma_wait3A_1473 = arith.constant 0 : i32
      %dma_wait3A_1474 = tpu.memref_slice %arg5[%add3A_1427, %dma_wait3A_1473] : memref<512x50xi32, #tpu.memory_space<vmem>> -> memref<1x50xi32, #tpu.memory_space<vmem>>
      %dma_wait3A_1475 = tpu.memref_squeeze %dma_wait3A_1474 : memref<1x50xi32, #tpu.memory_space<vmem>> -> memref<50xi32, #tpu.memory_space<vmem>>
      %dma_wait3A_1476 = arith.constant 0 : i32
      %dma_wait3A_1477 = arith.constant 0 : i32
      %dma_wait3A_1478 = tpu.memref_slice %arg3[%dma_wait3A_1476, %dma_wait3A_1477] : memref<1000000x32xf32, #tpu.memory_space<hbm>> -> memref<1000000x32xf32, #tpu.memory_space<hbm>>
      %dma_wait3A_1479 = tpu.memref_slice %arg7[%dma_wait3A_1468] : memref<8x!tpu.dma_semaphore, #tpu.memory_space<semaphore_mem>> -> memref<1x!tpu.dma_semaphore, #tpu.memory_space<semaphore_mem>>
      %dma_wait3A_1480 = tpu.memref_squeeze %dma_wait3A_1479 : memref<1x!tpu.dma_semaphore, #tpu.memory_space<semaphore_mem>> -> memref<!tpu.dma_semaphore, #tpu.memory_space<semaphore_mem>>
      tpu.wait_indirect_dma semaphore(%dma_wait3A_1480 : memref<!tpu.dma_semaphore, #tpu.memory_space<semaphore_mem>>) src(%dma_wait3A_1478 : memref<1000000x32xf32, #tpu.memory_space<hbm>>) dst(%dma_wait3A_1472 : memref<50x32xf32, #tpu.memory_space<vmem>>)
      %add3A_1481 = arith.addi %mul3A_2, %add3A_1427 : i32
      %dma_start3A_1482 = arith.constant 3 : i32
      %dma_start3A_1483 = arith.constant 3 : i32
      %dma_start3A_1484 = arith.constant 0 : i32
      %dma_start3A_1485 = arith.constant 0 : i32
      %dma_start3A_1486 = tpu.memref_slice %arg6[%dma_start3A_1482, %dma_start3A_1484, %dma_start3A_1485] : memref<8x50x32xf32, #tpu.memory_space<vmem>> -> memref<1x50x32xf32, #tpu.memory_space<vmem>>
      %dma_start3A_1487 = tpu.memref_squeeze %dma_start3A_1486 : memref<1x50x32xf32, #tpu.memory_space<vmem>> -> memref<50x32xf32, #tpu.memory_space<vmem>>
      %dma_start3A_1488 = arith.constant 0 : i32
      %dma_start3A_1489 = arith.constant 0 : i32
      %dma_start3A_1490 = tpu.memref_slice %arg4[%add3A_1481, %dma_start3A_1488, %dma_start3A_1489] : memref<16384x50x32xf32, #tpu.memory_space<hbm>> -> memref<1x50x32xf32, #tpu.memory_space<hbm>>
      %dma_start3A_1491 = tpu.memref_squeeze %dma_start3A_1490 : memref<1x50x32xf32, #tpu.memory_space<hbm>> -> memref<50x32xf32, #tpu.memory_space<hbm>>
      %dma_start3A_1492 = tpu.memref_slice %arg8[%dma_start3A_1483] : memref<8x!tpu.dma_semaphore, #tpu.memory_space<semaphore_mem>> -> memref<1x!tpu.dma_semaphore, #tpu.memory_space<semaphore_mem>>
      %dma_start3A_1493 = tpu.memref_squeeze %dma_start3A_1492 : memref<1x!tpu.dma_semaphore, #tpu.memory_space<semaphore_mem>> -> memref<!tpu.dma_semaphore, #tpu.memory_space<semaphore_mem>>
      %dma_start3A_1494 = arith.constant 0 : i32
      %dma_start3A_1495 = arith.constant 0 : i32
      %dma_start3A_1496 = tpu.memref_slice %arg4[%add3A_1481, %dma_start3A_1494, %dma_start3A_1495] : memref<16384x50x32xf32, #tpu.memory_space<hbm>> -> memref<1x50x32xf32, #tpu.memory_space<hbm>>
      %dma_start3A_1497 = tpu.memref_squeeze %dma_start3A_1496 : memref<1x50x32xf32, #tpu.memory_space<hbm>> -> memref<50x32xf32, #tpu.memory_space<hbm>>
      %dma_start3A_1498 = arith.constant 0 : i32
      %dma_start3A_1499 = arith.constant 0 : i32
      %dma_start3A_1500 = tpu.memref_slice %arg6[%dma_start3A_1482, %dma_start3A_1498, %dma_start3A_1499] : memref<8x50x32xf32, #tpu.memory_space<vmem>> -> memref<1x50x32xf32, #tpu.memory_space<vmem>>
      %dma_start3A_1501 = tpu.memref_squeeze %dma_start3A_1500 : memref<1x50x32xf32, #tpu.memory_space<vmem>> -> memref<50x32xf32, #tpu.memory_space<vmem>>
      tpu.enqueue_dma source(%dma_start3A_1501 : memref<50x32xf32, #tpu.memory_space<vmem>>) target(%dma_start3A_1497 : memref<50x32xf32, #tpu.memory_space<hbm>>) target_semaphore(%dma_start3A_1493 : memref<!tpu.dma_semaphore, #tpu.memory_space<semaphore_mem>>)
      %mul3A_1502 = arith.constant 8 : i32
      %mul3A_1503 = arith.muli %scan3A_1190, %mul3A_1502 : i32
      %add3A_1504 = arith.constant 4 : i32
      %add3A_1505 = arith.addi %mul3A_1503, %add3A_1504 : i32
      %add3A_1506 = arith.constant 4 : i32
      %add3A_1507 = arith.addi %add3A_1505, %add3A_1506 : i32
      %sub3A_1508 = arith.constant 8 : i32
      %sub3A_1509 = arith.subi %add3A_1507, %sub3A_1508 : i32
      %add3A_1510 = arith.addi %mul3A_2, %sub3A_1509 : i32
      %dma_wait3A_1511 = arith.constant 0 : i32
      %dma_wait3A_1512 = arith.constant 0 : i32
      %dma_wait3A_1513 = arith.constant 0 : i32
      %dma_wait3A_1514 = arith.constant 0 : i32
      %dma_wait3A_1515 = tpu.memref_slice %arg6[%dma_wait3A_1511, %dma_wait3A_1513, %dma_wait3A_1514] : memref<8x50x32xf32, #tpu.memory_space<vmem>> -> memref<1x50x32xf32, #tpu.memory_space<vmem>>
      %dma_wait3A_1516 = tpu.memref_squeeze %dma_wait3A_1515 : memref<1x50x32xf32, #tpu.memory_space<vmem>> -> memref<50x32xf32, #tpu.memory_space<vmem>>
      %dma_wait3A_1517 = arith.constant 0 : i32
      %dma_wait3A_1518 = arith.constant 0 : i32
      %dma_wait3A_1519 = tpu.memref_slice %arg4[%add3A_1510, %dma_wait3A_1517, %dma_wait3A_1518] : memref<16384x50x32xf32, #tpu.memory_space<hbm>> -> memref<1x50x32xf32, #tpu.memory_space<hbm>>
      %dma_wait3A_1520 = tpu.memref_squeeze %dma_wait3A_1519 : memref<1x50x32xf32, #tpu.memory_space<hbm>> -> memref<50x32xf32, #tpu.memory_space<hbm>>
      %dma_wait3A_1521 = tpu.memref_slice %arg8[%dma_wait3A_1512] : memref<8x!tpu.dma_semaphore, #tpu.memory_space<semaphore_mem>> -> memref<1x!tpu.dma_semaphore, #tpu.memory_space<semaphore_mem>>
      %dma_wait3A_1522 = tpu.memref_squeeze %dma_wait3A_1521 : memref<1x!tpu.dma_semaphore, #tpu.memory_space<semaphore_mem>> -> memref<!tpu.dma_semaphore, #tpu.memory_space<semaphore_mem>>
      %dma_wait3A_1523 = arith.constant 0 : i32
      %dma_wait3A_1524 = arith.constant 0 : i32
      %dma_wait3A_1525 = tpu.memref_slice %arg4[%add3A_1510, %dma_wait3A_1523, %dma_wait3A_1524] : memref<16384x50x32xf32, #tpu.memory_space<hbm>> -> memref<1x50x32xf32, #tpu.memory_space<hbm>>
      %dma_wait3A_1526 = tpu.memref_squeeze %dma_wait3A_1525 : memref<1x50x32xf32, #tpu.memory_space<hbm>> -> memref<50x32xf32, #tpu.memory_space<hbm>>
      %dma_wait3A_1527 = arith.constant 0 : i32
      %dma_wait3A_1528 = arith.constant 0 : i32
      %dma_wait3A_1529 = tpu.memref_slice %arg6[%dma_wait3A_1511, %dma_wait3A_1527, %dma_wait3A_1528] : memref<8x50x32xf32, #tpu.memory_space<vmem>> -> memref<1x50x32xf32, #tpu.memory_space<vmem>>
      %dma_wait3A_1530 = tpu.memref_squeeze %dma_wait3A_1529 : memref<1x50x32xf32, #tpu.memory_space<vmem>> -> memref<50x32xf32, #tpu.memory_space<vmem>>
      tpu.wait_dma2 semaphore(%dma_wait3A_1522 : memref<!tpu.dma_semaphore, #tpu.memory_space<semaphore_mem>>) src(%dma_wait3A_1530 : memref<50x32xf32, #tpu.memory_space<vmem>>) dst(%dma_wait3A_1526 : memref<50x32xf32, #tpu.memory_space<hbm>>)
      %dma_start3A_1531 = arith.constant 0 : i32
      %dma_start3A_1532 = arith.constant 0 : i32
      %dma_start3A_1533 = arith.constant 0 : i32
      %dma_start3A_1534 = arith.constant 0 : i32
      %dma_start3A_1535 = tpu.memref_slice %arg6[%dma_start3A_1531, %dma_start3A_1533, %dma_start3A_1534] : memref<8x50x32xf32, #tpu.memory_space<vmem>> -> memref<1x50x32xf32, #tpu.memory_space<vmem>>
      %dma_start3A_1536 = tpu.memref_squeeze %dma_start3A_1535 : memref<1x50x32xf32, #tpu.memory_space<vmem>> -> memref<50x32xf32, #tpu.memory_space<vmem>>
      %dma_start3A_1537 = arith.constant 0 : i32
      %dma_start3A_1538 = tpu.memref_slice %arg5[%add3A_1507, %dma_start3A_1537] : memref<512x50xi32, #tpu.memory_space<vmem>> -> memref<1x50xi32, #tpu.memory_space<vmem>>
      %dma_start3A_1539 = tpu.memref_squeeze %dma_start3A_1538 : memref<1x50xi32, #tpu.memory_space<vmem>> -> memref<50xi32, #tpu.memory_space<vmem>>
      %dma_start3A_1540 = arith.constant 0 : i32
      %dma_start3A_1541 = arith.constant 0 : i32
      %dma_start3A_1542 = tpu.memref_slice %arg3[%dma_start3A_1540, %dma_start3A_1541] : memref<1000000x32xf32, #tpu.memory_space<hbm>> -> memref<1000000x32xf32, #tpu.memory_space<hbm>>
      %dma_start3A_1543 = tpu.memref_slice %arg7[%dma_start3A_1532] : memref<8x!tpu.dma_semaphore, #tpu.memory_space<semaphore_mem>> -> memref<1x!tpu.dma_semaphore, #tpu.memory_space<semaphore_mem>>
      %dma_start3A_1544 = tpu.memref_squeeze %dma_start3A_1543 : memref<1x!tpu.dma_semaphore, #tpu.memory_space<semaphore_mem>> -> memref<!tpu.dma_semaphore, #tpu.memory_space<semaphore_mem>>
      tpu.enqueue_indirect_dma source(%dma_start3A_1542 : memref<1000000x32xf32, #tpu.memory_space<hbm>>) target(%dma_start3A_1536 : memref<50x32xf32, #tpu.memory_space<vmem>>) offsets(%dma_start3A_1539 : memref<50xi32, #tpu.memory_space<vmem>>) semaphore(%dma_start3A_1544 : memref<!tpu.dma_semaphore, #tpu.memory_space<semaphore_mem>>)
      %dma_wait3A_1545 = arith.constant 4 : i32
      %dma_wait3A_1546 = arith.constant 4 : i32
      %dma_wait3A_1547 = arith.constant 0 : i32
      %dma_wait3A_1548 = arith.constant 0 : i32
      %dma_wait3A_1549 = tpu.memref_slice %arg6[%dma_wait3A_1545, %dma_wait3A_1547, %dma_wait3A_1548] : memref<8x50x32xf32, #tpu.memory_space<vmem>> -> memref<1x50x32xf32, #tpu.memory_space<vmem>>
      %dma_wait3A_1550 = tpu.memref_squeeze %dma_wait3A_1549 : memref<1x50x32xf32, #tpu.memory_space<vmem>> -> memref<50x32xf32, #tpu.memory_space<vmem>>
      %dma_wait3A_1551 = arith.constant 0 : i32
      %dma_wait3A_1552 = tpu.memref_slice %arg5[%add3A_1505, %dma_wait3A_1551] : memref<512x50xi32, #tpu.memory_space<vmem>> -> memref<1x50xi32, #tpu.memory_space<vmem>>
      %dma_wait3A_1553 = tpu.memref_squeeze %dma_wait3A_1552 : memref<1x50xi32, #tpu.memory_space<vmem>> -> memref<50xi32, #tpu.memory_space<vmem>>
      %dma_wait3A_1554 = arith.constant 0 : i32
      %dma_wait3A_1555 = arith.constant 0 : i32
      %dma_wait3A_1556 = tpu.memref_slice %arg3[%dma_wait3A_1554, %dma_wait3A_1555] : memref<1000000x32xf32, #tpu.memory_space<hbm>> -> memref<1000000x32xf32, #tpu.memory_space<hbm>>
      %dma_wait3A_1557 = tpu.memref_slice %arg7[%dma_wait3A_1546] : memref<8x!tpu.dma_semaphore, #tpu.memory_space<semaphore_mem>> -> memref<1x!tpu.dma_semaphore, #tpu.memory_space<semaphore_mem>>
      %dma_wait3A_1558 = tpu.memref_squeeze %dma_wait3A_1557 : memref<1x!tpu.dma_semaphore, #tpu.memory_space<semaphore_mem>> -> memref<!tpu.dma_semaphore, #tpu.memory_space<semaphore_mem>>
      tpu.wait_indirect_dma semaphore(%dma_wait3A_1558 : memref<!tpu.dma_semaphore, #tpu.memory_space<semaphore_mem>>) src(%dma_wait3A_1556 : memref<1000000x32xf32, #tpu.memory_space<hbm>>) dst(%dma_wait3A_1550 : memref<50x32xf32, #tpu.memory_space<vmem>>)
      %add3A_1559 = arith.addi %mul3A_2, %add3A_1505 : i32
      %dma_start3A_1560 = arith.constant 4 : i32
      %dma_start3A_1561 = arith.constant 4 : i32
      %dma_start3A_1562 = arith.constant 0 : i32
      %dma_start3A_1563 = arith.constant 0 : i32
      %dma_start3A_1564 = tpu.memref_slice %arg6[%dma_start3A_1560, %dma_start3A_1562, %dma_start3A_1563] : memref<8x50x32xf32, #tpu.memory_space<vmem>> -> memref<1x50x32xf32, #tpu.memory_space<vmem>>
      %dma_start3A_1565 = tpu.memref_squeeze %dma_start3A_1564 : memref<1x50x32xf32, #tpu.memory_space<vmem>> -> memref<50x32xf32, #tpu.memory_space<vmem>>
      %dma_start3A_1566 = arith.constant 0 : i32
      %dma_start3A_1567 = arith.constant 0 : i32
      %dma_start3A_1568 = tpu.memref_slice %arg4[%add3A_1559, %dma_start3A_1566, %dma_start3A_1567] : memref<16384x50x32xf32, #tpu.memory_space<hbm>> -> memref<1x50x32xf32, #tpu.memory_space<hbm>>
      %dma_start3A_1569 = tpu.memref_squeeze %dma_start3A_1568 : memref<1x50x32xf32, #tpu.memory_space<hbm>> -> memref<50x32xf32, #tpu.memory_space<hbm>>
      %dma_start3A_1570 = tpu.memref_slice %arg8[%dma_start3A_1561] : memref<8x!tpu.dma_semaphore, #tpu.memory_space<semaphore_mem>> -> memref<1x!tpu.dma_semaphore, #tpu.memory_space<semaphore_mem>>
      %dma_start3A_1571 = tpu.memref_squeeze %dma_start3A_1570 : memref<1x!tpu.dma_semaphore, #tpu.memory_space<semaphore_mem>> -> memref<!tpu.dma_semaphore, #tpu.memory_space<semaphore_mem>>
      %dma_start3A_1572 = arith.constant 0 : i32
      %dma_start3A_1573 = arith.constant 0 : i32
      %dma_start3A_1574 = tpu.memref_slice %arg4[%add3A_1559, %dma_start3A_1572, %dma_start3A_1573] : memref<16384x50x32xf32, #tpu.memory_space<hbm>> -> memref<1x50x32xf32, #tpu.memory_space<hbm>>
      %dma_start3A_1575 = tpu.memref_squeeze %dma_start3A_1574 : memref<1x50x32xf32, #tpu.memory_space<hbm>> -> memref<50x32xf32, #tpu.memory_space<hbm>>
      %dma_start3A_1576 = arith.constant 0 : i32
      %dma_start3A_1577 = arith.constant 0 : i32
      %dma_start3A_1578 = tpu.memref_slice %arg6[%dma_start3A_1560, %dma_start3A_1576, %dma_start3A_1577] : memref<8x50x32xf32, #tpu.memory_space<vmem>> -> memref<1x50x32xf32, #tpu.memory_space<vmem>>
      %dma_start3A_1579 = tpu.memref_squeeze %dma_start3A_1578 : memref<1x50x32xf32, #tpu.memory_space<vmem>> -> memref<50x32xf32, #tpu.memory_space<vmem>>
      tpu.enqueue_dma source(%dma_start3A_1579 : memref<50x32xf32, #tpu.memory_space<vmem>>) target(%dma_start3A_1575 : memref<50x32xf32, #tpu.memory_space<hbm>>) target_semaphore(%dma_start3A_1571 : memref<!tpu.dma_semaphore, #tpu.memory_space<semaphore_mem>>)
      %mul3A_1580 = arith.constant 8 : i32
      %mul3A_1581 = arith.muli %scan3A_1190, %mul3A_1580 : i32
      %add3A_1582 = arith.constant 5 : i32
      %add3A_1583 = arith.addi %mul3A_1581, %add3A_1582 : i32
      %add3A_1584 = arith.constant 4 : i32
      %add3A_1585 = arith.addi %add3A_1583, %add3A_1584 : i32
      %sub3A_1586 = arith.constant 8 : i32
      %sub3A_1587 = arith.subi %add3A_1585, %sub3A_1586 : i32
      %add3A_1588 = arith.addi %mul3A_2, %sub3A_1587 : i32
      %dma_wait3A_1589 = arith.constant 1 : i32
      %dma_wait3A_1590 = arith.constant 1 : i32
      %dma_wait3A_1591 = arith.constant 0 : i32
      %dma_wait3A_1592 = arith.constant 0 : i32
      %dma_wait3A_1593 = tpu.memref_slice %arg6[%dma_wait3A_1589, %dma_wait3A_1591, %dma_wait3A_1592] : memref<8x50x32xf32, #tpu.memory_space<vmem>> -> memref<1x50x32xf32, #tpu.memory_space<vmem>>
      %dma_wait3A_1594 = tpu.memref_squeeze %dma_wait3A_1593 : memref<1x50x32xf32, #tpu.memory_space<vmem>> -> memref<50x32xf32, #tpu.memory_space<vmem>>
      %dma_wait3A_1595 = arith.constant 0 : i32
      %dma_wait3A_1596 = arith.constant 0 : i32
      %dma_wait3A_1597 = tpu.memref_slice %arg4[%add3A_1588, %dma_wait3A_1595, %dma_wait3A_1596] : memref<16384x50x32xf32, #tpu.memory_space<hbm>> -> memref<1x50x32xf32, #tpu.memory_space<hbm>>
      %dma_wait3A_1598 = tpu.memref_squeeze %dma_wait3A_1597 : memref<1x50x32xf32, #tpu.memory_space<hbm>> -> memref<50x32xf32, #tpu.memory_space<hbm>>
      %dma_wait3A_1599 = tpu.memref_slice %arg8[%dma_wait3A_1590] : memref<8x!tpu.dma_semaphore, #tpu.memory_space<semaphore_mem>> -> memref<1x!tpu.dma_semaphore, #tpu.memory_space<semaphore_mem>>
      %dma_wait3A_1600 = tpu.memref_squeeze %dma_wait3A_1599 : memref<1x!tpu.dma_semaphore, #tpu.memory_space<semaphore_mem>> -> memref<!tpu.dma_semaphore, #tpu.memory_space<semaphore_mem>>
      %dma_wait3A_1601 = arith.constant 0 : i32
      %dma_wait3A_1602 = arith.constant 0 : i32
      %dma_wait3A_1603 = tpu.memref_slice %arg4[%add3A_1588, %dma_wait3A_1601, %dma_wait3A_1602] : memref<16384x50x32xf32, #tpu.memory_space<hbm>> -> memref<1x50x32xf32, #tpu.memory_space<hbm>>
      %dma_wait3A_1604 = tpu.memref_squeeze %dma_wait3A_1603 : memref<1x50x32xf32, #tpu.memory_space<hbm>> -> memref<50x32xf32, #tpu.memory_space<hbm>>
      %dma_wait3A_1605 = arith.constant 0 : i32
      %dma_wait3A_1606 = arith.constant 0 : i32
      %dma_wait3A_1607 = tpu.memref_slice %arg6[%dma_wait3A_1589, %dma_wait3A_1605, %dma_wait3A_1606] : memref<8x50x32xf32, #tpu.memory_space<vmem>> -> memref<1x50x32xf32, #tpu.memory_space<vmem>>
      %dma_wait3A_1608 = tpu.memref_squeeze %dma_wait3A_1607 : memref<1x50x32xf32, #tpu.memory_space<vmem>> -> memref<50x32xf32, #tpu.memory_space<vmem>>
      tpu.wait_dma2 semaphore(%dma_wait3A_1600 : memref<!tpu.dma_semaphore, #tpu.memory_space<semaphore_mem>>) src(%dma_wait3A_1608 : memref<50x32xf32, #tpu.memory_space<vmem>>) dst(%dma_wait3A_1604 : memref<50x32xf32, #tpu.memory_space<hbm>>)
      %dma_start3A_1609 = arith.constant 1 : i32
      %dma_start3A_1610 = arith.constant 1 : i32
      %dma_start3A_1611 = arith.constant 0 : i32
      %dma_start3A_1612 = arith.constant 0 : i32
      %dma_start3A_1613 = tpu.memref_slice %arg6[%dma_start3A_1609, %dma_start3A_1611, %dma_start3A_1612] : memref<8x50x32xf32, #tpu.memory_space<vmem>> -> memref<1x50x32xf32, #tpu.memory_space<vmem>>
      %dma_start3A_1614 = tpu.memref_squeeze %dma_start3A_1613 : memref<1x50x32xf32, #tpu.memory_space<vmem>> -> memref<50x32xf32, #tpu.memory_space<vmem>>
      %dma_start3A_1615 = arith.constant 0 : i32
      %dma_start3A_1616 = tpu.memref_slice %arg5[%add3A_1585, %dma_start3A_1615] : memref<512x50xi32, #tpu.memory_space<vmem>> -> memref<1x50xi32, #tpu.memory_space<vmem>>
      %dma_start3A_1617 = tpu.memref_squeeze %dma_start3A_1616 : memref<1x50xi32, #tpu.memory_space<vmem>> -> memref<50xi32, #tpu.memory_space<vmem>>
      %dma_start3A_1618 = arith.constant 0 : i32
      %dma_start3A_1619 = arith.constant 0 : i32
      %dma_start3A_1620 = tpu.memref_slice %arg3[%dma_start3A_1618, %dma_start3A_1619] : memref<1000000x32xf32, #tpu.memory_space<hbm>> -> memref<1000000x32xf32, #tpu.memory_space<hbm>>
      %dma_start3A_1621 = tpu.memref_slice %arg7[%dma_start3A_1610] : memref<8x!tpu.dma_semaphore, #tpu.memory_space<semaphore_mem>> -> memref<1x!tpu.dma_semaphore, #tpu.memory_space<semaphore_mem>>
      %dma_start3A_1622 = tpu.memref_squeeze %dma_start3A_1621 : memref<1x!tpu.dma_semaphore, #tpu.memory_space<semaphore_mem>> -> memref<!tpu.dma_semaphore, #tpu.memory_space<semaphore_mem>>
      tpu.enqueue_indirect_dma source(%dma_start3A_1620 : memref<1000000x32xf32, #tpu.memory_space<hbm>>) target(%dma_start3A_1614 : memref<50x32xf32, #tpu.memory_space<vmem>>) offsets(%dma_start3A_1617 : memref<50xi32, #tpu.memory_space<vmem>>) semaphore(%dma_start3A_1622 : memref<!tpu.dma_semaphore, #tpu.memory_space<semaphore_mem>>)
      %dma_wait3A_1623 = arith.constant 5 : i32
      %dma_wait3A_1624 = arith.constant 5 : i32
      %dma_wait3A_1625 = arith.constant 0 : i32
      %dma_wait3A_1626 = arith.constant 0 : i32
      %dma_wait3A_1627 = tpu.memref_slice %arg6[%dma_wait3A_1623, %dma_wait3A_1625, %dma_wait3A_1626] : memref<8x50x32xf32, #tpu.memory_space<vmem>> -> memref<1x50x32xf32, #tpu.memory_space<vmem>>
      %dma_wait3A_1628 = tpu.memref_squeeze %dma_wait3A_1627 : memref<1x50x32xf32, #tpu.memory_space<vmem>> -> memref<50x32xf32, #tpu.memory_space<vmem>>
      %dma_wait3A_1629 = arith.constant 0 : i32
      %dma_wait3A_1630 = tpu.memref_slice %arg5[%add3A_1583, %dma_wait3A_1629] : memref<512x50xi32, #tpu.memory_space<vmem>> -> memref<1x50xi32, #tpu.memory_space<vmem>>
      %dma_wait3A_1631 = tpu.memref_squeeze %dma_wait3A_1630 : memref<1x50xi32, #tpu.memory_space<vmem>> -> memref<50xi32, #tpu.memory_space<vmem>>
      %dma_wait3A_1632 = arith.constant 0 : i32
      %dma_wait3A_1633 = arith.constant 0 : i32
      %dma_wait3A_1634 = tpu.memref_slice %arg3[%dma_wait3A_1632, %dma_wait3A_1633] : memref<1000000x32xf32, #tpu.memory_space<hbm>> -> memref<1000000x32xf32, #tpu.memory_space<hbm>>
      %dma_wait3A_1635 = tpu.memref_slice %arg7[%dma_wait3A_1624] : memref<8x!tpu.dma_semaphore, #tpu.memory_space<semaphore_mem>> -> memref<1x!tpu.dma_semaphore, #tpu.memory_space<semaphore_mem>>
      %dma_wait3A_1636 = tpu.memref_squeeze %dma_wait3A_1635 : memref<1x!tpu.dma_semaphore, #tpu.memory_space<semaphore_mem>> -> memref<!tpu.dma_semaphore, #tpu.memory_space<semaphore_mem>>
      tpu.wait_indirect_dma semaphore(%dma_wait3A_1636 : memref<!tpu.dma_semaphore, #tpu.memory_space<semaphore_mem>>) src(%dma_wait3A_1634 : memref<1000000x32xf32, #tpu.memory_space<hbm>>) dst(%dma_wait3A_1628 : memref<50x32xf32, #tpu.memory_space<vmem>>)
      %add3A_1637 = arith.addi %mul3A_2, %add3A_1583 : i32
      %dma_start3A_1638 = arith.constant 5 : i32
      %dma_start3A_1639 = arith.constant 5 : i32
      %dma_start3A_1640 = arith.constant 0 : i32
      %dma_start3A_1641 = arith.constant 0 : i32
      %dma_start3A_1642 = tpu.memref_slice %arg6[%dma_start3A_1638, %dma_start3A_1640, %dma_start3A_1641] : memref<8x50x32xf32, #tpu.memory_space<vmem>> -> memref<1x50x32xf32, #tpu.memory_space<vmem>>
      %dma_start3A_1643 = tpu.memref_squeeze %dma_start3A_1642 : memref<1x50x32xf32, #tpu.memory_space<vmem>> -> memref<50x32xf32, #tpu.memory_space<vmem>>
      %dma_start3A_1644 = arith.constant 0 : i32
      %dma_start3A_1645 = arith.constant 0 : i32
      %dma_start3A_1646 = tpu.memref_slice %arg4[%add3A_1637, %dma_start3A_1644, %dma_start3A_1645] : memref<16384x50x32xf32, #tpu.memory_space<hbm>> -> memref<1x50x32xf32, #tpu.memory_space<hbm>>
      %dma_start3A_1647 = tpu.memref_squeeze %dma_start3A_1646 : memref<1x50x32xf32, #tpu.memory_space<hbm>> -> memref<50x32xf32, #tpu.memory_space<hbm>>
      %dma_start3A_1648 = tpu.memref_slice %arg8[%dma_start3A_1639] : memref<8x!tpu.dma_semaphore, #tpu.memory_space<semaphore_mem>> -> memref<1x!tpu.dma_semaphore, #tpu.memory_space<semaphore_mem>>
      %dma_start3A_1649 = tpu.memref_squeeze %dma_start3A_1648 : memref<1x!tpu.dma_semaphore, #tpu.memory_space<semaphore_mem>> -> memref<!tpu.dma_semaphore, #tpu.memory_space<semaphore_mem>>
      %dma_start3A_1650 = arith.constant 0 : i32
      %dma_start3A_1651 = arith.constant 0 : i32
      %dma_start3A_1652 = tpu.memref_slice %arg4[%add3A_1637, %dma_start3A_1650, %dma_start3A_1651] : memref<16384x50x32xf32, #tpu.memory_space<hbm>> -> memref<1x50x32xf32, #tpu.memory_space<hbm>>
      %dma_start3A_1653 = tpu.memref_squeeze %dma_start3A_1652 : memref<1x50x32xf32, #tpu.memory_space<hbm>> -> memref<50x32xf32, #tpu.memory_space<hbm>>
      %dma_start3A_1654 = arith.constant 0 : i32
      %dma_start3A_1655 = arith.constant 0 : i32
      %dma_start3A_1656 = tpu.memref_slice %arg6[%dma_start3A_1638, %dma_start3A_1654, %dma_start3A_1655] : memref<8x50x32xf32, #tpu.memory_space<vmem>> -> memref<1x50x32xf32, #tpu.memory_space<vmem>>
      %dma_start3A_1657 = tpu.memref_squeeze %dma_start3A_1656 : memref<1x50x32xf32, #tpu.memory_space<vmem>> -> memref<50x32xf32, #tpu.memory_space<vmem>>
      tpu.enqueue_dma source(%dma_start3A_1657 : memref<50x32xf32, #tpu.memory_space<vmem>>) target(%dma_start3A_1653 : memref<50x32xf32, #tpu.memory_space<hbm>>) target_semaphore(%dma_start3A_1649 : memref<!tpu.dma_semaphore, #tpu.memory_space<semaphore_mem>>)
      %mul3A_1658 = arith.constant 8 : i32
      %mul3A_1659 = arith.muli %scan3A_1190, %mul3A_1658 : i32
      %add3A_1660 = arith.constant 6 : i32
      %add3A_1661 = arith.addi %mul3A_1659, %add3A_1660 : i32
      %add3A_1662 = arith.constant 4 : i32
      %add3A_1663 = arith.addi %add3A_1661, %add3A_1662 : i32
      %sub3A_1664 = arith.constant 8 : i32
      %sub3A_1665 = arith.subi %add3A_1663, %sub3A_1664 : i32
      %add3A_1666 = arith.addi %mul3A_2, %sub3A_1665 : i32
      %dma_wait3A_1667 = arith.constant 2 : i32
      %dma_wait3A_1668 = arith.constant 2 : i32
      %dma_wait3A_1669 = arith.constant 0 : i32
      %dma_wait3A_1670 = arith.constant 0 : i32
      %dma_wait3A_1671 = tpu.memref_slice %arg6[%dma_wait3A_1667, %dma_wait3A_1669, %dma_wait3A_1670] : memref<8x50x32xf32, #tpu.memory_space<vmem>> -> memref<1x50x32xf32, #tpu.memory_space<vmem>>
      %dma_wait3A_1672 = tpu.memref_squeeze %dma_wait3A_1671 : memref<1x50x32xf32, #tpu.memory_space<vmem>> -> memref<50x32xf32, #tpu.memory_space<vmem>>
      %dma_wait3A_1673 = arith.constant 0 : i32
      %dma_wait3A_1674 = arith.constant 0 : i32
      %dma_wait3A_1675 = tpu.memref_slice %arg4[%add3A_1666, %dma_wait3A_1673, %dma_wait3A_1674] : memref<16384x50x32xf32, #tpu.memory_space<hbm>> -> memref<1x50x32xf32, #tpu.memory_space<hbm>>
      %dma_wait3A_1676 = tpu.memref_squeeze %dma_wait3A_1675 : memref<1x50x32xf32, #tpu.memory_space<hbm>> -> memref<50x32xf32, #tpu.memory_space<hbm>>
      %dma_wait3A_1677 = tpu.memref_slice %arg8[%dma_wait3A_1668] : memref<8x!tpu.dma_semaphore, #tpu.memory_space<semaphore_mem>> -> memref<1x!tpu.dma_semaphore, #tpu.memory_space<semaphore_mem>>
      %dma_wait3A_1678 = tpu.memref_squeeze %dma_wait3A_1677 : memref<1x!tpu.dma_semaphore, #tpu.memory_space<semaphore_mem>> -> memref<!tpu.dma_semaphore, #tpu.memory_space<semaphore_mem>>
      %dma_wait3A_1679 = arith.constant 0 : i32
      %dma_wait3A_1680 = arith.constant 0 : i32
      %dma_wait3A_1681 = tpu.memref_slice %arg4[%add3A_1666, %dma_wait3A_1679, %dma_wait3A_1680] : memref<16384x50x32xf32, #tpu.memory_space<hbm>> -> memref<1x50x32xf32, #tpu.memory_space<hbm>>
      %dma_wait3A_1682 = tpu.memref_squeeze %dma_wait3A_1681 : memref<1x50x32xf32, #tpu.memory_space<hbm>> -> memref<50x32xf32, #tpu.memory_space<hbm>>
      %dma_wait3A_1683 = arith.constant 0 : i32
      %dma_wait3A_1684 = arith.constant 0 : i32
      %dma_wait3A_1685 = tpu.memref_slice %arg6[%dma_wait3A_1667, %dma_wait3A_1683, %dma_wait3A_1684] : memref<8x50x32xf32, #tpu.memory_space<vmem>> -> memref<1x50x32xf32, #tpu.memory_space<vmem>>
      %dma_wait3A_1686 = tpu.memref_squeeze %dma_wait3A_1685 : memref<1x50x32xf32, #tpu.memory_space<vmem>> -> memref<50x32xf32, #tpu.memory_space<vmem>>
      tpu.wait_dma2 semaphore(%dma_wait3A_1678 : memref<!tpu.dma_semaphore, #tpu.memory_space<semaphore_mem>>) src(%dma_wait3A_1686 : memref<50x32xf32, #tpu.memory_space<vmem>>) dst(%dma_wait3A_1682 : memref<50x32xf32, #tpu.memory_space<hbm>>)
      %dma_start3A_1687 = arith.constant 2 : i32
      %dma_start3A_1688 = arith.constant 2 : i32
      %dma_start3A_1689 = arith.constant 0 : i32
      %dma_start3A_1690 = arith.constant 0 : i32
      %dma_start3A_1691 = tpu.memref_slice %arg6[%dma_start3A_1687, %dma_start3A_1689, %dma_start3A_1690] : memref<8x50x32xf32, #tpu.memory_space<vmem>> -> memref<1x50x32xf32, #tpu.memory_space<vmem>>
      %dma_start3A_1692 = tpu.memref_squeeze %dma_start3A_1691 : memref<1x50x32xf32, #tpu.memory_space<vmem>> -> memref<50x32xf32, #tpu.memory_space<vmem>>
      %dma_start3A_1693 = arith.constant 0 : i32
      %dma_start3A_1694 = tpu.memref_slice %arg5[%add3A_1663, %dma_start3A_1693] : memref<512x50xi32, #tpu.memory_space<vmem>> -> memref<1x50xi32, #tpu.memory_space<vmem>>
      %dma_start3A_1695 = tpu.memref_squeeze %dma_start3A_1694 : memref<1x50xi32, #tpu.memory_space<vmem>> -> memref<50xi32, #tpu.memory_space<vmem>>
      %dma_start3A_1696 = arith.constant 0 : i32
      %dma_start3A_1697 = arith.constant 0 : i32
      %dma_start3A_1698 = tpu.memref_slice %arg3[%dma_start3A_1696, %dma_start3A_1697] : memref<1000000x32xf32, #tpu.memory_space<hbm>> -> memref<1000000x32xf32, #tpu.memory_space<hbm>>
      %dma_start3A_1699 = tpu.memref_slice %arg7[%dma_start3A_1688] : memref<8x!tpu.dma_semaphore, #tpu.memory_space<semaphore_mem>> -> memref<1x!tpu.dma_semaphore, #tpu.memory_space<semaphore_mem>>
      %dma_start3A_1700 = tpu.memref_squeeze %dma_start3A_1699 : memref<1x!tpu.dma_semaphore, #tpu.memory_space<semaphore_mem>> -> memref<!tpu.dma_semaphore, #tpu.memory_space<semaphore_mem>>
      tpu.enqueue_indirect_dma source(%dma_start3A_1698 : memref<1000000x32xf32, #tpu.memory_space<hbm>>) target(%dma_start3A_1692 : memref<50x32xf32, #tpu.memory_space<vmem>>) offsets(%dma_start3A_1695 : memref<50xi32, #tpu.memory_space<vmem>>) semaphore(%dma_start3A_1700 : memref<!tpu.dma_semaphore, #tpu.memory_space<semaphore_mem>>)
      %dma_wait3A_1701 = arith.constant 6 : i32
      %dma_wait3A_1702 = arith.constant 6 : i32
      %dma_wait3A_1703 = arith.constant 0 : i32
      %dma_wait3A_1704 = arith.constant 0 : i32
      %dma_wait3A_1705 = tpu.memref_slice %arg6[%dma_wait3A_1701, %dma_wait3A_1703, %dma_wait3A_1704] : memref<8x50x32xf32, #tpu.memory_space<vmem>> -> memref<1x50x32xf32, #tpu.memory_space<vmem>>
      %dma_wait3A_1706 = tpu.memref_squeeze %dma_wait3A_1705 : memref<1x50x32xf32, #tpu.memory_space<vmem>> -> memref<50x32xf32, #tpu.memory_space<vmem>>
      %dma_wait3A_1707 = arith.constant 0 : i32
      %dma_wait3A_1708 = tpu.memref_slice %arg5[%add3A_1661, %dma_wait3A_1707] : memref<512x50xi32, #tpu.memory_space<vmem>> -> memref<1x50xi32, #tpu.memory_space<vmem>>
      %dma_wait3A_1709 = tpu.memref_squeeze %dma_wait3A_1708 : memref<1x50xi32, #tpu.memory_space<vmem>> -> memref<50xi32, #tpu.memory_space<vmem>>
      %dma_wait3A_1710 = arith.constant 0 : i32
      %dma_wait3A_1711 = arith.constant 0 : i32
      %dma_wait3A_1712 = tpu.memref_slice %arg3[%dma_wait3A_1710, %dma_wait3A_1711] : memref<1000000x32xf32, #tpu.memory_space<hbm>> -> memref<1000000x32xf32, #tpu.memory_space<hbm>>
      %dma_wait3A_1713 = tpu.memref_slice %arg7[%dma_wait3A_1702] : memref<8x!tpu.dma_semaphore, #tpu.memory_space<semaphore_mem>> -> memref<1x!tpu.dma_semaphore, #tpu.memory_space<semaphore_mem>>
      %dma_wait3A_1714 = tpu.memref_squeeze %dma_wait3A_1713 : memref<1x!tpu.dma_semaphore, #tpu.memory_space<semaphore_mem>> -> memref<!tpu.dma_semaphore, #tpu.memory_space<semaphore_mem>>
      tpu.wait_indirect_dma semaphore(%dma_wait3A_1714 : memref<!tpu.dma_semaphore, #tpu.memory_space<semaphore_mem>>) src(%dma_wait3A_1712 : memref<1000000x32xf32, #tpu.memory_space<hbm>>) dst(%dma_wait3A_1706 : memref<50x32xf32, #tpu.memory_space<vmem>>)
      %add3A_1715 = arith.addi %mul3A_2, %add3A_1661 : i32
      %dma_start3A_1716 = arith.constant 6 : i32
      %dma_start3A_1717 = arith.constant 6 : i32
      %dma_start3A_1718 = arith.constant 0 : i32
      %dma_start3A_1719 = arith.constant 0 : i32
      %dma_start3A_1720 = tpu.memref_slice %arg6[%dma_start3A_1716, %dma_start3A_1718, %dma_start3A_1719] : memref<8x50x32xf32, #tpu.memory_space<vmem>> -> memref<1x50x32xf32, #tpu.memory_space<vmem>>
      %dma_start3A_1721 = tpu.memref_squeeze %dma_start3A_1720 : memref<1x50x32xf32, #tpu.memory_space<vmem>> -> memref<50x32xf32, #tpu.memory_space<vmem>>
      %dma_start3A_1722 = arith.constant 0 : i32
      %dma_start3A_1723 = arith.constant 0 : i32
      %dma_start3A_1724 = tpu.memref_slice %arg4[%add3A_1715, %dma_start3A_1722, %dma_start3A_1723] : memref<16384x50x32xf32, #tpu.memory_space<hbm>> -> memref<1x50x32xf32, #tpu.memory_space<hbm>>
      %dma_start3A_1725 = tpu.memref_squeeze %dma_start3A_1724 : memref<1x50x32xf32, #tpu.memory_space<hbm>> -> memref<50x32xf32, #tpu.memory_space<hbm>>
      %dma_start3A_1726 = tpu.memref_slice %arg8[%dma_start3A_1717] : memref<8x!tpu.dma_semaphore, #tpu.memory_space<semaphore_mem>> -> memref<1x!tpu.dma_semaphore, #tpu.memory_space<semaphore_mem>>
      %dma_start3A_1727 = tpu.memref_squeeze %dma_start3A_1726 : memref<1x!tpu.dma_semaphore, #tpu.memory_space<semaphore_mem>> -> memref<!tpu.dma_semaphore, #tpu.memory_space<semaphore_mem>>
      %dma_start3A_1728 = arith.constant 0 : i32
      %dma_start3A_1729 = arith.constant 0 : i32
      %dma_start3A_1730 = tpu.memref_slice %arg4[%add3A_1715, %dma_start3A_1728, %dma_start3A_1729] : memref<16384x50x32xf32, #tpu.memory_space<hbm>> -> memref<1x50x32xf32, #tpu.memory_space<hbm>>
      %dma_start3A_1731 = tpu.memref_squeeze %dma_start3A_1730 : memref<1x50x32xf32, #tpu.memory_space<hbm>> -> memref<50x32xf32, #tpu.memory_space<hbm>>
      %dma_start3A_1732 = arith.constant 0 : i32
      %dma_start3A_1733 = arith.constant 0 : i32
      %dma_start3A_1734 = tpu.memref_slice %arg6[%dma_start3A_1716, %dma_start3A_1732, %dma_start3A_1733] : memref<8x50x32xf32, #tpu.memory_space<vmem>> -> memref<1x50x32xf32, #tpu.memory_space<vmem>>
      %dma_start3A_1735 = tpu.memref_squeeze %dma_start3A_1734 : memref<1x50x32xf32, #tpu.memory_space<vmem>> -> memref<50x32xf32, #tpu.memory_space<vmem>>
      tpu.enqueue_dma source(%dma_start3A_1735 : memref<50x32xf32, #tpu.memory_space<vmem>>) target(%dma_start3A_1731 : memref<50x32xf32, #tpu.memory_space<hbm>>) target_semaphore(%dma_start3A_1727 : memref<!tpu.dma_semaphore, #tpu.memory_space<semaphore_mem>>)
      %mul3A_1736 = arith.constant 8 : i32
      %mul3A_1737 = arith.muli %scan3A_1190, %mul3A_1736 : i32
      %add3A_1738 = arith.constant 7 : i32
      %add3A_1739 = arith.addi %mul3A_1737, %add3A_1738 : i32
      %add3A_1740 = arith.constant 4 : i32
      %add3A_1741 = arith.addi %add3A_1739, %add3A_1740 : i32
      %sub3A_1742 = arith.constant 8 : i32
      %sub3A_1743 = arith.subi %add3A_1741, %sub3A_1742 : i32
      %add3A_1744 = arith.addi %mul3A_2, %sub3A_1743 : i32
      %dma_wait3A_1745 = arith.constant 3 : i32
      %dma_wait3A_1746 = arith.constant 3 : i32
      %dma_wait3A_1747 = arith.constant 0 : i32
      %dma_wait3A_1748 = arith.constant 0 : i32
      %dma_wait3A_1749 = tpu.memref_slice %arg6[%dma_wait3A_1745, %dma_wait3A_1747, %dma_wait3A_1748] : memref<8x50x32xf32, #tpu.memory_space<vmem>> -> memref<1x50x32xf32, #tpu.memory_space<vmem>>
      %dma_wait3A_1750 = tpu.memref_squeeze %dma_wait3A_1749 : memref<1x50x32xf32, #tpu.memory_space<vmem>> -> memref<50x32xf32, #tpu.memory_space<vmem>>
      %dma_wait3A_1751 = arith.constant 0 : i32
      %dma_wait3A_1752 = arith.constant 0 : i32
      %dma_wait3A_1753 = tpu.memref_slice %arg4[%add3A_1744, %dma_wait3A_1751, %dma_wait3A_1752] : memref<16384x50x32xf32, #tpu.memory_space<hbm>> -> memref<1x50x32xf32, #tpu.memory_space<hbm>>
      %dma_wait3A_1754 = tpu.memref_squeeze %dma_wait3A_1753 : memref<1x50x32xf32, #tpu.memory_space<hbm>> -> memref<50x32xf32, #tpu.memory_space<hbm>>
      %dma_wait3A_1755 = tpu.memref_slice %arg8[%dma_wait3A_1746] : memref<8x!tpu.dma_semaphore, #tpu.memory_space<semaphore_mem>> -> memref<1x!tpu.dma_semaphore, #tpu.memory_space<semaphore_mem>>
      %dma_wait3A_1756 = tpu.memref_squeeze %dma_wait3A_1755 : memref<1x!tpu.dma_semaphore, #tpu.memory_space<semaphore_mem>> -> memref<!tpu.dma_semaphore, #tpu.memory_space<semaphore_mem>>
      %dma_wait3A_1757 = arith.constant 0 : i32
      %dma_wait3A_1758 = arith.constant 0 : i32
      %dma_wait3A_1759 = tpu.memref_slice %arg4[%add3A_1744, %dma_wait3A_1757, %dma_wait3A_1758] : memref<16384x50x32xf32, #tpu.memory_space<hbm>> -> memref<1x50x32xf32, #tpu.memory_space<hbm>>
      %dma_wait3A_1760 = tpu.memref_squeeze %dma_wait3A_1759 : memref<1x50x32xf32, #tpu.memory_space<hbm>> -> memref<50x32xf32, #tpu.memory_space<hbm>>
      %dma_wait3A_1761 = arith.constant 0 : i32
      %dma_wait3A_1762 = arith.constant 0 : i32
      %dma_wait3A_1763 = tpu.memref_slice %arg6[%dma_wait3A_1745, %dma_wait3A_1761, %dma_wait3A_1762] : memref<8x50x32xf32, #tpu.memory_space<vmem>> -> memref<1x50x32xf32, #tpu.memory_space<vmem>>
      %dma_wait3A_1764 = tpu.memref_squeeze %dma_wait3A_1763 : memref<1x50x32xf32, #tpu.memory_space<vmem>> -> memref<50x32xf32, #tpu.memory_space<vmem>>
      tpu.wait_dma2 semaphore(%dma_wait3A_1756 : memref<!tpu.dma_semaphore, #tpu.memory_space<semaphore_mem>>) src(%dma_wait3A_1764 : memref<50x32xf32, #tpu.memory_space<vmem>>) dst(%dma_wait3A_1760 : memref<50x32xf32, #tpu.memory_space<hbm>>)
      %dma_start3A_1765 = arith.constant 3 : i32
      %dma_start3A_1766 = arith.constant 3 : i32
      %dma_start3A_1767 = arith.constant 0 : i32
      %dma_start3A_1768 = arith.constant 0 : i32
      %dma_start3A_1769 = tpu.memref_slice %arg6[%dma_start3A_1765, %dma_start3A_1767, %dma_start3A_1768] : memref<8x50x32xf32, #tpu.memory_space<vmem>> -> memref<1x50x32xf32, #tpu.memory_space<vmem>>
      %dma_start3A_1770 = tpu.memref_squeeze %dma_start3A_1769 : memref<1x50x32xf32, #tpu.memory_space<vmem>> -> memref<50x32xf32, #tpu.memory_space<vmem>>
      %dma_start3A_1771 = arith.constant 0 : i32
      %dma_start3A_1772 = tpu.memref_slice %arg5[%add3A_1741, %dma_start3A_1771] : memref<512x50xi32, #tpu.memory_space<vmem>> -> memref<1x50xi32, #tpu.memory_space<vmem>>
      %dma_start3A_1773 = tpu.memref_squeeze %dma_start3A_1772 : memref<1x50xi32, #tpu.memory_space<vmem>> -> memref<50xi32, #tpu.memory_space<vmem>>
      %dma_start3A_1774 = arith.constant 0 : i32
      %dma_start3A_1775 = arith.constant 0 : i32
      %dma_start3A_1776 = tpu.memref_slice %arg3[%dma_start3A_1774, %dma_start3A_1775] : memref<1000000x32xf32, #tpu.memory_space<hbm>> -> memref<1000000x32xf32, #tpu.memory_space<hbm>>
      %dma_start3A_1777 = tpu.memref_slice %arg7[%dma_start3A_1766] : memref<8x!tpu.dma_semaphore, #tpu.memory_space<semaphore_mem>> -> memref<1x!tpu.dma_semaphore, #tpu.memory_space<semaphore_mem>>
      %dma_start3A_1778 = tpu.memref_squeeze %dma_start3A_1777 : memref<1x!tpu.dma_semaphore, #tpu.memory_space<semaphore_mem>> -> memref<!tpu.dma_semaphore, #tpu.memory_space<semaphore_mem>>
      tpu.enqueue_indirect_dma source(%dma_start3A_1776 : memref<1000000x32xf32, #tpu.memory_space<hbm>>) target(%dma_start3A_1770 : memref<50x32xf32, #tpu.memory_space<vmem>>) offsets(%dma_start3A_1773 : memref<50xi32, #tpu.memory_space<vmem>>) semaphore(%dma_start3A_1778 : memref<!tpu.dma_semaphore, #tpu.memory_space<semaphore_mem>>)
      %dma_wait3A_1779 = arith.constant 7 : i32
      %dma_wait3A_1780 = arith.constant 7 : i32
      %dma_wait3A_1781 = arith.constant 0 : i32
      %dma_wait3A_1782 = arith.constant 0 : i32
      %dma_wait3A_1783 = tpu.memref_slice %arg6[%dma_wait3A_1779, %dma_wait3A_1781, %dma_wait3A_1782] : memref<8x50x32xf32, #tpu.memory_space<vmem>> -> memref<1x50x32xf32, #tpu.memory_space<vmem>>
      %dma_wait3A_1784 = tpu.memref_squeeze %dma_wait3A_1783 : memref<1x50x32xf32, #tpu.memory_space<vmem>> -> memref<50x32xf32, #tpu.memory_space<vmem>>
      %dma_wait3A_1785 = arith.constant 0 : i32
      %dma_wait3A_1786 = tpu.memref_slice %arg5[%add3A_1739, %dma_wait3A_1785] : memref<512x50xi32, #tpu.memory_space<vmem>> -> memref<1x50xi32, #tpu.memory_space<vmem>>
      %dma_wait3A_1787 = tpu.memref_squeeze %dma_wait3A_1786 : memref<1x50xi32, #tpu.memory_space<vmem>> -> memref<50xi32, #tpu.memory_space<vmem>>
      %dma_wait3A_1788 = arith.constant 0 : i32
      %dma_wait3A_1789 = arith.constant 0 : i32
      %dma_wait3A_1790 = tpu.memref_slice %arg3[%dma_wait3A_1788, %dma_wait3A_1789] : memref<1000000x32xf32, #tpu.memory_space<hbm>> -> memref<1000000x32xf32, #tpu.memory_space<hbm>>
      %dma_wait3A_1791 = tpu.memref_slice %arg7[%dma_wait3A_1780] : memref<8x!tpu.dma_semaphore, #tpu.memory_space<semaphore_mem>> -> memref<1x!tpu.dma_semaphore, #tpu.memory_space<semaphore_mem>>
      %dma_wait3A_1792 = tpu.memref_squeeze %dma_wait3A_1791 : memref<1x!tpu.dma_semaphore, #tpu.memory_space<semaphore_mem>> -> memref<!tpu.dma_semaphore, #tpu.memory_space<semaphore_mem>>
      tpu.wait_indirect_dma semaphore(%dma_wait3A_1792 : memref<!tpu.dma_semaphore, #tpu.memory_space<semaphore_mem>>) src(%dma_wait3A_1790 : memref<1000000x32xf32, #tpu.memory_space<hbm>>) dst(%dma_wait3A_1784 : memref<50x32xf32, #tpu.memory_space<vmem>>)
      %add3A_1793 = arith.addi %mul3A_2, %add3A_1739 : i32
      %dma_start3A_1794 = arith.constant 7 : i32
      %dma_start3A_1795 = arith.constant 7 : i32
      %dma_start3A_1796 = arith.constant 0 : i32
      %dma_start3A_1797 = arith.constant 0 : i32
      %dma_start3A_1798 = tpu.memref_slice %arg6[%dma_start3A_1794, %dma_start3A_1796, %dma_start3A_1797] : memref<8x50x32xf32, #tpu.memory_space<vmem>> -> memref<1x50x32xf32, #tpu.memory_space<vmem>>
      %dma_start3A_1799 = tpu.memref_squeeze %dma_start3A_1798 : memref<1x50x32xf32, #tpu.memory_space<vmem>> -> memref<50x32xf32, #tpu.memory_space<vmem>>
      %dma_start3A_1800 = arith.constant 0 : i32
      %dma_start3A_1801 = arith.constant 0 : i32
      %dma_start3A_1802 = tpu.memref_slice %arg4[%add3A_1793, %dma_start3A_1800, %dma_start3A_1801] : memref<16384x50x32xf32, #tpu.memory_space<hbm>> -> memref<1x50x32xf32, #tpu.memory_space<hbm>>
      %dma_start3A_1803 = tpu.memref_squeeze %dma_start3A_1802 : memref<1x50x32xf32, #tpu.memory_space<hbm>> -> memref<50x32xf32, #tpu.memory_space<hbm>>
      %dma_start3A_1804 = tpu.memref_slice %arg8[%dma_start3A_1795] : memref<8x!tpu.dma_semaphore, #tpu.memory_space<semaphore_mem>> -> memref<1x!tpu.dma_semaphore, #tpu.memory_space<semaphore_mem>>
      %dma_start3A_1805 = tpu.memref_squeeze %dma_start3A_1804 : memref<1x!tpu.dma_semaphore, #tpu.memory_space<semaphore_mem>> -> memref<!tpu.dma_semaphore, #tpu.memory_space<semaphore_mem>>
      %dma_start3A_1806 = arith.constant 0 : i32
      %dma_start3A_1807 = arith.constant 0 : i32
      %dma_start3A_1808 = tpu.memref_slice %arg4[%add3A_1793, %dma_start3A_1806, %dma_start3A_1807] : memref<16384x50x32xf32, #tpu.memory_space<hbm>> -> memref<1x50x32xf32, #tpu.memory_space<hbm>>
      %dma_start3A_1809 = tpu.memref_squeeze %dma_start3A_1808 : memref<1x50x32xf32, #tpu.memory_space<hbm>> -> memref<50x32xf32, #tpu.memory_space<hbm>>
      %dma_start3A_1810 = arith.constant 0 : i32
      %dma_start3A_1811 = arith.constant 0 : i32
      %dma_start3A_1812 = tpu.memref_slice %arg6[%dma_start3A_1794, %dma_start3A_1810, %dma_start3A_1811] : memref<8x50x32xf32, #tpu.memory_space<vmem>> -> memref<1x50x32xf32, #tpu.memory_space<vmem>>
      %dma_start3A_1813 = tpu.memref_squeeze %dma_start3A_1812 : memref<1x50x32xf32, #tpu.memory_space<vmem>> -> memref<50x32xf32, #tpu.memory_space<vmem>>
      tpu.enqueue_dma source(%dma_start3A_1813 : memref<50x32xf32, #tpu.memory_space<vmem>>) target(%dma_start3A_1809 : memref<50x32xf32, #tpu.memory_space<hbm>>) target_semaphore(%dma_start3A_1805 : memref<!tpu.dma_semaphore, #tpu.memory_space<semaphore_mem>>)
    }
    %scan3A_569 = arith.constant 62 : i32
    %add3A_570 = arith.constant 500 : i32
    %add3A_571 = arith.addi %mul3A_2, %add3A_570 : i32
    %dma_wait3A_572 = arith.constant 4 : i32
    %dma_wait3A_573 = arith.constant 4 : i32
    %dma_wait3A_574 = arith.constant 0 : i32
    %dma_wait3A_575 = arith.constant 0 : i32
    %dma_wait3A_576 = tpu.memref_slice %arg6[%dma_wait3A_572, %dma_wait3A_574, %dma_wait3A_575] : memref<8x50x32xf32, #tpu.memory_space<vmem>> -> memref<1x50x32xf32, #tpu.memory_space<vmem>>
    %dma_wait3A_577 = tpu.memref_squeeze %dma_wait3A_576 : memref<1x50x32xf32, #tpu.memory_space<vmem>> -> memref<50x32xf32, #tpu.memory_space<vmem>>
    %dma_wait3A_578 = arith.constant 0 : i32
    %dma_wait3A_579 = arith.constant 0 : i32
    %dma_wait3A_580 = tpu.memref_slice %arg4[%add3A_571, %dma_wait3A_578, %dma_wait3A_579] : memref<16384x50x32xf32, #tpu.memory_space<hbm>> -> memref<1x50x32xf32, #tpu.memory_space<hbm>>
    %dma_wait3A_581 = tpu.memref_squeeze %dma_wait3A_580 : memref<1x50x32xf32, #tpu.memory_space<hbm>> -> memref<50x32xf32, #tpu.memory_space<hbm>>
    %dma_wait3A_582 = tpu.memref_slice %arg8[%dma_wait3A_573] : memref<8x!tpu.dma_semaphore, #tpu.memory_space<semaphore_mem>> -> memref<1x!tpu.dma_semaphore, #tpu.memory_space<semaphore_mem>>
    %dma_wait3A_583 = tpu.memref_squeeze %dma_wait3A_582 : memref<1x!tpu.dma_semaphore, #tpu.memory_space<semaphore_mem>> -> memref<!tpu.dma_semaphore, #tpu.memory_space<semaphore_mem>>
    %dma_wait3A_584 = arith.constant 0 : i32
    %dma_wait3A_585 = arith.constant 0 : i32
    %dma_wait3A_586 = tpu.memref_slice %arg4[%add3A_571, %dma_wait3A_584, %dma_wait3A_585] : memref<16384x50x32xf32, #tpu.memory_space<hbm>> -> memref<1x50x32xf32, #tpu.memory_space<hbm>>
    %dma_wait3A_587 = tpu.memref_squeeze %dma_wait3A_586 : memref<1x50x32xf32, #tpu.memory_space<hbm>> -> memref<50x32xf32, #tpu.memory_space<hbm>>
    %dma_wait3A_588 = arith.constant 0 : i32
    %dma_wait3A_589 = arith.constant 0 : i32
    %dma_wait3A_590 = tpu.memref_slice %arg6[%dma_wait3A_572, %dma_wait3A_588, %dma_wait3A_589] : memref<8x50x32xf32, #tpu.memory_space<vmem>> -> memref<1x50x32xf32, #tpu.memory_space<vmem>>
    %dma_wait3A_591 = tpu.memref_squeeze %dma_wait3A_590 : memref<1x50x32xf32, #tpu.memory_space<vmem>> -> memref<50x32xf32, #tpu.memory_space<vmem>>
    tpu.wait_dma2 semaphore(%dma_wait3A_583 : memref<!tpu.dma_semaphore, #tpu.memory_space<semaphore_mem>>) src(%dma_wait3A_591 : memref<50x32xf32, #tpu.memory_space<vmem>>) dst(%dma_wait3A_587 : memref<50x32xf32, #tpu.memory_space<hbm>>)
    %dma_start3A_592 = arith.constant 508 : i32
    %dma_start3A_593 = arith.constant 4 : i32
    %dma_start3A_594 = arith.constant 4 : i32
    %dma_start3A_595 = arith.constant 0 : i32
    %dma_start3A_596 = arith.constant 0 : i32
    %dma_start3A_597 = tpu.memref_slice %arg6[%dma_start3A_593, %dma_start3A_595, %dma_start3A_596] : memref<8x50x32xf32, #tpu.memory_space<vmem>> -> memref<1x50x32xf32, #tpu.memory_space<vmem>>
    %dma_start3A_598 = tpu.memref_squeeze %dma_start3A_597 : memref<1x50x32xf32, #tpu.memory_space<vmem>> -> memref<50x32xf32, #tpu.memory_space<vmem>>
    %dma_start3A_599 = arith.constant 0 : i32
    %dma_start3A_600 = tpu.memref_slice %arg5[%dma_start3A_592, %dma_start3A_599] : memref<512x50xi32, #tpu.memory_space<vmem>> -> memref<1x50xi32, #tpu.memory_space<vmem>>
    %dma_start3A_601 = tpu.memref_squeeze %dma_start3A_600 : memref<1x50xi32, #tpu.memory_space<vmem>> -> memref<50xi32, #tpu.memory_space<vmem>>
    %dma_start3A_602 = arith.constant 0 : i32
    %dma_start3A_603 = arith.constant 0 : i32
    %dma_start3A_604 = tpu.memref_slice %arg3[%dma_start3A_602, %dma_start3A_603] : memref<1000000x32xf32, #tpu.memory_space<hbm>> -> memref<1000000x32xf32, #tpu.memory_space<hbm>>
    %dma_start3A_605 = tpu.memref_slice %arg7[%dma_start3A_594] : memref<8x!tpu.dma_semaphore, #tpu.memory_space<semaphore_mem>> -> memref<1x!tpu.dma_semaphore, #tpu.memory_space<semaphore_mem>>
    %dma_start3A_606 = tpu.memref_squeeze %dma_start3A_605 : memref<1x!tpu.dma_semaphore, #tpu.memory_space<semaphore_mem>> -> memref<!tpu.dma_semaphore, #tpu.memory_space<semaphore_mem>>
    tpu.enqueue_indirect_dma source(%dma_start3A_604 : memref<1000000x32xf32, #tpu.memory_space<hbm>>) target(%dma_start3A_598 : memref<50x32xf32, #tpu.memory_space<vmem>>) offsets(%dma_start3A_601 : memref<50xi32, #tpu.memory_space<vmem>>) semaphore(%dma_start3A_606 : memref<!tpu.dma_semaphore, #tpu.memory_space<semaphore_mem>>)
    %dma_wait3A_607 = arith.constant 504 : i32
    %dma_wait3A_608 = arith.constant 0 : i32
    %dma_wait3A_609 = arith.constant 0 : i32
    %dma_wait3A_610 = arith.constant 0 : i32
    %dma_wait3A_611 = arith.constant 0 : i32
    %dma_wait3A_612 = tpu.memref_slice %arg6[%dma_wait3A_608, %dma_wait3A_610, %dma_wait3A_611] : memref<8x50x32xf32, #tpu.memory_space<vmem>> -> memref<1x50x32xf32, #tpu.memory_space<vmem>>
    %dma_wait3A_613 = tpu.memref_squeeze %dma_wait3A_612 : memref<1x50x32xf32, #tpu.memory_space<vmem>> -> memref<50x32xf32, #tpu.memory_space<vmem>>
    %dma_wait3A_614 = arith.constant 0 : i32
    %dma_wait3A_615 = tpu.memref_slice %arg5[%dma_wait3A_607, %dma_wait3A_614] : memref<512x50xi32, #tpu.memory_space<vmem>> -> memref<1x50xi32, #tpu.memory_space<vmem>>
    %dma_wait3A_616 = tpu.memref_squeeze %dma_wait3A_615 : memref<1x50xi32, #tpu.memory_space<vmem>> -> memref<50xi32, #tpu.memory_space<vmem>>
    %dma_wait3A_617 = arith.constant 0 : i32
    %dma_wait3A_618 = arith.constant 0 : i32
    %dma_wait3A_619 = tpu.memref_slice %arg3[%dma_wait3A_617, %dma_wait3A_618] : memref<1000000x32xf32, #tpu.memory_space<hbm>> -> memref<1000000x32xf32, #tpu.memory_space<hbm>>
    %dma_wait3A_620 = tpu.memref_slice %arg7[%dma_wait3A_609] : memref<8x!tpu.dma_semaphore, #tpu.memory_space<semaphore_mem>> -> memref<1x!tpu.dma_semaphore, #tpu.memory_space<semaphore_mem>>
    %dma_wait3A_621 = tpu.memref_squeeze %dma_wait3A_620 : memref<1x!tpu.dma_semaphore, #tpu.memory_space<semaphore_mem>> -> memref<!tpu.dma_semaphore, #tpu.memory_space<semaphore_mem>>
    tpu.wait_indirect_dma semaphore(%dma_wait3A_621 : memref<!tpu.dma_semaphore, #tpu.memory_space<semaphore_mem>>) src(%dma_wait3A_619 : memref<1000000x32xf32, #tpu.memory_space<hbm>>) dst(%dma_wait3A_613 : memref<50x32xf32, #tpu.memory_space<vmem>>)
    %add3A_622 = arith.constant 504 : i32
    %add3A_623 = arith.addi %mul3A_2, %add3A_622 : i32
    %dma_start3A_624 = arith.constant 0 : i32
    %dma_start3A_625 = arith.constant 0 : i32
    %dma_start3A_626 = arith.constant 0 : i32
    %dma_start3A_627 = arith.constant 0 : i32
    %dma_start3A_628 = tpu.memref_slice %arg6[%dma_start3A_624, %dma_start3A_626, %dma_start3A_627] : memref<8x50x32xf32, #tpu.memory_space<vmem>> -> memref<1x50x32xf32, #tpu.memory_space<vmem>>
    %dma_start3A_629 = tpu.memref_squeeze %dma_start3A_628 : memref<1x50x32xf32, #tpu.memory_space<vmem>> -> memref<50x32xf32, #tpu.memory_space<vmem>>
    %dma_start3A_630 = arith.constant 0 : i32
    %dma_start3A_631 = arith.constant 0 : i32
    %dma_start3A_632 = tpu.memref_slice %arg4[%add3A_623, %dma_start3A_630, %dma_start3A_631] : memref<16384x50x32xf32, #tpu.memory_space<hbm>> -> memref<1x50x32xf32, #tpu.memory_space<hbm>>
    %dma_start3A_633 = tpu.memref_squeeze %dma_start3A_632 : memref<1x50x32xf32, #tpu.memory_space<hbm>> -> memref<50x32xf32, #tpu.memory_space<hbm>>
    %dma_start3A_634 = tpu.memref_slice %arg8[%dma_start3A_625] : memref<8x!tpu.dma_semaphore, #tpu.memory_space<semaphore_mem>> -> memref<1x!tpu.dma_semaphore, #tpu.memory_space<semaphore_mem>>
    %dma_start3A_635 = tpu.memref_squeeze %dma_start3A_634 : memref<1x!tpu.dma_semaphore, #tpu.memory_space<semaphore_mem>> -> memref<!tpu.dma_semaphore, #tpu.memory_space<semaphore_mem>>
    %dma_start3A_636 = arith.constant 0 : i32
    %dma_start3A_637 = arith.constant 0 : i32
    %dma_start3A_638 = tpu.memref_slice %arg4[%add3A_623, %dma_start3A_636, %dma_start3A_637] : memref<16384x50x32xf32, #tpu.memory_space<hbm>> -> memref<1x50x32xf32, #tpu.memory_space<hbm>>
    %dma_start3A_639 = tpu.memref_squeeze %dma_start3A_638 : memref<1x50x32xf32, #tpu.memory_space<hbm>> -> memref<50x32xf32, #tpu.memory_space<hbm>>
    %dma_start3A_640 = arith.constant 0 : i32
    %dma_start3A_641 = arith.constant 0 : i32
    %dma_start3A_642 = tpu.memref_slice %arg6[%dma_start3A_624, %dma_start3A_640, %dma_start3A_641] : memref<8x50x32xf32, #tpu.memory_space<vmem>> -> memref<1x50x32xf32, #tpu.memory_space<vmem>>
    %dma_start3A_643 = tpu.memref_squeeze %dma_start3A_642 : memref<1x50x32xf32, #tpu.memory_space<vmem>> -> memref<50x32xf32, #tpu.memory_space<vmem>>
    tpu.enqueue_dma source(%dma_start3A_643 : memref<50x32xf32, #tpu.memory_space<vmem>>) target(%dma_start3A_639 : memref<50x32xf32, #tpu.memory_space<hbm>>) target_semaphore(%dma_start3A_635 : memref<!tpu.dma_semaphore, #tpu.memory_space<semaphore_mem>>)
    %add3A_644 = arith.constant 501 : i32
    %add3A_645 = arith.addi %mul3A_2, %add3A_644 : i32
    %dma_wait3A_646 = arith.constant 5 : i32
    %dma_wait3A_647 = arith.constant 5 : i32
    %dma_wait3A_648 = arith.constant 0 : i32
    %dma_wait3A_649 = arith.constant 0 : i32
    %dma_wait3A_650 = tpu.memref_slice %arg6[%dma_wait3A_646, %dma_wait3A_648, %dma_wait3A_649] : memref<8x50x32xf32, #tpu.memory_space<vmem>> -> memref<1x50x32xf32, #tpu.memory_space<vmem>>
    %dma_wait3A_651 = tpu.memref_squeeze %dma_wait3A_650 : memref<1x50x32xf32, #tpu.memory_space<vmem>> -> memref<50x32xf32, #tpu.memory_space<vmem>>
    %dma_wait3A_652 = arith.constant 0 : i32
    %dma_wait3A_653 = arith.constant 0 : i32
    %dma_wait3A_654 = tpu.memref_slice %arg4[%add3A_645, %dma_wait3A_652, %dma_wait3A_653] : memref<16384x50x32xf32, #tpu.memory_space<hbm>> -> memref<1x50x32xf32, #tpu.memory_space<hbm>>
    %dma_wait3A_655 = tpu.memref_squeeze %dma_wait3A_654 : memref<1x50x32xf32, #tpu.memory_space<hbm>> -> memref<50x32xf32, #tpu.memory_space<hbm>>
    %dma_wait3A_656 = tpu.memref_slice %arg8[%dma_wait3A_647] : memref<8x!tpu.dma_semaphore, #tpu.memory_space<semaphore_mem>> -> memref<1x!tpu.dma_semaphore, #tpu.memory_space<semaphore_mem>>
    %dma_wait3A_657 = tpu.memref_squeeze %dma_wait3A_656 : memref<1x!tpu.dma_semaphore, #tpu.memory_space<semaphore_mem>> -> memref<!tpu.dma_semaphore, #tpu.memory_space<semaphore_mem>>
    %dma_wait3A_658 = arith.constant 0 : i32
    %dma_wait3A_659 = arith.constant 0 : i32
    %dma_wait3A_660 = tpu.memref_slice %arg4[%add3A_645, %dma_wait3A_658, %dma_wait3A_659] : memref<16384x50x32xf32, #tpu.memory_space<hbm>> -> memref<1x50x32xf32, #tpu.memory_space<hbm>>
    %dma_wait3A_661 = tpu.memref_squeeze %dma_wait3A_660 : memref<1x50x32xf32, #tpu.memory_space<hbm>> -> memref<50x32xf32, #tpu.memory_space<hbm>>
    %dma_wait3A_662 = arith.constant 0 : i32
    %dma_wait3A_663 = arith.constant 0 : i32
    %dma_wait3A_664 = tpu.memref_slice %arg6[%dma_wait3A_646, %dma_wait3A_662, %dma_wait3A_663] : memref<8x50x32xf32, #tpu.memory_space<vmem>> -> memref<1x50x32xf32, #tpu.memory_space<vmem>>
    %dma_wait3A_665 = tpu.memref_squeeze %dma_wait3A_664 : memref<1x50x32xf32, #tpu.memory_space<vmem>> -> memref<50x32xf32, #tpu.memory_space<vmem>>
    tpu.wait_dma2 semaphore(%dma_wait3A_657 : memref<!tpu.dma_semaphore, #tpu.memory_space<semaphore_mem>>) src(%dma_wait3A_665 : memref<50x32xf32, #tpu.memory_space<vmem>>) dst(%dma_wait3A_661 : memref<50x32xf32, #tpu.memory_space<hbm>>)
    %dma_start3A_666 = arith.constant 509 : i32
    %dma_start3A_667 = arith.constant 5 : i32
    %dma_start3A_668 = arith.constant 5 : i32
    %dma_start3A_669 = arith.constant 0 : i32
    %dma_start3A_670 = arith.constant 0 : i32
    %dma_start3A_671 = tpu.memref_slice %arg6[%dma_start3A_667, %dma_start3A_669, %dma_start3A_670] : memref<8x50x32xf32, #tpu.memory_space<vmem>> -> memref<1x50x32xf32, #tpu.memory_space<vmem>>
    %dma_start3A_672 = tpu.memref_squeeze %dma_start3A_671 : memref<1x50x32xf32, #tpu.memory_space<vmem>> -> memref<50x32xf32, #tpu.memory_space<vmem>>
    %dma_start3A_673 = arith.constant 0 : i32
    %dma_start3A_674 = tpu.memref_slice %arg5[%dma_start3A_666, %dma_start3A_673] : memref<512x50xi32, #tpu.memory_space<vmem>> -> memref<1x50xi32, #tpu.memory_space<vmem>>
    %dma_start3A_675 = tpu.memref_squeeze %dma_start3A_674 : memref<1x50xi32, #tpu.memory_space<vmem>> -> memref<50xi32, #tpu.memory_space<vmem>>
    %dma_start3A_676 = arith.constant 0 : i32
    %dma_start3A_677 = arith.constant 0 : i32
    %dma_start3A_678 = tpu.memref_slice %arg3[%dma_start3A_676, %dma_start3A_677] : memref<1000000x32xf32, #tpu.memory_space<hbm>> -> memref<1000000x32xf32, #tpu.memory_space<hbm>>
    %dma_start3A_679 = tpu.memref_slice %arg7[%dma_start3A_668] : memref<8x!tpu.dma_semaphore, #tpu.memory_space<semaphore_mem>> -> memref<1x!tpu.dma_semaphore, #tpu.memory_space<semaphore_mem>>
    %dma_start3A_680 = tpu.memref_squeeze %dma_start3A_679 : memref<1x!tpu.dma_semaphore, #tpu.memory_space<semaphore_mem>> -> memref<!tpu.dma_semaphore, #tpu.memory_space<semaphore_mem>>
    tpu.enqueue_indirect_dma source(%dma_start3A_678 : memref<1000000x32xf32, #tpu.memory_space<hbm>>) target(%dma_start3A_672 : memref<50x32xf32, #tpu.memory_space<vmem>>) offsets(%dma_start3A_675 : memref<50xi32, #tpu.memory_space<vmem>>) semaphore(%dma_start3A_680 : memref<!tpu.dma_semaphore, #tpu.memory_space<semaphore_mem>>)
    %dma_wait3A_681 = arith.constant 505 : i32
    %dma_wait3A_682 = arith.constant 1 : i32
    %dma_wait3A_683 = arith.constant 1 : i32
    %dma_wait3A_684 = arith.constant 0 : i32
    %dma_wait3A_685 = arith.constant 0 : i32
    %dma_wait3A_686 = tpu.memref_slice %arg6[%dma_wait3A_682, %dma_wait3A_684, %dma_wait3A_685] : memref<8x50x32xf32, #tpu.memory_space<vmem>> -> memref<1x50x32xf32, #tpu.memory_space<vmem>>
    %dma_wait3A_687 = tpu.memref_squeeze %dma_wait3A_686 : memref<1x50x32xf32, #tpu.memory_space<vmem>> -> memref<50x32xf32, #tpu.memory_space<vmem>>
    %dma_wait3A_688 = arith.constant 0 : i32
    %dma_wait3A_689 = tpu.memref_slice %arg5[%dma_wait3A_681, %dma_wait3A_688] : memref<512x50xi32, #tpu.memory_space<vmem>> -> memref<1x50xi32, #tpu.memory_space<vmem>>
    %dma_wait3A_690 = tpu.memref_squeeze %dma_wait3A_689 : memref<1x50xi32, #tpu.memory_space<vmem>> -> memref<50xi32, #tpu.memory_space<vmem>>
    %dma_wait3A_691 = arith.constant 0 : i32
    %dma_wait3A_692 = arith.constant 0 : i32
    %dma_wait3A_693 = tpu.memref_slice %arg3[%dma_wait3A_691, %dma_wait3A_692] : memref<1000000x32xf32, #tpu.memory_space<hbm>> -> memref<1000000x32xf32, #tpu.memory_space<hbm>>
    %dma_wait3A_694 = tpu.memref_slice %arg7[%dma_wait3A_683] : memref<8x!tpu.dma_semaphore, #tpu.memory_space<semaphore_mem>> -> memref<1x!tpu.dma_semaphore, #tpu.memory_space<semaphore_mem>>
    %dma_wait3A_695 = tpu.memref_squeeze %dma_wait3A_694 : memref<1x!tpu.dma_semaphore, #tpu.memory_space<semaphore_mem>> -> memref<!tpu.dma_semaphore, #tpu.memory_space<semaphore_mem>>
    tpu.wait_indirect_dma semaphore(%dma_wait3A_695 : memref<!tpu.dma_semaphore, #tpu.memory_space<semaphore_mem>>) src(%dma_wait3A_693 : memref<1000000x32xf32, #tpu.memory_space<hbm>>) dst(%dma_wait3A_687 : memref<50x32xf32, #tpu.memory_space<vmem>>)
    %add3A_696 = arith.constant 505 : i32
    %add3A_697 = arith.addi %mul3A_2, %add3A_696 : i32
    %dma_start3A_698 = arith.constant 1 : i32
    %dma_start3A_699 = arith.constant 1 : i32
    %dma_start3A_700 = arith.constant 0 : i32
    %dma_start3A_701 = arith.constant 0 : i32
    %dma_start3A_702 = tpu.memref_slice %arg6[%dma_start3A_698, %dma_start3A_700, %dma_start3A_701] : memref<8x50x32xf32, #tpu.memory_space<vmem>> -> memref<1x50x32xf32, #tpu.memory_space<vmem>>
    %dma_start3A_703 = tpu.memref_squeeze %dma_start3A_702 : memref<1x50x32xf32, #tpu.memory_space<vmem>> -> memref<50x32xf32, #tpu.memory_space<vmem>>
    %dma_start3A_704 = arith.constant 0 : i32
    %dma_start3A_705 = arith.constant 0 : i32
    %dma_start3A_706 = tpu.memref_slice %arg4[%add3A_697, %dma_start3A_704, %dma_start3A_705] : memref<16384x50x32xf32, #tpu.memory_space<hbm>> -> memref<1x50x32xf32, #tpu.memory_space<hbm>>
    %dma_start3A_707 = tpu.memref_squeeze %dma_start3A_706 : memref<1x50x32xf32, #tpu.memory_space<hbm>> -> memref<50x32xf32, #tpu.memory_space<hbm>>
    %dma_start3A_708 = tpu.memref_slice %arg8[%dma_start3A_699] : memref<8x!tpu.dma_semaphore, #tpu.memory_space<semaphore_mem>> -> memref<1x!tpu.dma_semaphore, #tpu.memory_space<semaphore_mem>>
    %dma_start3A_709 = tpu.memref_squeeze %dma_start3A_708 : memref<1x!tpu.dma_semaphore, #tpu.memory_space<semaphore_mem>> -> memref<!tpu.dma_semaphore, #tpu.memory_space<semaphore_mem>>
    %dma_start3A_710 = arith.constant 0 : i32
    %dma_start3A_711 = arith.constant 0 : i32
    %dma_start3A_712 = tpu.memref_slice %arg4[%add3A_697, %dma_start3A_710, %dma_start3A_711] : memref<16384x50x32xf32, #tpu.memory_space<hbm>> -> memref<1x50x32xf32, #tpu.memory_space<hbm>>
    %dma_start3A_713 = tpu.memref_squeeze %dma_start3A_712 : memref<1x50x32xf32, #tpu.memory_space<hbm>> -> memref<50x32xf32, #tpu.memory_space<hbm>>
    %dma_start3A_714 = arith.constant 0 : i32
    %dma_start3A_715 = arith.constant 0 : i32
    %dma_start3A_716 = tpu.memref_slice %arg6[%dma_start3A_698, %dma_start3A_714, %dma_start3A_715] : memref<8x50x32xf32, #tpu.memory_space<vmem>> -> memref<1x50x32xf32, #tpu.memory_space<vmem>>
    %dma_start3A_717 = tpu.memref_squeeze %dma_start3A_716 : memref<1x50x32xf32, #tpu.memory_space<vmem>> -> memref<50x32xf32, #tpu.memory_space<vmem>>
    tpu.enqueue_dma source(%dma_start3A_717 : memref<50x32xf32, #tpu.memory_space<vmem>>) target(%dma_start3A_713 : memref<50x32xf32, #tpu.memory_space<hbm>>) target_semaphore(%dma_start3A_709 : memref<!tpu.dma_semaphore, #tpu.memory_space<semaphore_mem>>)
    %add3A_718 = arith.constant 502 : i32
    %add3A_719 = arith.addi %mul3A_2, %add3A_718 : i32
    %dma_wait3A_720 = arith.constant 6 : i32
    %dma_wait3A_721 = arith.constant 6 : i32
    %dma_wait3A_722 = arith.constant 0 : i32
    %dma_wait3A_723 = arith.constant 0 : i32
    %dma_wait3A_724 = tpu.memref_slice %arg6[%dma_wait3A_720, %dma_wait3A_722, %dma_wait3A_723] : memref<8x50x32xf32, #tpu.memory_space<vmem>> -> memref<1x50x32xf32, #tpu.memory_space<vmem>>
    %dma_wait3A_725 = tpu.memref_squeeze %dma_wait3A_724 : memref<1x50x32xf32, #tpu.memory_space<vmem>> -> memref<50x32xf32, #tpu.memory_space<vmem>>
    %dma_wait3A_726 = arith.constant 0 : i32
    %dma_wait3A_727 = arith.constant 0 : i32
    %dma_wait3A_728 = tpu.memref_slice %arg4[%add3A_719, %dma_wait3A_726, %dma_wait3A_727] : memref<16384x50x32xf32, #tpu.memory_space<hbm>> -> memref<1x50x32xf32, #tpu.memory_space<hbm>>
    %dma_wait3A_729 = tpu.memref_squeeze %dma_wait3A_728 : memref<1x50x32xf32, #tpu.memory_space<hbm>> -> memref<50x32xf32, #tpu.memory_space<hbm>>
    %dma_wait3A_730 = tpu.memref_slice %arg8[%dma_wait3A_721] : memref<8x!tpu.dma_semaphore, #tpu.memory_space<semaphore_mem>> -> memref<1x!tpu.dma_semaphore, #tpu.memory_space<semaphore_mem>>
    %dma_wait3A_731 = tpu.memref_squeeze %dma_wait3A_730 : memref<1x!tpu.dma_semaphore, #tpu.memory_space<semaphore_mem>> -> memref<!tpu.dma_semaphore, #tpu.memory_space<semaphore_mem>>
    %dma_wait3A_732 = arith.constant 0 : i32
    %dma_wait3A_733 = arith.constant 0 : i32
    %dma_wait3A_734 = tpu.memref_slice %arg4[%add3A_719, %dma_wait3A_732, %dma_wait3A_733] : memref<16384x50x32xf32, #tpu.memory_space<hbm>> -> memref<1x50x32xf32, #tpu.memory_space<hbm>>
    %dma_wait3A_735 = tpu.memref_squeeze %dma_wait3A_734 : memref<1x50x32xf32, #tpu.memory_space<hbm>> -> memref<50x32xf32, #tpu.memory_space<hbm>>
    %dma_wait3A_736 = arith.constant 0 : i32
    %dma_wait3A_737 = arith.constant 0 : i32
    %dma_wait3A_738 = tpu.memref_slice %arg6[%dma_wait3A_720, %dma_wait3A_736, %dma_wait3A_737] : memref<8x50x32xf32, #tpu.memory_space<vmem>> -> memref<1x50x32xf32, #tpu.memory_space<vmem>>
    %dma_wait3A_739 = tpu.memref_squeeze %dma_wait3A_738 : memref<1x50x32xf32, #tpu.memory_space<vmem>> -> memref<50x32xf32, #tpu.memory_space<vmem>>
    tpu.wait_dma2 semaphore(%dma_wait3A_731 : memref<!tpu.dma_semaphore, #tpu.memory_space<semaphore_mem>>) src(%dma_wait3A_739 : memref<50x32xf32, #tpu.memory_space<vmem>>) dst(%dma_wait3A_735 : memref<50x32xf32, #tpu.memory_space<hbm>>)
    %dma_start3A_740 = arith.constant 510 : i32
    %dma_start3A_741 = arith.constant 6 : i32
    %dma_start3A_742 = arith.constant 6 : i32
    %dma_start3A_743 = arith.constant 0 : i32
    %dma_start3A_744 = arith.constant 0 : i32
    %dma_start3A_745 = tpu.memref_slice %arg6[%dma_start3A_741, %dma_start3A_743, %dma_start3A_744] : memref<8x50x32xf32, #tpu.memory_space<vmem>> -> memref<1x50x32xf32, #tpu.memory_space<vmem>>
    %dma_start3A_746 = tpu.memref_squeeze %dma_start3A_745 : memref<1x50x32xf32, #tpu.memory_space<vmem>> -> memref<50x32xf32, #tpu.memory_space<vmem>>
    %dma_start3A_747 = arith.constant 0 : i32
    %dma_start3A_748 = tpu.memref_slice %arg5[%dma_start3A_740, %dma_start3A_747] : memref<512x50xi32, #tpu.memory_space<vmem>> -> memref<1x50xi32, #tpu.memory_space<vmem>>
    %dma_start3A_749 = tpu.memref_squeeze %dma_start3A_748 : memref<1x50xi32, #tpu.memory_space<vmem>> -> memref<50xi32, #tpu.memory_space<vmem>>
    %dma_start3A_750 = arith.constant 0 : i32
    %dma_start3A_751 = arith.constant 0 : i32
    %dma_start3A_752 = tpu.memref_slice %arg3[%dma_start3A_750, %dma_start3A_751] : memref<1000000x32xf32, #tpu.memory_space<hbm>> -> memref<1000000x32xf32, #tpu.memory_space<hbm>>
    %dma_start3A_753 = tpu.memref_slice %arg7[%dma_start3A_742] : memref<8x!tpu.dma_semaphore, #tpu.memory_space<semaphore_mem>> -> memref<1x!tpu.dma_semaphore, #tpu.memory_space<semaphore_mem>>
    %dma_start3A_754 = tpu.memref_squeeze %dma_start3A_753 : memref<1x!tpu.dma_semaphore, #tpu.memory_space<semaphore_mem>> -> memref<!tpu.dma_semaphore, #tpu.memory_space<semaphore_mem>>
    tpu.enqueue_indirect_dma source(%dma_start3A_752 : memref<1000000x32xf32, #tpu.memory_space<hbm>>) target(%dma_start3A_746 : memref<50x32xf32, #tpu.memory_space<vmem>>) offsets(%dma_start3A_749 : memref<50xi32, #tpu.memory_space<vmem>>) semaphore(%dma_start3A_754 : memref<!tpu.dma_semaphore, #tpu.memory_space<semaphore_mem>>)
    %dma_wait3A_755 = arith.constant 506 : i32
    %dma_wait3A_756 = arith.constant 2 : i32
    %dma_wait3A_757 = arith.constant 2 : i32
    %dma_wait3A_758 = arith.constant 0 : i32
    %dma_wait3A_759 = arith.constant 0 : i32
    %dma_wait3A_760 = tpu.memref_slice %arg6[%dma_wait3A_756, %dma_wait3A_758, %dma_wait3A_759] : memref<8x50x32xf32, #tpu.memory_space<vmem>> -> memref<1x50x32xf32, #tpu.memory_space<vmem>>
    %dma_wait3A_761 = tpu.memref_squeeze %dma_wait3A_760 : memref<1x50x32xf32, #tpu.memory_space<vmem>> -> memref<50x32xf32, #tpu.memory_space<vmem>>
    %dma_wait3A_762 = arith.constant 0 : i32
    %dma_wait3A_763 = tpu.memref_slice %arg5[%dma_wait3A_755, %dma_wait3A_762] : memref<512x50xi32, #tpu.memory_space<vmem>> -> memref<1x50xi32, #tpu.memory_space<vmem>>
    %dma_wait3A_764 = tpu.memref_squeeze %dma_wait3A_763 : memref<1x50xi32, #tpu.memory_space<vmem>> -> memref<50xi32, #tpu.memory_space<vmem>>
    %dma_wait3A_765 = arith.constant 0 : i32
    %dma_wait3A_766 = arith.constant 0 : i32
    %dma_wait3A_767 = tpu.memref_slice %arg3[%dma_wait3A_765, %dma_wait3A_766] : memref<1000000x32xf32, #tpu.memory_space<hbm>> -> memref<1000000x32xf32, #tpu.memory_space<hbm>>
    %dma_wait3A_768 = tpu.memref_slice %arg7[%dma_wait3A_757] : memref<8x!tpu.dma_semaphore, #tpu.memory_space<semaphore_mem>> -> memref<1x!tpu.dma_semaphore, #tpu.memory_space<semaphore_mem>>
    %dma_wait3A_769 = tpu.memref_squeeze %dma_wait3A_768 : memref<1x!tpu.dma_semaphore, #tpu.memory_space<semaphore_mem>> -> memref<!tpu.dma_semaphore, #tpu.memory_space<semaphore_mem>>
    tpu.wait_indirect_dma semaphore(%dma_wait3A_769 : memref<!tpu.dma_semaphore, #tpu.memory_space<semaphore_mem>>) src(%dma_wait3A_767 : memref<1000000x32xf32, #tpu.memory_space<hbm>>) dst(%dma_wait3A_761 : memref<50x32xf32, #tpu.memory_space<vmem>>)
    %add3A_770 = arith.constant 506 : i32
    %add3A_771 = arith.addi %mul3A_2, %add3A_770 : i32
    %dma_start3A_772 = arith.constant 2 : i32
    %dma_start3A_773 = arith.constant 2 : i32
    %dma_start3A_774 = arith.constant 0 : i32
    %dma_start3A_775 = arith.constant 0 : i32
    %dma_start3A_776 = tpu.memref_slice %arg6[%dma_start3A_772, %dma_start3A_774, %dma_start3A_775] : memref<8x50x32xf32, #tpu.memory_space<vmem>> -> memref<1x50x32xf32, #tpu.memory_space<vmem>>
    %dma_start3A_777 = tpu.memref_squeeze %dma_start3A_776 : memref<1x50x32xf32, #tpu.memory_space<vmem>> -> memref<50x32xf32, #tpu.memory_space<vmem>>
    %dma_start3A_778 = arith.constant 0 : i32
    %dma_start3A_779 = arith.constant 0 : i32
    %dma_start3A_780 = tpu.memref_slice %arg4[%add3A_771, %dma_start3A_778, %dma_start3A_779] : memref<16384x50x32xf32, #tpu.memory_space<hbm>> -> memref<1x50x32xf32, #tpu.memory_space<hbm>>
    %dma_start3A_781 = tpu.memref_squeeze %dma_start3A_780 : memref<1x50x32xf32, #tpu.memory_space<hbm>> -> memref<50x32xf32, #tpu.memory_space<hbm>>
    %dma_start3A_782 = tpu.memref_slice %arg8[%dma_start3A_773] : memref<8x!tpu.dma_semaphore, #tpu.memory_space<semaphore_mem>> -> memref<1x!tpu.dma_semaphore, #tpu.memory_space<semaphore_mem>>
    %dma_start3A_783 = tpu.memref_squeeze %dma_start3A_782 : memref<1x!tpu.dma_semaphore, #tpu.memory_space<semaphore_mem>> -> memref<!tpu.dma_semaphore, #tpu.memory_space<semaphore_mem>>
    %dma_start3A_784 = arith.constant 0 : i32
    %dma_start3A_785 = arith.constant 0 : i32
    %dma_start3A_786 = tpu.memref_slice %arg4[%add3A_771, %dma_start3A_784, %dma_start3A_785] : memref<16384x50x32xf32, #tpu.memory_space<hbm>> -> memref<1x50x32xf32, #tpu.memory_space<hbm>>
    %dma_start3A_787 = tpu.memref_squeeze %dma_start3A_786 : memref<1x50x32xf32, #tpu.memory_space<hbm>> -> memref<50x32xf32, #tpu.memory_space<hbm>>
    %dma_start3A_788 = arith.constant 0 : i32
    %dma_start3A_789 = arith.constant 0 : i32
    %dma_start3A_790 = tpu.memref_slice %arg6[%dma_start3A_772, %dma_start3A_788, %dma_start3A_789] : memref<8x50x32xf32, #tpu.memory_space<vmem>> -> memref<1x50x32xf32, #tpu.memory_space<vmem>>
    %dma_start3A_791 = tpu.memref_squeeze %dma_start3A_790 : memref<1x50x32xf32, #tpu.memory_space<vmem>> -> memref<50x32xf32, #tpu.memory_space<vmem>>
    tpu.enqueue_dma source(%dma_start3A_791 : memref<50x32xf32, #tpu.memory_space<vmem>>) target(%dma_start3A_787 : memref<50x32xf32, #tpu.memory_space<hbm>>) target_semaphore(%dma_start3A_783 : memref<!tpu.dma_semaphore, #tpu.memory_space<semaphore_mem>>)
    %add3A_792 = arith.constant 503 : i32
    %add3A_793 = arith.addi %mul3A_2, %add3A_792 : i32
    %dma_wait3A_794 = arith.constant 7 : i32
    %dma_wait3A_795 = arith.constant 7 : i32
    %dma_wait3A_796 = arith.constant 0 : i32
    %dma_wait3A_797 = arith.constant 0 : i32
    %dma_wait3A_798 = tpu.memref_slice %arg6[%dma_wait3A_794, %dma_wait3A_796, %dma_wait3A_797] : memref<8x50x32xf32, #tpu.memory_space<vmem>> -> memref<1x50x32xf32, #tpu.memory_space<vmem>>
    %dma_wait3A_799 = tpu.memref_squeeze %dma_wait3A_798 : memref<1x50x32xf32, #tpu.memory_space<vmem>> -> memref<50x32xf32, #tpu.memory_space<vmem>>
    %dma_wait3A_800 = arith.constant 0 : i32
    %dma_wait3A_801 = arith.constant 0 : i32
    %dma_wait3A_802 = tpu.memref_slice %arg4[%add3A_793, %dma_wait3A_800, %dma_wait3A_801] : memref<16384x50x32xf32, #tpu.memory_space<hbm>> -> memref<1x50x32xf32, #tpu.memory_space<hbm>>
    %dma_wait3A_803 = tpu.memref_squeeze %dma_wait3A_802 : memref<1x50x32xf32, #tpu.memory_space<hbm>> -> memref<50x32xf32, #tpu.memory_space<hbm>>
    %dma_wait3A_804 = tpu.memref_slice %arg8[%dma_wait3A_795] : memref<8x!tpu.dma_semaphore, #tpu.memory_space<semaphore_mem>> -> memref<1x!tpu.dma_semaphore, #tpu.memory_space<semaphore_mem>>
    %dma_wait3A_805 = tpu.memref_squeeze %dma_wait3A_804 : memref<1x!tpu.dma_semaphore, #tpu.memory_space<semaphore_mem>> -> memref<!tpu.dma_semaphore, #tpu.memory_space<semaphore_mem>>
    %dma_wait3A_806 = arith.constant 0 : i32
    %dma_wait3A_807 = arith.constant 0 : i32
    %dma_wait3A_808 = tpu.memref_slice %arg4[%add3A_793, %dma_wait3A_806, %dma_wait3A_807] : memref<16384x50x32xf32, #tpu.memory_space<hbm>> -> memref<1x50x32xf32, #tpu.memory_space<hbm>>
    %dma_wait3A_809 = tpu.memref_squeeze %dma_wait3A_808 : memref<1x50x32xf32, #tpu.memory_space<hbm>> -> memref<50x32xf32, #tpu.memory_space<hbm>>
    %dma_wait3A_810 = arith.constant 0 : i32
    %dma_wait3A_811 = arith.constant 0 : i32
    %dma_wait3A_812 = tpu.memref_slice %arg6[%dma_wait3A_794, %dma_wait3A_810, %dma_wait3A_811] : memref<8x50x32xf32, #tpu.memory_space<vmem>> -> memref<1x50x32xf32, #tpu.memory_space<vmem>>
    %dma_wait3A_813 = tpu.memref_squeeze %dma_wait3A_812 : memref<1x50x32xf32, #tpu.memory_space<vmem>> -> memref<50x32xf32, #tpu.memory_space<vmem>>
    tpu.wait_dma2 semaphore(%dma_wait3A_805 : memref<!tpu.dma_semaphore, #tpu.memory_space<semaphore_mem>>) src(%dma_wait3A_813 : memref<50x32xf32, #tpu.memory_space<vmem>>) dst(%dma_wait3A_809 : memref<50x32xf32, #tpu.memory_space<hbm>>)
    %dma_start3A_814 = arith.constant 511 : i32
    %dma_start3A_815 = arith.constant 7 : i32
    %dma_start3A_816 = arith.constant 7 : i32
    %dma_start3A_817 = arith.constant 0 : i32
    %dma_start3A_818 = arith.constant 0 : i32
    %dma_start3A_819 = tpu.memref_slice %arg6[%dma_start3A_815, %dma_start3A_817, %dma_start3A_818] : memref<8x50x32xf32, #tpu.memory_space<vmem>> -> memref<1x50x32xf32, #tpu.memory_space<vmem>>
    %dma_start3A_820 = tpu.memref_squeeze %dma_start3A_819 : memref<1x50x32xf32, #tpu.memory_space<vmem>> -> memref<50x32xf32, #tpu.memory_space<vmem>>
    %dma_start3A_821 = arith.constant 0 : i32
    %dma_start3A_822 = tpu.memref_slice %arg5[%dma_start3A_814, %dma_start3A_821] : memref<512x50xi32, #tpu.memory_space<vmem>> -> memref<1x50xi32, #tpu.memory_space<vmem>>
    %dma_start3A_823 = tpu.memref_squeeze %dma_start3A_822 : memref<1x50xi32, #tpu.memory_space<vmem>> -> memref<50xi32, #tpu.memory_space<vmem>>
    %dma_start3A_824 = arith.constant 0 : i32
    %dma_start3A_825 = arith.constant 0 : i32
    %dma_start3A_826 = tpu.memref_slice %arg3[%dma_start3A_824, %dma_start3A_825] : memref<1000000x32xf32, #tpu.memory_space<hbm>> -> memref<1000000x32xf32, #tpu.memory_space<hbm>>
    %dma_start3A_827 = tpu.memref_slice %arg7[%dma_start3A_816] : memref<8x!tpu.dma_semaphore, #tpu.memory_space<semaphore_mem>> -> memref<1x!tpu.dma_semaphore, #tpu.memory_space<semaphore_mem>>
    %dma_start3A_828 = tpu.memref_squeeze %dma_start3A_827 : memref<1x!tpu.dma_semaphore, #tpu.memory_space<semaphore_mem>> -> memref<!tpu.dma_semaphore, #tpu.memory_space<semaphore_mem>>
    tpu.enqueue_indirect_dma source(%dma_start3A_826 : memref<1000000x32xf32, #tpu.memory_space<hbm>>) target(%dma_start3A_820 : memref<50x32xf32, #tpu.memory_space<vmem>>) offsets(%dma_start3A_823 : memref<50xi32, #tpu.memory_space<vmem>>) semaphore(%dma_start3A_828 : memref<!tpu.dma_semaphore, #tpu.memory_space<semaphore_mem>>)
    %dma_wait3A_829 = arith.constant 507 : i32
    %dma_wait3A_830 = arith.constant 3 : i32
    %dma_wait3A_831 = arith.constant 3 : i32
    %dma_wait3A_832 = arith.constant 0 : i32
    %dma_wait3A_833 = arith.constant 0 : i32
    %dma_wait3A_834 = tpu.memref_slice %arg6[%dma_wait3A_830, %dma_wait3A_832, %dma_wait3A_833] : memref<8x50x32xf32, #tpu.memory_space<vmem>> -> memref<1x50x32xf32, #tpu.memory_space<vmem>>
    %dma_wait3A_835 = tpu.memref_squeeze %dma_wait3A_834 : memref<1x50x32xf32, #tpu.memory_space<vmem>> -> memref<50x32xf32, #tpu.memory_space<vmem>>
    %dma_wait3A_836 = arith.constant 0 : i32
    %dma_wait3A_837 = tpu.memref_slice %arg5[%dma_wait3A_829, %dma_wait3A_836] : memref<512x50xi32, #tpu.memory_space<vmem>> -> memref<1x50xi32, #tpu.memory_space<vmem>>
    %dma_wait3A_838 = tpu.memref_squeeze %dma_wait3A_837 : memref<1x50xi32, #tpu.memory_space<vmem>> -> memref<50xi32, #tpu.memory_space<vmem>>
    %dma_wait3A_839 = arith.constant 0 : i32
    %dma_wait3A_840 = arith.constant 0 : i32
    %dma_wait3A_841 = tpu.memref_slice %arg3[%dma_wait3A_839, %dma_wait3A_840] : memref<1000000x32xf32, #tpu.memory_space<hbm>> -> memref<1000000x32xf32, #tpu.memory_space<hbm>>
    %dma_wait3A_842 = tpu.memref_slice %arg7[%dma_wait3A_831] : memref<8x!tpu.dma_semaphore, #tpu.memory_space<semaphore_mem>> -> memref<1x!tpu.dma_semaphore, #tpu.memory_space<semaphore_mem>>
    %dma_wait3A_843 = tpu.memref_squeeze %dma_wait3A_842 : memref<1x!tpu.dma_semaphore, #tpu.memory_space<semaphore_mem>> -> memref<!tpu.dma_semaphore, #tpu.memory_space<semaphore_mem>>
    tpu.wait_indirect_dma semaphore(%dma_wait3A_843 : memref<!tpu.dma_semaphore, #tpu.memory_space<semaphore_mem>>) src(%dma_wait3A_841 : memref<1000000x32xf32, #tpu.memory_space<hbm>>) dst(%dma_wait3A_835 : memref<50x32xf32, #tpu.memory_space<vmem>>)
    %add3A_844 = arith.constant 507 : i32
    %add3A_845 = arith.addi %mul3A_2, %add3A_844 : i32
    %dma_start3A_846 = arith.constant 3 : i32
    %dma_start3A_847 = arith.constant 3 : i32
    %dma_start3A_848 = arith.constant 0 : i32
    %dma_start3A_849 = arith.constant 0 : i32
    %dma_start3A_850 = tpu.memref_slice %arg6[%dma_start3A_846, %dma_start3A_848, %dma_start3A_849] : memref<8x50x32xf32, #tpu.memory_space<vmem>> -> memref<1x50x32xf32, #tpu.memory_space<vmem>>
    %dma_start3A_851 = tpu.memref_squeeze %dma_start3A_850 : memref<1x50x32xf32, #tpu.memory_space<vmem>> -> memref<50x32xf32, #tpu.memory_space<vmem>>
    %dma_start3A_852 = arith.constant 0 : i32
    %dma_start3A_853 = arith.constant 0 : i32
    %dma_start3A_854 = tpu.memref_slice %arg4[%add3A_845, %dma_start3A_852, %dma_start3A_853] : memref<16384x50x32xf32, #tpu.memory_space<hbm>> -> memref<1x50x32xf32, #tpu.memory_space<hbm>>
    %dma_start3A_855 = tpu.memref_squeeze %dma_start3A_854 : memref<1x50x32xf32, #tpu.memory_space<hbm>> -> memref<50x32xf32, #tpu.memory_space<hbm>>
    %dma_start3A_856 = tpu.memref_slice %arg8[%dma_start3A_847] : memref<8x!tpu.dma_semaphore, #tpu.memory_space<semaphore_mem>> -> memref<1x!tpu.dma_semaphore, #tpu.memory_space<semaphore_mem>>
    %dma_start3A_857 = tpu.memref_squeeze %dma_start3A_856 : memref<1x!tpu.dma_semaphore, #tpu.memory_space<semaphore_mem>> -> memref<!tpu.dma_semaphore, #tpu.memory_space<semaphore_mem>>
    %dma_start3A_858 = arith.constant 0 : i32
    %dma_start3A_859 = arith.constant 0 : i32
    %dma_start3A_860 = tpu.memref_slice %arg4[%add3A_845, %dma_start3A_858, %dma_start3A_859] : memref<16384x50x32xf32, #tpu.memory_space<hbm>> -> memref<1x50x32xf32, #tpu.memory_space<hbm>>
    %dma_start3A_861 = tpu.memref_squeeze %dma_start3A_860 : memref<1x50x32xf32, #tpu.memory_space<hbm>> -> memref<50x32xf32, #tpu.memory_space<hbm>>
    %dma_start3A_862 = arith.constant 0 : i32
    %dma_start3A_863 = arith.constant 0 : i32
    %dma_start3A_864 = tpu.memref_slice %arg6[%dma_start3A_846, %dma_start3A_862, %dma_start3A_863] : memref<8x50x32xf32, #tpu.memory_space<vmem>> -> memref<1x50x32xf32, #tpu.memory_space<vmem>>
    %dma_start3A_865 = tpu.memref_squeeze %dma_start3A_864 : memref<1x50x32xf32, #tpu.memory_space<vmem>> -> memref<50x32xf32, #tpu.memory_space<vmem>>
    tpu.enqueue_dma source(%dma_start3A_865 : memref<50x32xf32, #tpu.memory_space<vmem>>) target(%dma_start3A_861 : memref<50x32xf32, #tpu.memory_space<hbm>>) target_semaphore(%dma_start3A_857 : memref<!tpu.dma_semaphore, #tpu.memory_space<semaphore_mem>>)
    %dma_wait3A_866 = arith.constant 508 : i32
    %dma_wait3A_867 = arith.constant 4 : i32
    %dma_wait3A_868 = arith.constant 4 : i32
    %dma_wait3A_869 = arith.constant 0 : i32
    %dma_wait3A_870 = arith.constant 0 : i32
    %dma_wait3A_871 = tpu.memref_slice %arg6[%dma_wait3A_867, %dma_wait3A_869, %dma_wait3A_870] : memref<8x50x32xf32, #tpu.memory_space<vmem>> -> memref<1x50x32xf32, #tpu.memory_space<vmem>>
    %dma_wait3A_872 = tpu.memref_squeeze %dma_wait3A_871 : memref<1x50x32xf32, #tpu.memory_space<vmem>> -> memref<50x32xf32, #tpu.memory_space<vmem>>
    %dma_wait3A_873 = arith.constant 0 : i32
    %dma_wait3A_874 = tpu.memref_slice %arg5[%dma_wait3A_866, %dma_wait3A_873] : memref<512x50xi32, #tpu.memory_space<vmem>> -> memref<1x50xi32, #tpu.memory_space<vmem>>
    %dma_wait3A_875 = tpu.memref_squeeze %dma_wait3A_874 : memref<1x50xi32, #tpu.memory_space<vmem>> -> memref<50xi32, #tpu.memory_space<vmem>>
    %dma_wait3A_876 = arith.constant 0 : i32
    %dma_wait3A_877 = arith.constant 0 : i32
    %dma_wait3A_878 = tpu.memref_slice %arg3[%dma_wait3A_876, %dma_wait3A_877] : memref<1000000x32xf32, #tpu.memory_space<hbm>> -> memref<1000000x32xf32, #tpu.memory_space<hbm>>
    %dma_wait3A_879 = tpu.memref_slice %arg7[%dma_wait3A_868] : memref<8x!tpu.dma_semaphore, #tpu.memory_space<semaphore_mem>> -> memref<1x!tpu.dma_semaphore, #tpu.memory_space<semaphore_mem>>
    %dma_wait3A_880 = tpu.memref_squeeze %dma_wait3A_879 : memref<1x!tpu.dma_semaphore, #tpu.memory_space<semaphore_mem>> -> memref<!tpu.dma_semaphore, #tpu.memory_space<semaphore_mem>>
    tpu.wait_indirect_dma semaphore(%dma_wait3A_880 : memref<!tpu.dma_semaphore, #tpu.memory_space<semaphore_mem>>) src(%dma_wait3A_878 : memref<1000000x32xf32, #tpu.memory_space<hbm>>) dst(%dma_wait3A_872 : memref<50x32xf32, #tpu.memory_space<vmem>>)
    %add3A_881 = arith.constant 508 : i32
    %add3A_882 = arith.addi %mul3A_2, %add3A_881 : i32
    %dma_start3A_883 = arith.constant 4 : i32
    %dma_start3A_884 = arith.constant 4 : i32
    %dma_start3A_885 = arith.constant 0 : i32
    %dma_start3A_886 = arith.constant 0 : i32
    %dma_start3A_887 = tpu.memref_slice %arg6[%dma_start3A_883, %dma_start3A_885, %dma_start3A_886] : memref<8x50x32xf32, #tpu.memory_space<vmem>> -> memref<1x50x32xf32, #tpu.memory_space<vmem>>
    %dma_start3A_888 = tpu.memref_squeeze %dma_start3A_887 : memref<1x50x32xf32, #tpu.memory_space<vmem>> -> memref<50x32xf32, #tpu.memory_space<vmem>>
    %dma_start3A_889 = arith.constant 0 : i32
    %dma_start3A_890 = arith.constant 0 : i32
    %dma_start3A_891 = tpu.memref_slice %arg4[%add3A_882, %dma_start3A_889, %dma_start3A_890] : memref<16384x50x32xf32, #tpu.memory_space<hbm>> -> memref<1x50x32xf32, #tpu.memory_space<hbm>>
    %dma_start3A_892 = tpu.memref_squeeze %dma_start3A_891 : memref<1x50x32xf32, #tpu.memory_space<hbm>> -> memref<50x32xf32, #tpu.memory_space<hbm>>
    %dma_start3A_893 = tpu.memref_slice %arg8[%dma_start3A_884] : memref<8x!tpu.dma_semaphore, #tpu.memory_space<semaphore_mem>> -> memref<1x!tpu.dma_semaphore, #tpu.memory_space<semaphore_mem>>
    %dma_start3A_894 = tpu.memref_squeeze %dma_start3A_893 : memref<1x!tpu.dma_semaphore, #tpu.memory_space<semaphore_mem>> -> memref<!tpu.dma_semaphore, #tpu.memory_space<semaphore_mem>>
    %dma_start3A_895 = arith.constant 0 : i32
    %dma_start3A_896 = arith.constant 0 : i32
    %dma_start3A_897 = tpu.memref_slice %arg4[%add3A_882, %dma_start3A_895, %dma_start3A_896] : memref<16384x50x32xf32, #tpu.memory_space<hbm>> -> memref<1x50x32xf32, #tpu.memory_space<hbm>>
    %dma_start3A_898 = tpu.memref_squeeze %dma_start3A_897 : memref<1x50x32xf32, #tpu.memory_space<hbm>> -> memref<50x32xf32, #tpu.memory_space<hbm>>
    %dma_start3A_899 = arith.constant 0 : i32
    %dma_start3A_900 = arith.constant 0 : i32
    %dma_start3A_901 = tpu.memref_slice %arg6[%dma_start3A_883, %dma_start3A_899, %dma_start3A_900] : memref<8x50x32xf32, #tpu.memory_space<vmem>> -> memref<1x50x32xf32, #tpu.memory_space<vmem>>
    %dma_start3A_902 = tpu.memref_squeeze %dma_start3A_901 : memref<1x50x32xf32, #tpu.memory_space<vmem>> -> memref<50x32xf32, #tpu.memory_space<vmem>>
    tpu.enqueue_dma source(%dma_start3A_902 : memref<50x32xf32, #tpu.memory_space<vmem>>) target(%dma_start3A_898 : memref<50x32xf32, #tpu.memory_space<hbm>>) target_semaphore(%dma_start3A_894 : memref<!tpu.dma_semaphore, #tpu.memory_space<semaphore_mem>>)
    %dma_wait3A_903 = arith.constant 509 : i32
    %dma_wait3A_904 = arith.constant 5 : i32
    %dma_wait3A_905 = arith.constant 5 : i32
    %dma_wait3A_906 = arith.constant 0 : i32
    %dma_wait3A_907 = arith.constant 0 : i32
    %dma_wait3A_908 = tpu.memref_slice %arg6[%dma_wait3A_904, %dma_wait3A_906, %dma_wait3A_907] : memref<8x50x32xf32, #tpu.memory_space<vmem>> -> memref<1x50x32xf32, #tpu.memory_space<vmem>>
    %dma_wait3A_909 = tpu.memref_squeeze %dma_wait3A_908 : memref<1x50x32xf32, #tpu.memory_space<vmem>> -> memref<50x32xf32, #tpu.memory_space<vmem>>
    %dma_wait3A_910 = arith.constant 0 : i32
    %dma_wait3A_911 = tpu.memref_slice %arg5[%dma_wait3A_903, %dma_wait3A_910] : memref<512x50xi32, #tpu.memory_space<vmem>> -> memref<1x50xi32, #tpu.memory_space<vmem>>
    %dma_wait3A_912 = tpu.memref_squeeze %dma_wait3A_911 : memref<1x50xi32, #tpu.memory_space<vmem>> -> memref<50xi32, #tpu.memory_space<vmem>>
    %dma_wait3A_913 = arith.constant 0 : i32
    %dma_wait3A_914 = arith.constant 0 : i32
    %dma_wait3A_915 = tpu.memref_slice %arg3[%dma_wait3A_913, %dma_wait3A_914] : memref<1000000x32xf32, #tpu.memory_space<hbm>> -> memref<1000000x32xf32, #tpu.memory_space<hbm>>
    %dma_wait3A_916 = tpu.memref_slice %arg7[%dma_wait3A_905] : memref<8x!tpu.dma_semaphore, #tpu.memory_space<semaphore_mem>> -> memref<1x!tpu.dma_semaphore, #tpu.memory_space<semaphore_mem>>
    %dma_wait3A_917 = tpu.memref_squeeze %dma_wait3A_916 : memref<1x!tpu.dma_semaphore, #tpu.memory_space<semaphore_mem>> -> memref<!tpu.dma_semaphore, #tpu.memory_space<semaphore_mem>>
    tpu.wait_indirect_dma semaphore(%dma_wait3A_917 : memref<!tpu.dma_semaphore, #tpu.memory_space<semaphore_mem>>) src(%dma_wait3A_915 : memref<1000000x32xf32, #tpu.memory_space<hbm>>) dst(%dma_wait3A_909 : memref<50x32xf32, #tpu.memory_space<vmem>>)
    %add3A_918 = arith.constant 509 : i32
    %add3A_919 = arith.addi %mul3A_2, %add3A_918 : i32
    %dma_start3A_920 = arith.constant 5 : i32
    %dma_start3A_921 = arith.constant 5 : i32
    %dma_start3A_922 = arith.constant 0 : i32
    %dma_start3A_923 = arith.constant 0 : i32
    %dma_start3A_924 = tpu.memref_slice %arg6[%dma_start3A_920, %dma_start3A_922, %dma_start3A_923] : memref<8x50x32xf32, #tpu.memory_space<vmem>> -> memref<1x50x32xf32, #tpu.memory_space<vmem>>
    %dma_start3A_925 = tpu.memref_squeeze %dma_start3A_924 : memref<1x50x32xf32, #tpu.memory_space<vmem>> -> memref<50x32xf32, #tpu.memory_space<vmem>>
    %dma_start3A_926 = arith.constant 0 : i32
    %dma_start3A_927 = arith.constant 0 : i32
    %dma_start3A_928 = tpu.memref_slice %arg4[%add3A_919, %dma_start3A_926, %dma_start3A_927] : memref<16384x50x32xf32, #tpu.memory_space<hbm>> -> memref<1x50x32xf32, #tpu.memory_space<hbm>>
    %dma_start3A_929 = tpu.memref_squeeze %dma_start3A_928 : memref<1x50x32xf32, #tpu.memory_space<hbm>> -> memref<50x32xf32, #tpu.memory_space<hbm>>
    %dma_start3A_930 = tpu.memref_slice %arg8[%dma_start3A_921] : memref<8x!tpu.dma_semaphore, #tpu.memory_space<semaphore_mem>> -> memref<1x!tpu.dma_semaphore, #tpu.memory_space<semaphore_mem>>
    %dma_start3A_931 = tpu.memref_squeeze %dma_start3A_930 : memref<1x!tpu.dma_semaphore, #tpu.memory_space<semaphore_mem>> -> memref<!tpu.dma_semaphore, #tpu.memory_space<semaphore_mem>>
    %dma_start3A_932 = arith.constant 0 : i32
    %dma_start3A_933 = arith.constant 0 : i32
    %dma_start3A_934 = tpu.memref_slice %arg4[%add3A_919, %dma_start3A_932, %dma_start3A_933] : memref<16384x50x32xf32, #tpu.memory_space<hbm>> -> memref<1x50x32xf32, #tpu.memory_space<hbm>>
    %dma_start3A_935 = tpu.memref_squeeze %dma_start3A_934 : memref<1x50x32xf32, #tpu.memory_space<hbm>> -> memref<50x32xf32, #tpu.memory_space<hbm>>
    %dma_start3A_936 = arith.constant 0 : i32
    %dma_start3A_937 = arith.constant 0 : i32
    %dma_start3A_938 = tpu.memref_slice %arg6[%dma_start3A_920, %dma_start3A_936, %dma_start3A_937] : memref<8x50x32xf32, #tpu.memory_space<vmem>> -> memref<1x50x32xf32, #tpu.memory_space<vmem>>
    %dma_start3A_939 = tpu.memref_squeeze %dma_start3A_938 : memref<1x50x32xf32, #tpu.memory_space<vmem>> -> memref<50x32xf32, #tpu.memory_space<vmem>>
    tpu.enqueue_dma source(%dma_start3A_939 : memref<50x32xf32, #tpu.memory_space<vmem>>) target(%dma_start3A_935 : memref<50x32xf32, #tpu.memory_space<hbm>>) target_semaphore(%dma_start3A_931 : memref<!tpu.dma_semaphore, #tpu.memory_space<semaphore_mem>>)
    %dma_wait3A_940 = arith.constant 510 : i32
    %dma_wait3A_941 = arith.constant 6 : i32
    %dma_wait3A_942 = arith.constant 6 : i32
    %dma_wait3A_943 = arith.constant 0 : i32
    %dma_wait3A_944 = arith.constant 0 : i32
    %dma_wait3A_945 = tpu.memref_slice %arg6[%dma_wait3A_941, %dma_wait3A_943, %dma_wait3A_944] : memref<8x50x32xf32, #tpu.memory_space<vmem>> -> memref<1x50x32xf32, #tpu.memory_space<vmem>>
    %dma_wait3A_946 = tpu.memref_squeeze %dma_wait3A_945 : memref<1x50x32xf32, #tpu.memory_space<vmem>> -> memref<50x32xf32, #tpu.memory_space<vmem>>
    %dma_wait3A_947 = arith.constant 0 : i32
    %dma_wait3A_948 = tpu.memref_slice %arg5[%dma_wait3A_940, %dma_wait3A_947] : memref<512x50xi32, #tpu.memory_space<vmem>> -> memref<1x50xi32, #tpu.memory_space<vmem>>
    %dma_wait3A_949 = tpu.memref_squeeze %dma_wait3A_948 : memref<1x50xi32, #tpu.memory_space<vmem>> -> memref<50xi32, #tpu.memory_space<vmem>>
    %dma_wait3A_950 = arith.constant 0 : i32
    %dma_wait3A_951 = arith.constant 0 : i32
    %dma_wait3A_952 = tpu.memref_slice %arg3[%dma_wait3A_950, %dma_wait3A_951] : memref<1000000x32xf32, #tpu.memory_space<hbm>> -> memref<1000000x32xf32, #tpu.memory_space<hbm>>
    %dma_wait3A_953 = tpu.memref_slice %arg7[%dma_wait3A_942] : memref<8x!tpu.dma_semaphore, #tpu.memory_space<semaphore_mem>> -> memref<1x!tpu.dma_semaphore, #tpu.memory_space<semaphore_mem>>
    %dma_wait3A_954 = tpu.memref_squeeze %dma_wait3A_953 : memref<1x!tpu.dma_semaphore, #tpu.memory_space<semaphore_mem>> -> memref<!tpu.dma_semaphore, #tpu.memory_space<semaphore_mem>>
    tpu.wait_indirect_dma semaphore(%dma_wait3A_954 : memref<!tpu.dma_semaphore, #tpu.memory_space<semaphore_mem>>) src(%dma_wait3A_952 : memref<1000000x32xf32, #tpu.memory_space<hbm>>) dst(%dma_wait3A_946 : memref<50x32xf32, #tpu.memory_space<vmem>>)
    %add3A_955 = arith.constant 510 : i32
    %add3A_956 = arith.addi %mul3A_2, %add3A_955 : i32
    %dma_start3A_957 = arith.constant 6 : i32
    %dma_start3A_958 = arith.constant 6 : i32
    %dma_start3A_959 = arith.constant 0 : i32
    %dma_start3A_960 = arith.constant 0 : i32
    %dma_start3A_961 = tpu.memref_slice %arg6[%dma_start3A_957, %dma_start3A_959, %dma_start3A_960] : memref<8x50x32xf32, #tpu.memory_space<vmem>> -> memref<1x50x32xf32, #tpu.memory_space<vmem>>
    %dma_start3A_962 = tpu.memref_squeeze %dma_start3A_961 : memref<1x50x32xf32, #tpu.memory_space<vmem>> -> memref<50x32xf32, #tpu.memory_space<vmem>>
    %dma_start3A_963 = arith.constant 0 : i32
    %dma_start3A_964 = arith.constant 0 : i32
    %dma_start3A_965 = tpu.memref_slice %arg4[%add3A_956, %dma_start3A_963, %dma_start3A_964] : memref<16384x50x32xf32, #tpu.memory_space<hbm>> -> memref<1x50x32xf32, #tpu.memory_space<hbm>>
    %dma_start3A_966 = tpu.memref_squeeze %dma_start3A_965 : memref<1x50x32xf32, #tpu.memory_space<hbm>> -> memref<50x32xf32, #tpu.memory_space<hbm>>
    %dma_start3A_967 = tpu.memref_slice %arg8[%dma_start3A_958] : memref<8x!tpu.dma_semaphore, #tpu.memory_space<semaphore_mem>> -> memref<1x!tpu.dma_semaphore, #tpu.memory_space<semaphore_mem>>
    %dma_start3A_968 = tpu.memref_squeeze %dma_start3A_967 : memref<1x!tpu.dma_semaphore, #tpu.memory_space<semaphore_mem>> -> memref<!tpu.dma_semaphore, #tpu.memory_space<semaphore_mem>>
    %dma_start3A_969 = arith.constant 0 : i32
    %dma_start3A_970 = arith.constant 0 : i32
    %dma_start3A_971 = tpu.memref_slice %arg4[%add3A_956, %dma_start3A_969, %dma_start3A_970] : memref<16384x50x32xf32, #tpu.memory_space<hbm>> -> memref<1x50x32xf32, #tpu.memory_space<hbm>>
    %dma_start3A_972 = tpu.memref_squeeze %dma_start3A_971 : memref<1x50x32xf32, #tpu.memory_space<hbm>> -> memref<50x32xf32, #tpu.memory_space<hbm>>
    %dma_start3A_973 = arith.constant 0 : i32
    %dma_start3A_974 = arith.constant 0 : i32
    %dma_start3A_975 = tpu.memref_slice %arg6[%dma_start3A_957, %dma_start3A_973, %dma_start3A_974] : memref<8x50x32xf32, #tpu.memory_space<vmem>> -> memref<1x50x32xf32, #tpu.memory_space<vmem>>
    %dma_start3A_976 = tpu.memref_squeeze %dma_start3A_975 : memref<1x50x32xf32, #tpu.memory_space<vmem>> -> memref<50x32xf32, #tpu.memory_space<vmem>>
    tpu.enqueue_dma source(%dma_start3A_976 : memref<50x32xf32, #tpu.memory_space<vmem>>) target(%dma_start3A_972 : memref<50x32xf32, #tpu.memory_space<hbm>>) target_semaphore(%dma_start3A_968 : memref<!tpu.dma_semaphore, #tpu.memory_space<semaphore_mem>>)
    %dma_wait3A_977 = arith.constant 511 : i32
    %dma_wait3A_978 = arith.constant 7 : i32
    %dma_wait3A_979 = arith.constant 7 : i32
    %dma_wait3A_980 = arith.constant 0 : i32
    %dma_wait3A_981 = arith.constant 0 : i32
    %dma_wait3A_982 = tpu.memref_slice %arg6[%dma_wait3A_978, %dma_wait3A_980, %dma_wait3A_981] : memref<8x50x32xf32, #tpu.memory_space<vmem>> -> memref<1x50x32xf32, #tpu.memory_space<vmem>>
    %dma_wait3A_983 = tpu.memref_squeeze %dma_wait3A_982 : memref<1x50x32xf32, #tpu.memory_space<vmem>> -> memref<50x32xf32, #tpu.memory_space<vmem>>
    %dma_wait3A_984 = arith.constant 0 : i32
    %dma_wait3A_985 = tpu.memref_slice %arg5[%dma_wait3A_977, %dma_wait3A_984] : memref<512x50xi32, #tpu.memory_space<vmem>> -> memref<1x50xi32, #tpu.memory_space<vmem>>
    %dma_wait3A_986 = tpu.memref_squeeze %dma_wait3A_985 : memref<1x50xi32, #tpu.memory_space<vmem>> -> memref<50xi32, #tpu.memory_space<vmem>>
    %dma_wait3A_987 = arith.constant 0 : i32
    %dma_wait3A_988 = arith.constant 0 : i32
    %dma_wait3A_989 = tpu.memref_slice %arg3[%dma_wait3A_987, %dma_wait3A_988] : memref<1000000x32xf32, #tpu.memory_space<hbm>> -> memref<1000000x32xf32, #tpu.memory_space<hbm>>
    %dma_wait3A_990 = tpu.memref_slice %arg7[%dma_wait3A_979] : memref<8x!tpu.dma_semaphore, #tpu.memory_space<semaphore_mem>> -> memref<1x!tpu.dma_semaphore, #tpu.memory_space<semaphore_mem>>
    %dma_wait3A_991 = tpu.memref_squeeze %dma_wait3A_990 : memref<1x!tpu.dma_semaphore, #tpu.memory_space<semaphore_mem>> -> memref<!tpu.dma_semaphore, #tpu.memory_space<semaphore_mem>>
    tpu.wait_indirect_dma semaphore(%dma_wait3A_991 : memref<!tpu.dma_semaphore, #tpu.memory_space<semaphore_mem>>) src(%dma_wait3A_989 : memref<1000000x32xf32, #tpu.memory_space<hbm>>) dst(%dma_wait3A_983 : memref<50x32xf32, #tpu.memory_space<vmem>>)
    %add3A_992 = arith.constant 511 : i32
    %add3A_993 = arith.addi %mul3A_2, %add3A_992 : i32
    %dma_start3A_994 = arith.constant 7 : i32
    %dma_start3A_995 = arith.constant 7 : i32
    %dma_start3A_996 = arith.constant 0 : i32
    %dma_start3A_997 = arith.constant 0 : i32
    %dma_start3A_998 = tpu.memref_slice %arg6[%dma_start3A_994, %dma_start3A_996, %dma_start3A_997] : memref<8x50x32xf32, #tpu.memory_space<vmem>> -> memref<1x50x32xf32, #tpu.memory_space<vmem>>
    %dma_start3A_999 = tpu.memref_squeeze %dma_start3A_998 : memref<1x50x32xf32, #tpu.memory_space<vmem>> -> memref<50x32xf32, #tpu.memory_space<vmem>>
    %dma_start3A_1000 = arith.constant 0 : i32
    %dma_start3A_1001 = arith.constant 0 : i32
    %dma_start3A_1002 = tpu.memref_slice %arg4[%add3A_993, %dma_start3A_1000, %dma_start3A_1001] : memref<16384x50x32xf32, #tpu.memory_space<hbm>> -> memref<1x50x32xf32, #tpu.memory_space<hbm>>
    %dma_start3A_1003 = tpu.memref_squeeze %dma_start3A_1002 : memref<1x50x32xf32, #tpu.memory_space<hbm>> -> memref<50x32xf32, #tpu.memory_space<hbm>>
    %dma_start3A_1004 = tpu.memref_slice %arg8[%dma_start3A_995] : memref<8x!tpu.dma_semaphore, #tpu.memory_space<semaphore_mem>> -> memref<1x!tpu.dma_semaphore, #tpu.memory_space<semaphore_mem>>
    %dma_start3A_1005 = tpu.memref_squeeze %dma_start3A_1004 : memref<1x!tpu.dma_semaphore, #tpu.memory_space<semaphore_mem>> -> memref<!tpu.dma_semaphore, #tpu.memory_space<semaphore_mem>>
    %dma_start3A_1006 = arith.constant 0 : i32
    %dma_start3A_1007 = arith.constant 0 : i32
    %dma_start3A_1008 = tpu.memref_slice %arg4[%add3A_993, %dma_start3A_1006, %dma_start3A_1007] : memref<16384x50x32xf32, #tpu.memory_space<hbm>> -> memref<1x50x32xf32, #tpu.memory_space<hbm>>
    %dma_start3A_1009 = tpu.memref_squeeze %dma_start3A_1008 : memref<1x50x32xf32, #tpu.memory_space<hbm>> -> memref<50x32xf32, #tpu.memory_space<hbm>>
    %dma_start3A_1010 = arith.constant 0 : i32
    %dma_start3A_1011 = arith.constant 0 : i32
    %dma_start3A_1012 = tpu.memref_slice %arg6[%dma_start3A_994, %dma_start3A_1010, %dma_start3A_1011] : memref<8x50x32xf32, #tpu.memory_space<vmem>> -> memref<1x50x32xf32, #tpu.memory_space<vmem>>
    %dma_start3A_1013 = tpu.memref_squeeze %dma_start3A_1012 : memref<1x50x32xf32, #tpu.memory_space<vmem>> -> memref<50x32xf32, #tpu.memory_space<vmem>>
    tpu.enqueue_dma source(%dma_start3A_1013 : memref<50x32xf32, #tpu.memory_space<vmem>>) target(%dma_start3A_1009 : memref<50x32xf32, #tpu.memory_space<hbm>>) target_semaphore(%dma_start3A_1005 : memref<!tpu.dma_semaphore, #tpu.memory_space<semaphore_mem>>)
    %add3A_1014 = arith.constant 504 : i32
    %add3A_1015 = arith.addi %mul3A_2, %add3A_1014 : i32
    %dma_wait3A_1016 = arith.constant 0 : i32
    %dma_wait3A_1017 = arith.constant 0 : i32
    %dma_wait3A_1018 = arith.constant 0 : i32
    %dma_wait3A_1019 = arith.constant 0 : i32
    %dma_wait3A_1020 = tpu.memref_slice %arg6[%dma_wait3A_1016, %dma_wait3A_1018, %dma_wait3A_1019] : memref<8x50x32xf32, #tpu.memory_space<vmem>> -> memref<1x50x32xf32, #tpu.memory_space<vmem>>
    %dma_wait3A_1021 = tpu.memref_squeeze %dma_wait3A_1020 : memref<1x50x32xf32, #tpu.memory_space<vmem>> -> memref<50x32xf32, #tpu.memory_space<vmem>>
    %dma_wait3A_1022 = arith.constant 0 : i32
    %dma_wait3A_1023 = arith.constant 0 : i32
    %dma_wait3A_1024 = tpu.memref_slice %arg4[%add3A_1015, %dma_wait3A_1022, %dma_wait3A_1023] : memref<16384x50x32xf32, #tpu.memory_space<hbm>> -> memref<1x50x32xf32, #tpu.memory_space<hbm>>
    %dma_wait3A_1025 = tpu.memref_squeeze %dma_wait3A_1024 : memref<1x50x32xf32, #tpu.memory_space<hbm>> -> memref<50x32xf32, #tpu.memory_space<hbm>>
    %dma_wait3A_1026 = tpu.memref_slice %arg8[%dma_wait3A_1017] : memref<8x!tpu.dma_semaphore, #tpu.memory_space<semaphore_mem>> -> memref<1x!tpu.dma_semaphore, #tpu.memory_space<semaphore_mem>>
    %dma_wait3A_1027 = tpu.memref_squeeze %dma_wait3A_1026 : memref<1x!tpu.dma_semaphore, #tpu.memory_space<semaphore_mem>> -> memref<!tpu.dma_semaphore, #tpu.memory_space<semaphore_mem>>
    %dma_wait3A_1028 = arith.constant 0 : i32
    %dma_wait3A_1029 = arith.constant 0 : i32
    %dma_wait3A_1030 = tpu.memref_slice %arg4[%add3A_1015, %dma_wait3A_1028, %dma_wait3A_1029] : memref<16384x50x32xf32, #tpu.memory_space<hbm>> -> memref<1x50x32xf32, #tpu.memory_space<hbm>>
    %dma_wait3A_1031 = tpu.memref_squeeze %dma_wait3A_1030 : memref<1x50x32xf32, #tpu.memory_space<hbm>> -> memref<50x32xf32, #tpu.memory_space<hbm>>
    %dma_wait3A_1032 = arith.constant 0 : i32
    %dma_wait3A_1033 = arith.constant 0 : i32
    %dma_wait3A_1034 = tpu.memref_slice %arg6[%dma_wait3A_1016, %dma_wait3A_1032, %dma_wait3A_1033] : memref<8x50x32xf32, #tpu.memory_space<vmem>> -> memref<1x50x32xf32, #tpu.memory_space<vmem>>
    %dma_wait3A_1035 = tpu.memref_squeeze %dma_wait3A_1034 : memref<1x50x32xf32, #tpu.memory_space<vmem>> -> memref<50x32xf32, #tpu.memory_space<vmem>>
    tpu.wait_dma2 semaphore(%dma_wait3A_1027 : memref<!tpu.dma_semaphore, #tpu.memory_space<semaphore_mem>>) src(%dma_wait3A_1035 : memref<50x32xf32, #tpu.memory_space<vmem>>) dst(%dma_wait3A_1031 : memref<50x32xf32, #tpu.memory_space<hbm>>)
    %add3A_1036 = arith.constant 505 : i32
    %add3A_1037 = arith.addi %mul3A_2, %add3A_1036 : i32
    %dma_wait3A_1038 = arith.constant 1 : i32
    %dma_wait3A_1039 = arith.constant 1 : i32
    %dma_wait3A_1040 = arith.constant 0 : i32
    %dma_wait3A_1041 = arith.constant 0 : i32
    %dma_wait3A_1042 = tpu.memref_slice %arg6[%dma_wait3A_1038, %dma_wait3A_1040, %dma_wait3A_1041] : memref<8x50x32xf32, #tpu.memory_space<vmem>> -> memref<1x50x32xf32, #tpu.memory_space<vmem>>
    %dma_wait3A_1043 = tpu.memref_squeeze %dma_wait3A_1042 : memref<1x50x32xf32, #tpu.memory_space<vmem>> -> memref<50x32xf32, #tpu.memory_space<vmem>>
    %dma_wait3A_1044 = arith.constant 0 : i32
    %dma_wait3A_1045 = arith.constant 0 : i32
    %dma_wait3A_1046 = tpu.memref_slice %arg4[%add3A_1037, %dma_wait3A_1044, %dma_wait3A_1045] : memref<16384x50x32xf32, #tpu.memory_space<hbm>> -> memref<1x50x32xf32, #tpu.memory_space<hbm>>
    %dma_wait3A_1047 = tpu.memref_squeeze %dma_wait3A_1046 : memref<1x50x32xf32, #tpu.memory_space<hbm>> -> memref<50x32xf32, #tpu.memory_space<hbm>>
    %dma_wait3A_1048 = tpu.memref_slice %arg8[%dma_wait3A_1039] : memref<8x!tpu.dma_semaphore, #tpu.memory_space<semaphore_mem>> -> memref<1x!tpu.dma_semaphore, #tpu.memory_space<semaphore_mem>>
    %dma_wait3A_1049 = tpu.memref_squeeze %dma_wait3A_1048 : memref<1x!tpu.dma_semaphore, #tpu.memory_space<semaphore_mem>> -> memref<!tpu.dma_semaphore, #tpu.memory_space<semaphore_mem>>
    %dma_wait3A_1050 = arith.constant 0 : i32
    %dma_wait3A_1051 = arith.constant 0 : i32
    %dma_wait3A_1052 = tpu.memref_slice %arg4[%add3A_1037, %dma_wait3A_1050, %dma_wait3A_1051] : memref<16384x50x32xf32, #tpu.memory_space<hbm>> -> memref<1x50x32xf32, #tpu.memory_space<hbm>>
    %dma_wait3A_1053 = tpu.memref_squeeze %dma_wait3A_1052 : memref<1x50x32xf32, #tpu.memory_space<hbm>> -> memref<50x32xf32, #tpu.memory_space<hbm>>
    %dma_wait3A_1054 = arith.constant 0 : i32
    %dma_wait3A_1055 = arith.constant 0 : i32
    %dma_wait3A_1056 = tpu.memref_slice %arg6[%dma_wait3A_1038, %dma_wait3A_1054, %dma_wait3A_1055] : memref<8x50x32xf32, #tpu.memory_space<vmem>> -> memref<1x50x32xf32, #tpu.memory_space<vmem>>
    %dma_wait3A_1057 = tpu.memref_squeeze %dma_wait3A_1056 : memref<1x50x32xf32, #tpu.memory_space<vmem>> -> memref<50x32xf32, #tpu.memory_space<vmem>>
    tpu.wait_dma2 semaphore(%dma_wait3A_1049 : memref<!tpu.dma_semaphore, #tpu.memory_space<semaphore_mem>>) src(%dma_wait3A_1057 : memref<50x32xf32, #tpu.memory_space<vmem>>) dst(%dma_wait3A_1053 : memref<50x32xf32, #tpu.memory_space<hbm>>)
    %add3A_1058 = arith.constant 506 : i32
    %add3A_1059 = arith.addi %mul3A_2, %add3A_1058 : i32
    %dma_wait3A_1060 = arith.constant 2 : i32
    %dma_wait3A_1061 = arith.constant 2 : i32
    %dma_wait3A_1062 = arith.constant 0 : i32
    %dma_wait3A_1063 = arith.constant 0 : i32
    %dma_wait3A_1064 = tpu.memref_slice %arg6[%dma_wait3A_1060, %dma_wait3A_1062, %dma_wait3A_1063] : memref<8x50x32xf32, #tpu.memory_space<vmem>> -> memref<1x50x32xf32, #tpu.memory_space<vmem>>
    %dma_wait3A_1065 = tpu.memref_squeeze %dma_wait3A_1064 : memref<1x50x32xf32, #tpu.memory_space<vmem>> -> memref<50x32xf32, #tpu.memory_space<vmem>>
    %dma_wait3A_1066 = arith.constant 0 : i32
    %dma_wait3A_1067 = arith.constant 0 : i32
    %dma_wait3A_1068 = tpu.memref_slice %arg4[%add3A_1059, %dma_wait3A_1066, %dma_wait3A_1067] : memref<16384x50x32xf32, #tpu.memory_space<hbm>> -> memref<1x50x32xf32, #tpu.memory_space<hbm>>
    %dma_wait3A_1069 = tpu.memref_squeeze %dma_wait3A_1068 : memref<1x50x32xf32, #tpu.memory_space<hbm>> -> memref<50x32xf32, #tpu.memory_space<hbm>>
    %dma_wait3A_1070 = tpu.memref_slice %arg8[%dma_wait3A_1061] : memref<8x!tpu.dma_semaphore, #tpu.memory_space<semaphore_mem>> -> memref<1x!tpu.dma_semaphore, #tpu.memory_space<semaphore_mem>>
    %dma_wait3A_1071 = tpu.memref_squeeze %dma_wait3A_1070 : memref<1x!tpu.dma_semaphore, #tpu.memory_space<semaphore_mem>> -> memref<!tpu.dma_semaphore, #tpu.memory_space<semaphore_mem>>
    %dma_wait3A_1072 = arith.constant 0 : i32
    %dma_wait3A_1073 = arith.constant 0 : i32
    %dma_wait3A_1074 = tpu.memref_slice %arg4[%add3A_1059, %dma_wait3A_1072, %dma_wait3A_1073] : memref<16384x50x32xf32, #tpu.memory_space<hbm>> -> memref<1x50x32xf32, #tpu.memory_space<hbm>>
    %dma_wait3A_1075 = tpu.memref_squeeze %dma_wait3A_1074 : memref<1x50x32xf32, #tpu.memory_space<hbm>> -> memref<50x32xf32, #tpu.memory_space<hbm>>
    %dma_wait3A_1076 = arith.constant 0 : i32
    %dma_wait3A_1077 = arith.constant 0 : i32
    %dma_wait3A_1078 = tpu.memref_slice %arg6[%dma_wait3A_1060, %dma_wait3A_1076, %dma_wait3A_1077] : memref<8x50x32xf32, #tpu.memory_space<vmem>> -> memref<1x50x32xf32, #tpu.memory_space<vmem>>
    %dma_wait3A_1079 = tpu.memref_squeeze %dma_wait3A_1078 : memref<1x50x32xf32, #tpu.memory_space<vmem>> -> memref<50x32xf32, #tpu.memory_space<vmem>>
    tpu.wait_dma2 semaphore(%dma_wait3A_1071 : memref<!tpu.dma_semaphore, #tpu.memory_space<semaphore_mem>>) src(%dma_wait3A_1079 : memref<50x32xf32, #tpu.memory_space<vmem>>) dst(%dma_wait3A_1075 : memref<50x32xf32, #tpu.memory_space<hbm>>)
    %add3A_1080 = arith.constant 507 : i32
    %add3A_1081 = arith.addi %mul3A_2, %add3A_1080 : i32
    %dma_wait3A_1082 = arith.constant 3 : i32
    %dma_wait3A_1083 = arith.constant 3 : i32
    %dma_wait3A_1084 = arith.constant 0 : i32
    %dma_wait3A_1085 = arith.constant 0 : i32
    %dma_wait3A_1086 = tpu.memref_slice %arg6[%dma_wait3A_1082, %dma_wait3A_1084, %dma_wait3A_1085] : memref<8x50x32xf32, #tpu.memory_space<vmem>> -> memref<1x50x32xf32, #tpu.memory_space<vmem>>
    %dma_wait3A_1087 = tpu.memref_squeeze %dma_wait3A_1086 : memref<1x50x32xf32, #tpu.memory_space<vmem>> -> memref<50x32xf32, #tpu.memory_space<vmem>>
    %dma_wait3A_1088 = arith.constant 0 : i32
    %dma_wait3A_1089 = arith.constant 0 : i32
    %dma_wait3A_1090 = tpu.memref_slice %arg4[%add3A_1081, %dma_wait3A_1088, %dma_wait3A_1089] : memref<16384x50x32xf32, #tpu.memory_space<hbm>> -> memref<1x50x32xf32, #tpu.memory_space<hbm>>
    %dma_wait3A_1091 = tpu.memref_squeeze %dma_wait3A_1090 : memref<1x50x32xf32, #tpu.memory_space<hbm>> -> memref<50x32xf32, #tpu.memory_space<hbm>>
    %dma_wait3A_1092 = tpu.memref_slice %arg8[%dma_wait3A_1083] : memref<8x!tpu.dma_semaphore, #tpu.memory_space<semaphore_mem>> -> memref<1x!tpu.dma_semaphore, #tpu.memory_space<semaphore_mem>>
    %dma_wait3A_1093 = tpu.memref_squeeze %dma_wait3A_1092 : memref<1x!tpu.dma_semaphore, #tpu.memory_space<semaphore_mem>> -> memref<!tpu.dma_semaphore, #tpu.memory_space<semaphore_mem>>
    %dma_wait3A_1094 = arith.constant 0 : i32
    %dma_wait3A_1095 = arith.constant 0 : i32
    %dma_wait3A_1096 = tpu.memref_slice %arg4[%add3A_1081, %dma_wait3A_1094, %dma_wait3A_1095] : memref<16384x50x32xf32, #tpu.memory_space<hbm>> -> memref<1x50x32xf32, #tpu.memory_space<hbm>>
    %dma_wait3A_1097 = tpu.memref_squeeze %dma_wait3A_1096 : memref<1x50x32xf32, #tpu.memory_space<hbm>> -> memref<50x32xf32, #tpu.memory_space<hbm>>
    %dma_wait3A_1098 = arith.constant 0 : i32
    %dma_wait3A_1099 = arith.constant 0 : i32
    %dma_wait3A_1100 = tpu.memref_slice %arg6[%dma_wait3A_1082, %dma_wait3A_1098, %dma_wait3A_1099] : memref<8x50x32xf32, #tpu.memory_space<vmem>> -> memref<1x50x32xf32, #tpu.memory_space<vmem>>
    %dma_wait3A_1101 = tpu.memref_squeeze %dma_wait3A_1100 : memref<1x50x32xf32, #tpu.memory_space<vmem>> -> memref<50x32xf32, #tpu.memory_space<vmem>>
    tpu.wait_dma2 semaphore(%dma_wait3A_1093 : memref<!tpu.dma_semaphore, #tpu.memory_space<semaphore_mem>>) src(%dma_wait3A_1101 : memref<50x32xf32, #tpu.memory_space<vmem>>) dst(%dma_wait3A_1097 : memref<50x32xf32, #tpu.memory_space<hbm>>)
    %add3A_1102 = arith.constant 508 : i32
    %add3A_1103 = arith.addi %mul3A_2, %add3A_1102 : i32
    %dma_wait3A_1104 = arith.constant 4 : i32
    %dma_wait3A_1105 = arith.constant 4 : i32
    %dma_wait3A_1106 = arith.constant 0 : i32
    %dma_wait3A_1107 = arith.constant 0 : i32
    %dma_wait3A_1108 = tpu.memref_slice %arg6[%dma_wait3A_1104, %dma_wait3A_1106, %dma_wait3A_1107] : memref<8x50x32xf32, #tpu.memory_space<vmem>> -> memref<1x50x32xf32, #tpu.memory_space<vmem>>
    %dma_wait3A_1109 = tpu.memref_squeeze %dma_wait3A_1108 : memref<1x50x32xf32, #tpu.memory_space<vmem>> -> memref<50x32xf32, #tpu.memory_space<vmem>>
    %dma_wait3A_1110 = arith.constant 0 : i32
    %dma_wait3A_1111 = arith.constant 0 : i32
    %dma_wait3A_1112 = tpu.memref_slice %arg4[%add3A_1103, %dma_wait3A_1110, %dma_wait3A_1111] : memref<16384x50x32xf32, #tpu.memory_space<hbm>> -> memref<1x50x32xf32, #tpu.memory_space<hbm>>
    %dma_wait3A_1113 = tpu.memref_squeeze %dma_wait3A_1112 : memref<1x50x32xf32, #tpu.memory_space<hbm>> -> memref<50x32xf32, #tpu.memory_space<hbm>>
    %dma_wait3A_1114 = tpu.memref_slice %arg8[%dma_wait3A_1105] : memref<8x!tpu.dma_semaphore, #tpu.memory_space<semaphore_mem>> -> memref<1x!tpu.dma_semaphore, #tpu.memory_space<semaphore_mem>>
    %dma_wait3A_1115 = tpu.memref_squeeze %dma_wait3A_1114 : memref<1x!tpu.dma_semaphore, #tpu.memory_space<semaphore_mem>> -> memref<!tpu.dma_semaphore, #tpu.memory_space<semaphore_mem>>
    %dma_wait3A_1116 = arith.constant 0 : i32
    %dma_wait3A_1117 = arith.constant 0 : i32
    %dma_wait3A_1118 = tpu.memref_slice %arg4[%add3A_1103, %dma_wait3A_1116, %dma_wait3A_1117] : memref<16384x50x32xf32, #tpu.memory_space<hbm>> -> memref<1x50x32xf32, #tpu.memory_space<hbm>>
    %dma_wait3A_1119 = tpu.memref_squeeze %dma_wait3A_1118 : memref<1x50x32xf32, #tpu.memory_space<hbm>> -> memref<50x32xf32, #tpu.memory_space<hbm>>
    %dma_wait3A_1120 = arith.constant 0 : i32
    %dma_wait3A_1121 = arith.constant 0 : i32
    %dma_wait3A_1122 = tpu.memref_slice %arg6[%dma_wait3A_1104, %dma_wait3A_1120, %dma_wait3A_1121] : memref<8x50x32xf32, #tpu.memory_space<vmem>> -> memref<1x50x32xf32, #tpu.memory_space<vmem>>
    %dma_wait3A_1123 = tpu.memref_squeeze %dma_wait3A_1122 : memref<1x50x32xf32, #tpu.memory_space<vmem>> -> memref<50x32xf32, #tpu.memory_space<vmem>>
    tpu.wait_dma2 semaphore(%dma_wait3A_1115 : memref<!tpu.dma_semaphore, #tpu.memory_space<semaphore_mem>>) src(%dma_wait3A_1123 : memref<50x32xf32, #tpu.memory_space<vmem>>) dst(%dma_wait3A_1119 : memref<50x32xf32, #tpu.memory_space<hbm>>)
    %add3A_1124 = arith.constant 509 : i32
    %add3A_1125 = arith.addi %mul3A_2, %add3A_1124 : i32
    %dma_wait3A_1126 = arith.constant 5 : i32
    %dma_wait3A_1127 = arith.constant 5 : i32
    %dma_wait3A_1128 = arith.constant 0 : i32
    %dma_wait3A_1129 = arith.constant 0 : i32
    %dma_wait3A_1130 = tpu.memref_slice %arg6[%dma_wait3A_1126, %dma_wait3A_1128, %dma_wait3A_1129] : memref<8x50x32xf32, #tpu.memory_space<vmem>> -> memref<1x50x32xf32, #tpu.memory_space<vmem>>
    %dma_wait3A_1131 = tpu.memref_squeeze %dma_wait3A_1130 : memref<1x50x32xf32, #tpu.memory_space<vmem>> -> memref<50x32xf32, #tpu.memory_space<vmem>>
    %dma_wait3A_1132 = arith.constant 0 : i32
    %dma_wait3A_1133 = arith.constant 0 : i32
    %dma_wait3A_1134 = tpu.memref_slice %arg4[%add3A_1125, %dma_wait3A_1132, %dma_wait3A_1133] : memref<16384x50x32xf32, #tpu.memory_space<hbm>> -> memref<1x50x32xf32, #tpu.memory_space<hbm>>
    %dma_wait3A_1135 = tpu.memref_squeeze %dma_wait3A_1134 : memref<1x50x32xf32, #tpu.memory_space<hbm>> -> memref<50x32xf32, #tpu.memory_space<hbm>>
    %dma_wait3A_1136 = tpu.memref_slice %arg8[%dma_wait3A_1127] : memref<8x!tpu.dma_semaphore, #tpu.memory_space<semaphore_mem>> -> memref<1x!tpu.dma_semaphore, #tpu.memory_space<semaphore_mem>>
    %dma_wait3A_1137 = tpu.memref_squeeze %dma_wait3A_1136 : memref<1x!tpu.dma_semaphore, #tpu.memory_space<semaphore_mem>> -> memref<!tpu.dma_semaphore, #tpu.memory_space<semaphore_mem>>
    %dma_wait3A_1138 = arith.constant 0 : i32
    %dma_wait3A_1139 = arith.constant 0 : i32
    %dma_wait3A_1140 = tpu.memref_slice %arg4[%add3A_1125, %dma_wait3A_1138, %dma_wait3A_1139] : memref<16384x50x32xf32, #tpu.memory_space<hbm>> -> memref<1x50x32xf32, #tpu.memory_space<hbm>>
    %dma_wait3A_1141 = tpu.memref_squeeze %dma_wait3A_1140 : memref<1x50x32xf32, #tpu.memory_space<hbm>> -> memref<50x32xf32, #tpu.memory_space<hbm>>
    %dma_wait3A_1142 = arith.constant 0 : i32
    %dma_wait3A_1143 = arith.constant 0 : i32
    %dma_wait3A_1144 = tpu.memref_slice %arg6[%dma_wait3A_1126, %dma_wait3A_1142, %dma_wait3A_1143] : memref<8x50x32xf32, #tpu.memory_space<vmem>> -> memref<1x50x32xf32, #tpu.memory_space<vmem>>
    %dma_wait3A_1145 = tpu.memref_squeeze %dma_wait3A_1144 : memref<1x50x32xf32, #tpu.memory_space<vmem>> -> memref<50x32xf32, #tpu.memory_space<vmem>>
    tpu.wait_dma2 semaphore(%dma_wait3A_1137 : memref<!tpu.dma_semaphore, #tpu.memory_space<semaphore_mem>>) src(%dma_wait3A_1145 : memref<50x32xf32, #tpu.memory_space<vmem>>) dst(%dma_wait3A_1141 : memref<50x32xf32, #tpu.memory_space<hbm>>)
    %add3A_1146 = arith.constant 510 : i32
    %add3A_1147 = arith.addi %mul3A_2, %add3A_1146 : i32
    %dma_wait3A_1148 = arith.constant 6 : i32
    %dma_wait3A_1149 = arith.constant 6 : i32
    %dma_wait3A_1150 = arith.constant 0 : i32
    %dma_wait3A_1151 = arith.constant 0 : i32
    %dma_wait3A_1152 = tpu.memref_slice %arg6[%dma_wait3A_1148, %dma_wait3A_1150, %dma_wait3A_1151] : memref<8x50x32xf32, #tpu.memory_space<vmem>> -> memref<1x50x32xf32, #tpu.memory_space<vmem>>
    %dma_wait3A_1153 = tpu.memref_squeeze %dma_wait3A_1152 : memref<1x50x32xf32, #tpu.memory_space<vmem>> -> memref<50x32xf32, #tpu.memory_space<vmem>>
    %dma_wait3A_1154 = arith.constant 0 : i32
    %dma_wait3A_1155 = arith.constant 0 : i32
    %dma_wait3A_1156 = tpu.memref_slice %arg4[%add3A_1147, %dma_wait3A_1154, %dma_wait3A_1155] : memref<16384x50x32xf32, #tpu.memory_space<hbm>> -> memref<1x50x32xf32, #tpu.memory_space<hbm>>
    %dma_wait3A_1157 = tpu.memref_squeeze %dma_wait3A_1156 : memref<1x50x32xf32, #tpu.memory_space<hbm>> -> memref<50x32xf32, #tpu.memory_space<hbm>>
    %dma_wait3A_1158 = tpu.memref_slice %arg8[%dma_wait3A_1149] : memref<8x!tpu.dma_semaphore, #tpu.memory_space<semaphore_mem>> -> memref<1x!tpu.dma_semaphore, #tpu.memory_space<semaphore_mem>>
    %dma_wait3A_1159 = tpu.memref_squeeze %dma_wait3A_1158 : memref<1x!tpu.dma_semaphore, #tpu.memory_space<semaphore_mem>> -> memref<!tpu.dma_semaphore, #tpu.memory_space<semaphore_mem>>
    %dma_wait3A_1160 = arith.constant 0 : i32
    %dma_wait3A_1161 = arith.constant 0 : i32
    %dma_wait3A_1162 = tpu.memref_slice %arg4[%add3A_1147, %dma_wait3A_1160, %dma_wait3A_1161] : memref<16384x50x32xf32, #tpu.memory_space<hbm>> -> memref<1x50x32xf32, #tpu.memory_space<hbm>>
    %dma_wait3A_1163 = tpu.memref_squeeze %dma_wait3A_1162 : memref<1x50x32xf32, #tpu.memory_space<hbm>> -> memref<50x32xf32, #tpu.memory_space<hbm>>
    %dma_wait3A_1164 = arith.constant 0 : i32
    %dma_wait3A_1165 = arith.constant 0 : i32
    %dma_wait3A_1166 = tpu.memref_slice %arg6[%dma_wait3A_1148, %dma_wait3A_1164, %dma_wait3A_1165] : memref<8x50x32xf32, #tpu.memory_space<vmem>> -> memref<1x50x32xf32, #tpu.memory_space<vmem>>
    %dma_wait3A_1167 = tpu.memref_squeeze %dma_wait3A_1166 : memref<1x50x32xf32, #tpu.memory_space<vmem>> -> memref<50x32xf32, #tpu.memory_space<vmem>>
    tpu.wait_dma2 semaphore(%dma_wait3A_1159 : memref<!tpu.dma_semaphore, #tpu.memory_space<semaphore_mem>>) src(%dma_wait3A_1167 : memref<50x32xf32, #tpu.memory_space<vmem>>) dst(%dma_wait3A_1163 : memref<50x32xf32, #tpu.memory_space<hbm>>)
    %add3A_1168 = arith.constant 511 : i32
    %add3A_1169 = arith.addi %mul3A_2, %add3A_1168 : i32
    %dma_wait3A_1170 = arith.constant 7 : i32
    %dma_wait3A_1171 = arith.constant 7 : i32
    %dma_wait3A_1172 = arith.constant 0 : i32
    %dma_wait3A_1173 = arith.constant 0 : i32
    %dma_wait3A_1174 = tpu.memref_slice %arg6[%dma_wait3A_1170, %dma_wait3A_1172, %dma_wait3A_1173] : memref<8x50x32xf32, #tpu.memory_space<vmem>> -> memref<1x50x32xf32, #tpu.memory_space<vmem>>
    %dma_wait3A_1175 = tpu.memref_squeeze %dma_wait3A_1174 : memref<1x50x32xf32, #tpu.memory_space<vmem>> -> memref<50x32xf32, #tpu.memory_space<vmem>>
    %dma_wait3A_1176 = arith.constant 0 : i32
    %dma_wait3A_1177 = arith.constant 0 : i32
    %dma_wait3A_1178 = tpu.memref_slice %arg4[%add3A_1169, %dma_wait3A_1176, %dma_wait3A_1177] : memref<16384x50x32xf32, #tpu.memory_space<hbm>> -> memref<1x50x32xf32, #tpu.memory_space<hbm>>
    %dma_wait3A_1179 = tpu.memref_squeeze %dma_wait3A_1178 : memref<1x50x32xf32, #tpu.memory_space<hbm>> -> memref<50x32xf32, #tpu.memory_space<hbm>>
    %dma_wait3A_1180 = tpu.memref_slice %arg8[%dma_wait3A_1171] : memref<8x!tpu.dma_semaphore, #tpu.memory_space<semaphore_mem>> -> memref<1x!tpu.dma_semaphore, #tpu.memory_space<semaphore_mem>>
    %dma_wait3A_1181 = tpu.memref_squeeze %dma_wait3A_1180 : memref<1x!tpu.dma_semaphore, #tpu.memory_space<semaphore_mem>> -> memref<!tpu.dma_semaphore, #tpu.memory_space<semaphore_mem>>
    %dma_wait3A_1182 = arith.constant 0 : i32
    %dma_wait3A_1183 = arith.constant 0 : i32
    %dma_wait3A_1184 = tpu.memref_slice %arg4[%add3A_1169, %dma_wait3A_1182, %dma_wait3A_1183] : memref<16384x50x32xf32, #tpu.memory_space<hbm>> -> memref<1x50x32xf32, #tpu.memory_space<hbm>>
    %dma_wait3A_1185 = tpu.memref_squeeze %dma_wait3A_1184 : memref<1x50x32xf32, #tpu.memory_space<hbm>> -> memref<50x32xf32, #tpu.memory_space<hbm>>
    %dma_wait3A_1186 = arith.constant 0 : i32
    %dma_wait3A_1187 = arith.constant 0 : i32
    %dma_wait3A_1188 = tpu.memref_slice %arg6[%dma_wait3A_1170, %dma_wait3A_1186, %dma_wait3A_1187] : memref<8x50x32xf32, #tpu.memory_space<vmem>> -> memref<1x50x32xf32, #tpu.memory_space<vmem>>
    %dma_wait3A_1189 = tpu.memref_squeeze %dma_wait3A_1188 : memref<1x50x32xf32, #tpu.memory_space<vmem>> -> memref<50x32xf32, #tpu.memory_space<vmem>>
    tpu.wait_dma2 semaphore(%dma_wait3A_1181 : memref<!tpu.dma_semaphore, #tpu.memory_space<semaphore_mem>>) src(%dma_wait3A_1189 : memref<50x32xf32, #tpu.memory_space<vmem>>) dst(%dma_wait3A_1185 : memref<50x32xf32, #tpu.memory_space<hbm>>)
    return
  }
}

</mosaic_0001>

<sc_bundles>
// kernel: kernel.3.cloned.1.call-start
scs
__scs_entry_jumppad:
0x0: {  	(pc) =	sbr.rel $0x88, $3  }
0x1: {  	(tag) =	ssettag $0x0;
	lr =	simm.s32 $0x1  }
0x2: {  	[smem:$0x3F9F] =	sst lr;
	_ =	strace $0xD0000000  }
0x3: {  	_ = 	snop  }
0x4: {  	_ = 	snop  }
0x5: {  	_ = 	snop  }
0x6: {  	_ = 	snop  }
0x7: {  	_ = 	snop  }
__scs_overlays_trampoline_lowered:
0x8: {  	[smem:$0x3FAE] =	sst s0  }
0x9: {  	[smem:$0x3FAF] =	sst s1  }
0xa: {  	[smem:$0x3FB0] =	sst s2  }
0xb: {  	[smem:$0x3FB1] =	sst s3  }
0xc: {  	[smem:$0x3FB2] =	sst s4  }
0xd: {  	[smem:$0x3FB3] =	sst s5  }
0xe: {  	[smem:$0x3FB4] =	sst s6  }
0xf: {  	[smem:$0x3FB5] =	sst s7  }
0x10: {  	[smem:$0x3FB6] =	sst s8  }
0x11: {  	[smem:$0x3FB7] =	sst s9;
	s0 =	simm.s32 @!p0 $0x0  }
0x12: {  	s1 =	sld [smem:$0x3F9D];
	s0 =	simm.s32 @p0 $0x1  }
0x13: {  	[smem:$0x3FB8] =	sst s0;
	s0 =	simm.s32 @!p1 $0x0  }
0x14: {  	s2 =	sld [smem:$0x3F9C];
	s0 =	simm.s32 @p1 $0x1  }
0x15: {  	[smem:$0x3FB9] =	sst s0;
	s0 =	simm.s32 @!p2 $0x0  }
0x16: {  	s3 =	sld [smem:$0x3FDB];
	s0 =	simm.s32 @p2 $0x1  }
0x17: {  	s4 =	simm.s32 $0x1BF5;
	[smem:$0x3FBB] =	sst s0  }
0x18: {  	s0 =	sld [smem:$0x3F9E];
	_ =	swait.ge [sflag:s4], $0x0  }
0x19: {  	s7 =	sld [smem:$0x3F9F]  }
0x1a: {  	s8 =	sadd.s32 $0xFFFFE003, lr  }
0x1b: {  	s9 =	sadd.s32 $0xFFFFFEF7, lr;
	s5 =	simm.s32 $0xFFFFFFFF;
	p2 =	slt.u32 s8, $0xFFFFF086  }
0x1c: {  	p1 =	slt.u32 s9, $0xF7A;
	s5 =	simm.s32 @!p2 $0x0  }
0x1d: {  	s5 =	simm.s32 @p1 $0x1;
	p0 =	seq.s32 s7, s2  }
0x1e: {  	s7 =	smul.u32 @!p0 $0xF7A, s2;
	p2 =	seq.s32 @!p0 s5, $0x0  }
0x1f: {  	s9 =	smul.u32 $0xF7A, s1;
	s8 =	simm.s32 @!p0 $0x1BF5;
	p2 =	por !p2, p0  }
0x20: {  	[sflag:s8] =	ssyncset.s32 @!p0 $0xFFFFF086;
	s6 =	sadd.s32 @!p0 s3, s7;
	s7 =	simm.s32 @!p0 $0x108  }
0x21: {  	s3 =	sadd.s32 s3, s9;
	s6 =	sadd.s32 @!p0 $0x88, s6;
	s7 =	simm.s32 @p2 $0x1082  }
0x22: {  	[simem:s7], [sflag:s8] =	dma.local @!p0 [hbm:s6], $0xF7A  }
0x23: {  	s9 =	sor.u32 $0xD0000000, s2;
	s6 =	simm.s32 $0x108;
	_ =	swait.ge @!p0 [sflag:s8], $0x0  }
0x24: {  	s3 =	sadd.s32 $0x88, s3;
	s6 =	simm.s32 @!p1 $0x1082;
	[sflag:s4] =	ssyncset.s32 $0xFFFFF086  }
0x25: {  	[simem:s6], [sflag:s4] =	dma.local [hbm:s3], $0xF7A  }
0x26: {  	[smem:$0x3F9F] =	sst s1;
	(tag) =	ssettag s2;
	_ =	strace s9  }
0x27: {  	s1 =	sld [smem:$0x3FAF]  }
0x28: {  	s2 =	sld [smem:$0x3FB0]  }
0x29: {  	s4 =	sld [smem:$0x3FB2]  }
0x2a: {  	p0 =	seq.s32 s5, $0x0;
	s5 =	sld [smem:$0x3FB3]  }
0x2b: {  	s6 =	sld [smem:$0x3FB4]  }
0x2c: {  	s7 =	sld [smem:$0x3FB5]  }
0x2d: {  	s3 =	simm.s32 $0x108;
	s8 =	sld [smem:$0x3FB6]  }
0x2e: {  	s3 =	simm.s32 @!p0 $0x1082;
	s9 =	sld [smem:$0x3FB7]  }
0x2f: {  	lr =	sadd.s32 s0, s3;
	s0 =	sld [smem:$0x3FAE]  }
0x30: {  	s3 =	sld [smem:$0x3FB1]  }
0x31: {  	[smem:$0x3FBA] =	sst s10  }
0x32: {  	s10 =	sld [smem:$0x3FB8];
	_ =	sdelay $0x3  }
0x33: {  	p0 =	seq.s32 s10, $0x1;
	s10 =	sld [smem:$0x3FBA];
	_ =	sdelay $0x3  }
0x34: {  	[smem:$0x3FBA] =	sst s10  }
0x35: {  	s10 =	sld [smem:$0x3FB9];
	_ =	sdelay $0x3  }
0x36: {  	p1 =	seq.s32 s10, $0x1;
	s10 =	sld [smem:$0x3FBA];
	_ =	sdelay $0x3  }
0x37: {  	[smem:$0x3FBA] =	sst s10  }
0x38: {  	s10 =	sld [smem:$0x3FBB]  }
0x39: {  	_ = 	snop;
	(pc) =	sbr.ind lr, $3  }
0x3a: {  	_ = 	snop  }
0x3b: {  	_ = 	snop  }
0x3c: {  	p2 =	seq.s32 s10, $0x1;
	s10 =	sld [smem:$0x3FBA]  }
0x3d: {  	_ =	shalt  }
0x3e: {  	_ =	shalt  }
0x3f: {  	_ =	shalt  }
0x40: {  	_ =	shalt  }
0x41: {  	_ =	shalt  }
0x42: {  	_ =	shalt  }
0x43: {  	_ =	shalt  }
0x44: {  	_ =	shalt  }
0x45: {  	_ =	shalt  }
0x46: {  	_ =	shalt  }
0x47: {  	_ =	shalt  }
0x48: {  	_ =	shalt  }
0x49: {  	_ =	shalt  }
0x4a: {  	_ =	shalt  }
0x4b: {  	_ =	shalt  }
0x4c: {  	_ =	shalt  }
0x4d: {  	_ =	shalt  }
0x4e: {  	_ =	shalt  }
0x4f: {  	_ =	shalt  }
0x50: {  	_ =	shalt  }
0x51: {  	_ =	shalt  }
0x52: {  	_ =	shalt  }
0x53: {  	_ =	shalt  }
0x54: {  	_ =	shalt  }
0x55: {  	_ =	shalt  }
0x56: {  	_ =	shalt  }
0x57: {  	_ =	shalt  }
0x58: {  	_ =	shalt  }
0x59: {  	_ =	shalt  }
0x5a: {  	_ =	shalt  }
0x5b: {  	_ =	shalt  }
0x5c: {  	_ =	shalt  }
0x5d: {  	_ =	shalt  }
0x5e: {  	_ =	shalt  }
0x5f: {  	_ =	shalt  }
0x60: {  	_ =	shalt  }
0x61: {  	_ =	shalt  }
0x62: {  	_ =	shalt  }
0x63: {  	_ =	shalt  }
0x64: {  	_ =	shalt  }
0x65: {  	_ =	shalt  }
0x66: {  	_ =	shalt  }
0x67: {  	_ =	shalt  }
0x68: {  	_ =	shalt  }
0x69: {  	_ =	shalt  }
0x6a: {  	_ =	shalt  }
0x6b: {  	_ =	shalt  }
0x6c: {  	_ =	shalt  }
0x6d: {  	_ =	shalt  }
0x6e: {  	_ =	shalt  }
0x6f: {  	_ =	shalt  }
0x70: {  	_ =	shalt  }
0x71: {  	_ =	shalt  }
0x72: {  	_ =	shalt  }
0x73: {  	_ =	shalt  }
0x74: {  	_ =	shalt  }
0x75: {  	_ =	shalt  }
0x76: {  	_ =	shalt  }
0x77: {  	_ =	shalt  }
0x78: {  	_ =	shalt  }
0x79: {  	_ =	shalt  }
0x7a: {  	_ =	shalt  }
0x7b: {  	_ =	shalt  }
0x7c: {  	_ =	shalt  }
0x7d: {  	_ =	shalt  }
0x7e: {  	_ =	shalt  }
0x7f: {  	_ =	shalt  }
0x80: {  	_ =	shalt  }
0x81: {  	_ =	shalt  }
0x82: {  	_ =	shalt  }
0x83: {  	_ =	shalt  }
0x84: {  	_ =	shalt  }
0x85: {  	_ =	shalt  }
0x86: {  	_ =	shalt  }
0x87: {  	_ =	shalt  }
.Lfunc_end0:
.L_simem_size_0:
called_computation.1_lowered:
.L_overlay_start_0:
0x88: {  	s2 =	sld [smem:$0x3FD9]  }
0x89: {  	s3 =	sld [smem:$0x3FFE];
	_ =	sdelay $0x1  }
0x8a: {  	s1 =	srdreg.scid  }
0x8b: {  	s0 =	sand.u32 $0x1, s1  }
0x8c: {  	s17 =	sshll.u32 s0, $0xA;
	s2 =	sadd.s32 s3, s2  }
0x8d: {  	s2 =	sadd.s32 s2, s17  }
0x8e: {  	[smem:$0x3FC6] =	sst s2  }
0x8f: {  	_ = 	snop  }
0x90: {  	s2 =	sld [smem:$0x3FD0];
	(tm) =	ssettm $0x1  }
0x91: {  	s18 =	sld [smem:$0x3FFB];
	_ =	sdelay $0x3  }
0x92: {  	_ =	strace s18  }
0x93: {  	s3 =	sld [smem:$0x3FFC];
	_ =	sdelay $0x3  }
0x94: {  	_ =	strace s3  }
0x95: {  	s3 =	sld [smem:$0x3FFD];
	_ =	sdelay $0x3  }
0x96: {  	_ =	strace s3  }
0x97: {  	_ =	strace $0x8FFFFFFF  }
0x98: {  	s19 =	sld [smem:$0x3FDB];
	_ =	sdelay $0x1  }
0x99: {  	s4 =	simm.s32 $_scs_section_size  }
0x9a: {  	s5 =	simm.s32 $_size__tile_overlayer_lowered;
	s6 =	simm.s32 $_tile_overlayer_lowered  }
0x9b: {  	s22 =	simm.s32 $0x1BFF;
	s21 =	sshll.u32 s6, $0x1;
	s3 =	sadd.s32 s4, s19  }
0x9c: {  	s7 =	simm.s32 $0x0;
	s20 =	sshll.u32 s5, $0x1;
	s5 =	sadd.s32 s21, s3  }
0x9d: {  	[timem:s7], [sflag:s22] =	dma.local [hbm:s5], s20  }
0x9e: {  	_ =	swait.ge [sflag:s22], s20  }
0x9f: {  	s4 =	ssub.s32 $0x0, s20;
	[sflag:s22] =	ssyncset.done $0x0  }
0xa0: {  	[sflag:s22] =	ssyncadd.s32 s4;
	_ =	sdelay $0x1  }
0xa1: {  	s23 =	simm.s32 $0x1B8B  }
0xa2: {  	_ =	swait.ge [sflag:s23], $0x1  }
0xa3: {  	[sflag:s23] =	ssyncset.done $0x0  }
0xa4: {  	s25 =	simm.s32 $0x1B8E;
	s24 =	sld [smem:$0x3FFE];
	[sflag:s23] =	ssyncadd.s32 $0xFFFFFFFF  }
0xa5: {  	s26 =	simm.s32 $execute0_lowered;
	[smem:$0x3FD2] =	sst s25  }
0xa6: {  	s5 =	sshll.u32 s26, $0x1;
	_ =	strace $0x80000046;
	[dreg:$0x1] =	wrdreg $0xFFFFFFFF  }
0xa7: {  	s28 =	simm.s32 $_size_execute0_lowered;
	s3 =	sadd.s32 s3, s5;
	[dreg:$0x0] =	wrdreg $0x0  }
0xa8: {  	s5 =	sshll.u32 s28, $0x1;
	[dreg:$0x2] =	wrdreg s3  }
0xa9: {  	[dreg:$0x3] =	wrdreg s5  }
0xaa: {  	[dreg:$0x4] =	wrdreg $0xC0  }
0xab: {  	_ =	task [dreg:s7], $0x5FFFF  }
0xac: {  	[dreg:$0x1] =	wrdreg $0xFFFFFFFF  }
0xad: {  	[dreg:$0x0] =	wrdreg $0x60  }
0xae: {  	[dreg:$0x2] =	wrdreg s24  }
0xaf: {  	[dreg:$0x3] =	wrdreg s2  }
0xb0: {  	[dreg:$0x4] =	wrdreg $0x9  }
0xb1: {  	_ =	task.clear_ibuf [dreg:s7], $0x5FFFF;
	_ =	strace $0x90000046  }
0xb2: {  	s29 =	simm.s32 $0x9;
	_ =	strace $0x80000048  }
0xb3: {  	_ =	swait.ge [sflag:s29], $0x1  }
0xb4: {  	[sflag:s29] =	ssyncadd.s32 $0xFFFFFFFF  }
0xb5: {  	_ =	strace $0x90000048  }
0xb6: {  	_ =	sfence  }
0xb7: {  	s30 =	sld [smem:$0x0];
	_ =	sdelay $0x2  }
0xb8: {  	s31 =	sshll.u32 s1, $0xD;
	s1 =	sshrl.u32 s1, $0x2  }
0xb9: {  	s3 =	sand.u32 $0x4000, s31;
	s1 =	sadd.s32 s1, s30  }
0xba: {  	s0 =	sor.u32 s3, s0;
	s1 =	sshll.u32 s1, $0x11  }
0xbb: {  	s0 =	sor.u32 s1, s0  }
0xbc: {  	s0 =	sadd.s32 $0x8F2B, s0  }
0xbd: {  	[sflag:s0] =	ssyncadd.remote.s32 $0x1  }
0xbe: {  	_ =	sfence.sel $0xFFFF  }
0xbf: {  	[dreg:$0x0] =	wrdreg $0xFFFFFFFF;
	(pc) =	sbr.abs _section_cstart, $3  }
0xc0: {  	[dreg:$0x1] =	wrdreg $0xFFFFFFFF  }
0xc1: {  	_ =	task.clear_ibuf [dreg:s7], $0x2FFFF;
	_ =	strace $0x9FFFFFFF  }
0xc2: {  	(tm) =	ssettm $0x7FFFFFFF  }
0xc3: {  	_ =	shalt  }
tec
execute0_lowered:
.L_overlay_start_1:
0x0: {  	(tag) =	ssettag $0x1  }
0x1: {  	s0 =	srdreg.scid;
	s1 =	rddreg [dreg:$0x0]  }
0x2: {  	s9 =	stileid.u32;
	s4 =	rddreg [dreg:$0x1];
	s2 =	simm.s32 $0x0  }
0x3: {  	s28 =	simm.s32 $0x7640;
	s30 =	simm.s32 $0x7C80;
	s0 =	sand.u32 $0x1, s0  }
0x4: {  	s3 =	sshll.u32 s9, $0xA;
	s19 =	smul.u32 $0x32000, s9;
	s5 =	sshll.u32 s0, $0x9  }
0x5: {  	s6 =	ssub.s32 $0x2, s0;
	s0 =	smul.u32 $0x19000, s0;
	s5 =	sor.u32 s5, s3  }
0x6: {  	s29 =	simm.s32 $0x1;
	s31 =	simm.s32 $0x2;
	s3 =	smul.u32 $0x7, s5  }
0x7: {  	[smem:$0x7FF] =	sst s2;
	s9 =	simm.s32 $0x9;
	s7 =	smul.u32 $0xC8, s5  }
0x8: {  	_ =	strace $0x80000047;
	s26 =	sshrl.u32 s6, $0x1;
	s5 =	smul.u32 $0x640, s5  }
0x9: {  	s8 =	sadd.s32 s3, s1;
	s3 =	sadd.s32 $0xF42E00, s1;
	s10 =	sadd.s32 s4, s7  }
0xa: {  	s1 =	ssub.s32 s6, s26;
	s11 =	sadd.s32 $0xA00, s8;
	[dreg:$0x3] =	wrdreg s10  }
0xb: {  	s5 =	sshrl.u32 s5, $0x3;
	s12 =	sadd.s32 $0xC8, s10;
	[dreg:$0x4] =	wrdreg s11  }
0xc: {  	s7 =	simm.s32 $0x9BC0;
	s13 =	sadd.s32 $0x190, s10;
	[dreg:$0x5] =	wrdreg s12  }
0xd: {  	s14 =	sadd.s32 $0x258, s10;
	s15 =	sadd.s32 $0x320, s10;
	[dreg:$0x6] =	wrdreg s13  }
0xe: {  	s16 =	sadd.s32 $0x3E8, s10;
	s17 =	sadd.s32 $0x4B0, s10;
	[dreg:$0x7] =	wrdreg s14  }
0xf: {  	s5 =	sadd.s32 s4, s5;
	s6 =	sadd.s32 $0x578, s10;
	[dreg:$0x8] =	wrdreg s15  }
0x10: {  	s4 =	sadd.s32 s19, s4;
	s1 =	smax.u32 s1, $0x1;
	[dreg:$0x9] =	wrdreg s16  }
0x11: {  	s8 =	simm.s32 $0x4;
	s10 =	simm.s32 $0x5;
	[dreg:$0xa] =	wrdreg s17  }
0x12: {  	s19 =	simm.s32 $0xF;
	[dreg:$0xb] =	wrdreg s6;
	s18 =	sadd.s32 $0x189C0, s5  }
0x13: {  	s20 =	sadd.s32 $0x18A88, s5;
	s21 =	sadd.s32 $0x18B50, s5;
	[dreg:$0x14] =	wrdreg s1  }
0x14: {  	s22 =	sadd.s32 $0x18C18, s5;
	s23 =	sadd.s32 $0x18CE0, s5;
	[dreg:$0xc] =	wrdreg s18  }
0x15: {  	s24 =	sadd.s32 $0x18DA8, s5;
	s25 =	sadd.s32 $0x18E70, s5;
	[dreg:$0xd] =	wrdreg s20  }
0x16: {  	s0 =	sadd.s32 s0, s4;
	s26 =	sadd.s32 $0x18F38, s5;
	[dreg:$0xe] =	wrdreg s21  }
0x17: {  	s1 =	simm.s32 $0x82C0;
	s5 =	simm.s32 $0x9580;
	[dreg:$0xf] =	wrdreg s22  }
0x18: {  	s6 =	simm.s32 $0x3;
	s11 =	simm.s32 $0xA;
	[dreg:$0x10] =	wrdreg s23  }
0x19: {  	s12 =	simm.s32 $0x6;
	s13 =	simm.s32 $0xB;
	[dreg:$0x11] =	wrdreg s24  }
0x1a: {  	s14 =	simm.s32 $0x7;
	s15 =	simm.s32 $0xC;
	[dreg:$0x12] =	wrdreg s25  }
0x1b: {  	s16 =	simm.s32 $0x8;
	s17 =	simm.s32 $0xD;
	[dreg:$0x13] =	wrdreg s26  }
0x1c: {  	s0 =	sadd.s32 $0x640, s0;
	s24 =	simm.s32 $0x32;
	s25 =	simm.s32 $0x7000  }
0x1d: {  	s26 =	simm.s32 $0x8900;
	s18 =	simm.s32 $0xE;
	s20 =	simm.s32 $0x10  }
0x1e: {  	s21 =	simm.s32 $0x0;
	[dreg:$0x15] =	wrdreg s0;
	s0 =	simm.s32 $0x8F40  }
.LBB2_1:
0x1f: {  	[dreg:$0x16] =	wrdreg s21  }
0x20: {  	s4 =	rddreg [dreg:$0x4];
	s23 =	simm.s32 $0x11  }
0x21: {  	[tilespmem:s2], [sflag:$0x11] =	stream.linear.gather [hbm4b:s4+s2], $0x7000, $0x38;
	[tilespmem:$0xA200] =	vst v63  }
0x22: {  	_ =	swait.ge [sflag:s23], $0x7000  }
0x23: {  	[sflag:s23] =	ssyncset.done $0x0  }
0x24: {  	[sflag:s23] =	ssyncadd.s32 $0xFFFF9000  }
0x25: {  	[tilespmem:s25], [sflag:$0x1] =	stream.indirect.gather [hbm4b:s3+s24], $0x20, s2, s24, $0xb8;
	[tilespmem:$0xA200] =	vst v63  }
0x26: {  	s21 =	simm.s32 $0x38  }
0x27: {  	[tilespmem:s28], [sflag:$0x2] =	stream.indirect.gather [hbm4b:s3+s24], $0x20, s21, s24, $0xb8;
	[tilespmem:$0xA200] =	vst v63  }
0x28: {  	s22 =	simm.s32 $0x70  }
0x29: {  	[tilespmem:s30], [sflag:$0x3] =	stream.indirect.gather [hbm4b:s3+s24], $0x20, s22, s24, $0xb8;
	[tilespmem:$0xA200] =	vst v63  }
0x2a: {  	s23 =	simm.s32 $0xA8  }
0x2b: {  	[tilespmem:s1], [sflag:$0x4] =	stream.indirect.gather [hbm4b:s3+s24], $0x20, s23, s24, $0xb8;
	[tilespmem:$0xA200] =	vst v63  }
0x2c: {  	s21 =	simm.s32 $0xE0  }
0x2d: {  	[tilespmem:s26], [sflag:$0x5] =	stream.indirect.gather [hbm4b:s3+s24], $0x20, s21, s24, $0xb8;
	[tilespmem:$0xA200] =	vst v63  }
0x2e: {  	_ =	swait.ge [sflag:s29], $0x640  }
0x2f: {  	[sflag:s29] =	ssyncset.done $0x0  }
0x30: {  	s22 =	rddreg [dreg:$0x3];
	[sflag:s29] =	ssyncadd.s32 $0xFFFFF9C0  }
0x31: {  	[hbm4b:s22+s2] =	stream.linear.scatter [tilespmem:s25], [sflag:$0x9], $0x640, $0x38;
	[tilespmem:$0xA200] =	vst v63  }
0x32: {  	s23 =	simm.s32 $0x118  }
0x33: {  	[tilespmem:s0], [sflag:$0x6] =	stream.indirect.gather [hbm4b:s3+s24], $0x20, s23, s24, $0xb8;
	[tilespmem:$0xA200] =	vst v63  }
0x34: {  	_ =	swait.ge [sflag:s31], $0x640  }
0x35: {  	[sflag:s31] =	ssyncset.done $0x0  }
0x36: {  	s21 =	rddreg [dreg:$0x5];
	[sflag:s31] =	ssyncadd.s32 $0xFFFFF9C0  }
0x37: {  	[hbm4b:s21+s2] =	stream.linear.scatter [tilespmem:s28], [sflag:$0xA], $0x640, $0x38;
	[tilespmem:$0xA200] =	vst v63  }
0x38: {  	s22 =	simm.s32 $0x150  }
0x39: {  	[tilespmem:s5], [sflag:$0x7] =	stream.indirect.gather [hbm4b:s3+s24], $0x20, s22, s24, $0xb8;
	[tilespmem:$0xA200] =	vst v63  }
0x3a: {  	_ =	swait.ge [sflag:s6], $0x640  }
0x3b: {  	[sflag:s6] =	ssyncset.done $0x0  }
0x3c: {  	s23 =	rddreg [dreg:$0x6];
	[sflag:s6] =	ssyncadd.s32 $0xFFFFF9C0  }
0x3d: {  	[hbm4b:s23+s2] =	stream.linear.scatter [tilespmem:s30], [sflag:$0xB], $0x640, $0x38;
	[tilespmem:$0xA200] =	vst v63  }
0x3e: {  	s21 =	simm.s32 $0x188  }
0x3f: {  	[tilespmem:s7], [sflag:$0x8] =	stream.indirect.gather [hbm4b:s3+s24], $0x20, s21, s24, $0xb8;
	[tilespmem:$0xA200] =	vst v63  }
0x40: {  	_ =	swait.ge [sflag:s8], $0x640  }
0x41: {  	[sflag:s8] =	ssyncset.done $0x0  }
0x42: {  	s22 =	rddreg [dreg:$0x7];
	[sflag:s8] =	ssyncadd.s32 $0xFFFFF9C0  }
0x43: {  	[hbm4b:s22+s2] =	stream.linear.scatter [tilespmem:s1], [sflag:$0xC], $0x640, $0x38;
	[tilespmem:$0xA200] =	vst v63  }
0x44: {  	_ =	swait.ge [sflag:s9], $0x640  }
0x45: {  	[sflag:s9] =	ssyncset.done $0x0  }
0x46: {  	s23 =	simm.s32 $0x1C0;
	[sflag:s9] =	ssyncadd.s32 $0xFFFFF9C0  }
0x47: {  	[tilespmem:s25], [sflag:$0x1] =	stream.indirect.gather [hbm4b:s3+s24], $0x20, s23, s24, $0xb8;
	[tilespmem:$0xA200] =	vst v63  }
0x48: {  	_ =	swait.ge [sflag:s10], $0x640  }
0x49: {  	[sflag:s10] =	ssyncset.done $0x0  }
0x4a: {  	s21 =	rddreg [dreg:$0x8];
	[sflag:s10] =	ssyncadd.s32 $0xFFFFF9C0  }
0x4b: {  	[hbm4b:s21+s2] =	stream.linear.scatter [tilespmem:s26], [sflag:$0xD], $0x640, $0x38;
	[tilespmem:$0xA200] =	vst v63  }
0x4c: {  	_ =	swait.ge [sflag:s11], $0x640  }
0x4d: {  	[sflag:s11] =	ssyncset.done $0x0  }
0x4e: {  	s22 =	simm.s32 $0x1F8;
	[sflag:s11] =	ssyncadd.s32 $0xFFFFF9C0  }
0x4f: {  	[tilespmem:s28], [sflag:$0x2] =	stream.indirect.gather [hbm4b:s3+s24], $0x20, s22, s24, $0xb8;
	[tilespmem:$0xA200] =	vst v63  }
0x50: {  	_ =	swait.ge [sflag:s12], $0x640  }
0x51: {  	[sflag:s12] =	ssyncset.done $0x0  }
0x52: {  	s23 =	rddreg [dreg:$0x9];
	[sflag:s12] =	ssyncadd.s32 $0xFFFFF9C0  }
0x53: {  	[hbm4b:s23+s2] =	stream.linear.scatter [tilespmem:s0], [sflag:$0xE], $0x640, $0x38;
	[tilespmem:$0xA200] =	vst v63  }
0x54: {  	_ =	swait.ge [sflag:s13], $0x640  }
0x55: {  	[sflag:s13] =	ssyncset.done $0x0  }
0x56: {  	s21 =	simm.s32 $0x230;
	[sflag:s13] =	ssyncadd.s32 $0xFFFFF9C0  }
0x57: {  	[tilespmem:s30], [sflag:$0x3] =	stream.indirect.gather [hbm4b:s3+s24], $0x20, s21, s24, $0xb8;
	[tilespmem:$0xA200] =	vst v63  }
0x58: {  	_ =	swait.ge [sflag:s14], $0x640  }
0x59: {  	[sflag:s14] =	ssyncset.done $0x0  }
0x5a: {  	s22 =	rddreg [dreg:$0xa];
	[sflag:s14] =	ssyncadd.s32 $0xFFFFF9C0  }
0x5b: {  	[hbm4b:s22+s2] =	stream.linear.scatter [tilespmem:s5], [sflag:$0xF], $0x640, $0x38;
	[tilespmem:$0xA200] =	vst v63  }
0x5c: {  	_ =	swait.ge [sflag:s15], $0x640  }
0x5d: {  	[sflag:s15] =	ssyncset.done $0x0  }
0x5e: {  	s23 =	simm.s32 $0x268;
	[sflag:s15] =	ssyncadd.s32 $0xFFFFF9C0  }
0x5f: {  	[tilespmem:s1], [sflag:$0x4] =	stream.indirect.gather [hbm4b:s3+s24], $0x20, s23, s24, $0xb8;
	[tilespmem:$0xA200] =	vst v63  }
0x60: {  	_ =	swait.ge [sflag:s16], $0x640  }
0x61: {  	[sflag:s16] =	ssyncset.done $0x0  }
0x62: {  	s21 =	rddreg [dreg:$0xb];
	[sflag:s16] =	ssyncadd.s32 $0xFFFFF9C0  }
0x63: {  	[hbm4b:s21+s2] =	stream.linear.scatter [tilespmem:s7], [sflag:$0x10], $0x640, $0x38;
	[tilespmem:$0xA200] =	vst v63  }
0x64: {  	_ =	swait.ge [sflag:s17], $0x640  }
0x65: {  	[sflag:s17] =	ssyncset.done $0x0  }
0x66: {  	s22 =	simm.s32 $0x2A0;
	[sflag:s17] =	ssyncadd.s32 $0xFFFFF9C0  }
0x67: {  	[tilespmem:s26], [sflag:$0x5] =	stream.indirect.gather [hbm4b:s3+s24], $0x20, s22, s24, $0xb8;
	[tilespmem:$0xA200] =	vst v63  }
0x68: {  	_ =	swait.ge [sflag:s29], $0x640  }
0x69: {  	[sflag:s29] =	ssyncset.done $0x0  }
0x6a: {  	s22 =	rddreg [dreg:$0x15];
	[sflag:s29] =	ssyncadd.s32 $0xFFFFF9C0  }
0x6b: {  	[hbm4b:s22+s2] =	stream.linear.scatter [tilespmem:s25], [sflag:$0x9], $0x640, $0x38;
	[tilespmem:$0xA200] =	vst v63  }
0x6c: {  	_ =	swait.ge [sflag:s18], $0x640  }
0x6d: {  	[sflag:s18] =	ssyncset.done $0x0  }
0x6e: {  	s23 =	simm.s32 $0x2D8;
	[sflag:s18] =	ssyncadd.s32 $0xFFFFF9C0  }
0x6f: {  	[tilespmem:s0], [sflag:$0x6] =	stream.indirect.gather [hbm4b:s3+s24], $0x20, s23, s24, $0xb8;
	[tilespmem:$0xA200] =	vst v63  }
0x70: {  	_ =	swait.ge [sflag:s31], $0x640  }
0x71: {  	[sflag:s31] =	ssyncset.done $0x0  }
0x72: {  	s21 =	sadd.s32 $0xC8, s22;
	[sflag:s31] =	ssyncadd.s32 $0xFFFFF9C0  }
0x73: {  	[hbm4b:s21+s2] =	stream.linear.scatter [tilespmem:s28], [sflag:$0xA], $0x640, $0x38;
	[tilespmem:$0xA200] =	vst v63  }
0x74: {  	_ =	swait.ge [sflag:s19], $0x640  }
0x75: {  	[sflag:s19] =	ssyncset.done $0x0  }
0x76: {  	s23 =	simm.s32 $0x310;
	[sflag:s19] =	ssyncadd.s32 $0xFFFFF9C0  }
0x77: {  	[tilespmem:s5], [sflag:$0x7] =	stream.indirect.gather [hbm4b:s3+s24], $0x20, s23, s24, $0xb8;
	[tilespmem:$0xA200] =	vst v63  }
0x78: {  	_ =	swait.ge [sflag:s6], $0x640  }
0x79: {  	[sflag:s6] =	ssyncset.done $0x0  }
0x7a: {  	s21 =	sadd.s32 $0x190, s22;
	[sflag:s6] =	ssyncadd.s32 $0xFFFFF9C0  }
0x7b: {  	[hbm4b:s21+s2] =	stream.linear.scatter [tilespmem:s30], [sflag:$0xB], $0x640, $0x38;
	[tilespmem:$0xA200] =	vst v63  }
0x7c: {  	_ =	swait.ge [sflag:s20], $0x640  }
0x7d: {  	[sflag:s20] =	ssyncset.done $0x0  }
0x7e: {  	s23 =	simm.s32 $0x348;
	[sflag:s20] =	ssyncadd.s32 $0xFFFFF9C0  }
0x7f: {  	[tilespmem:s7], [sflag:$0x8] =	stream.indirect.gather [hbm4b:s3+s24], $0x20, s23, s24, $0xb8;
	[tilespmem:$0xA200] =	vst v63  }
0x80: {  	_ =	swait.ge [sflag:s8], $0x640  }
0x81: {  	[sflag:s8] =	ssyncset.done $0x0  }
0x82: {  	s21 =	sadd.s32 $0x258, s22;
	[sflag:s8] =	ssyncadd.s32 $0xFFFFF9C0  }
0x83: {  	[hbm4b:s21+s2] =	stream.linear.scatter [tilespmem:s1], [sflag:$0xC], $0x640, $0x38;
	[tilespmem:$0xA200] =	vst v63  }
0x84: {  	_ =	swait.ge [sflag:s9], $0x640  }
0x85: {  	[sflag:s9] =	ssyncset.done $0x0  }
0x86: {  	s23 =	simm.s32 $0x380;
	[sflag:s9] =	ssyncadd.s32 $0xFFFFF9C0  }
0x87: {  	[tilespmem:s25], [sflag:$0x1] =	stream.indirect.gather [hbm4b:s3+s24], $0x20, s23, s24, $0xb8;
	[tilespmem:$0xA200] =	vst v63  }
0x88: {  	_ =	swait.ge [sflag:s10], $0x640  }
0x89: {  	[sflag:s10] =	ssyncset.done $0x0  }
0x8a: {  	s21 =	sadd.s32 $0x320, s22;
	[sflag:s10] =	ssyncadd.s32 $0xFFFFF9C0  }
0x8b: {  	[hbm4b:s21+s2] =	stream.linear.scatter [tilespmem:s26], [sflag:$0xD], $0x640, $0x38;
	[tilespmem:$0xA200] =	vst v63  }
0x8c: {  	_ =	swait.ge [sflag:s11], $0x640  }
0x8d: {  	[sflag:s11] =	ssyncset.done $0x0  }
0x8e: {  	s23 =	simm.s32 $0x3B8;
	[sflag:s11] =	ssyncadd.s32 $0xFFFFF9C0  }
0x8f: {  	[tilespmem:s28], [sflag:$0x2] =	stream.indirect.gather [hbm4b:s3+s24], $0x20, s23, s24, $0xb8;
	[tilespmem:$0xA200] =	vst v63  }
0x90: {  	_ =	swait.ge [sflag:s12], $0x640  }
0x91: {  	[sflag:s12] =	ssyncset.done $0x0  }
0x92: {  	s21 =	sadd.s32 $0x3E8, s22;
	[sflag:s12] =	ssyncadd.s32 $0xFFFFF9C0  }
0x93: {  	[hbm4b:s21+s2] =	stream.linear.scatter [tilespmem:s0], [sflag:$0xE], $0x640, $0x38;
	[tilespmem:$0xA200] =	vst v63  }
0x94: {  	_ =	swait.ge [sflag:s13], $0x640  }
0x95: {  	[sflag:s13] =	ssyncset.done $0x0  }
0x96: {  	s23 =	simm.s32 $0x3F0;
	[sflag:s13] =	ssyncadd.s32 $0xFFFFF9C0  }
0x97: {  	[tilespmem:s30], [sflag:$0x3] =	stream.indirect.gather [hbm4b:s3+s24], $0x20, s23, s24, $0xb8;
	[tilespmem:$0xA200] =	vst v63  }
0x98: {  	_ =	swait.ge [sflag:s14], $0x640  }
0x99: {  	[sflag:s14] =	ssyncset.done $0x0  }
0x9a: {  	s21 =	sadd.s32 $0x4B0, s22;
	[sflag:s14] =	ssyncadd.s32 $0xFFFFF9C0  }
0x9b: {  	[hbm4b:s21+s2] =	stream.linear.scatter [tilespmem:s5], [sflag:$0xF], $0x640, $0x38;
	[tilespmem:$0xA200] =	vst v63  }
0x9c: {  	_ =	swait.ge [sflag:s15], $0x640  }
0x9d: {  	[sflag:s15] =	ssyncset.done $0x0  }
0x9e: {  	s23 =	simm.s32 $0x428;
	[sflag:s15] =	ssyncadd.s32 $0xFFFFF9C0  }
0x9f: {  	[tilespmem:s1], [sflag:$0x4] =	stream.indirect.gather [hbm4b:s3+s24], $0x20, s23, s24, $0xb8;
	[tilespmem:$0xA200] =	vst v63  }
0xa0: {  	_ =	swait.ge [sflag:s16], $0x640  }
0xa1: {  	s4 =	simm.s32 $0x700;
	[sflag:s16] =	ssyncset.done $0x0  }
0xa2: {  	s21 =	sadd.s32 $0x578, s22;
	s23 =	sadd.s32 $0x640, s22;
	[sflag:s16] =	ssyncadd.s32 $0xFFFFF9C0  }
.LBB2_2:
0xa3: {  	[hbm4b:s21+s2] =	stream.linear.scatter [tilespmem:s7], [sflag:$0x10], $0x640, $0x38;
	[tilespmem:$0xA200] =	vst v63  }
0xa4: {  	s21 =	smov.u32 s4  }
0xa5: {  	p0 =	sne.s32 s4, $0x1AB00;
	s4 =	sadd.s32 $0x700, s4;
	_ =	swait.ge [sflag:s17], $0x640  }
0xa6: {  	s21 =	sshra.s32 s21, $0x2;
	[sflag:s17] =	ssyncset.done $0x0  }
0xa7: {  	s22 =	sadd.s32 $0x2A0, s21;
	[sflag:s17] =	ssyncadd.s32 $0xFFFFF9C0  }
0xa8: {  	[tilespmem:s26], [sflag:$0x5] =	stream.indirect.gather [hbm4b:s3+s24], $0x20, s22, s24, $0xb8;
	[tilespmem:$0xA200] =	vst v63  }
0xa9: {  	_ =	swait.ge [sflag:s29], $0x640  }
0xaa: {  	[sflag:s29] =	ssyncset.done $0x0  }
0xab: {  	[sflag:s29] =	ssyncadd.s32 $0xFFFFF9C0  }
0xac: {  	[hbm4b:s23+s2] =	stream.linear.scatter [tilespmem:s25], [sflag:$0x9], $0x640, $0x38;
	[tilespmem:$0xA200] =	vst v63  }
0xad: {  	_ =	swait.ge [sflag:s18], $0x640  }
0xae: {  	[sflag:s18] =	ssyncset.done $0x0  }
0xaf: {  	s22 =	sadd.s32 $0x2D8, s21;
	[sflag:s18] =	ssyncadd.s32 $0xFFFFF9C0  }
0xb0: {  	[tilespmem:s0], [sflag:$0x6] =	stream.indirect.gather [hbm4b:s3+s24], $0x20, s22, s24, $0xb8;
	[tilespmem:$0xA200] =	vst v63  }
0xb1: {  	_ =	swait.ge [sflag:s31], $0x640  }
0xb2: {  	[sflag:s31] =	ssyncset.done $0x0  }
0xb3: {  	s22 =	sadd.s32 $0xC8, s23;
	[sflag:s31] =	ssyncadd.s32 $0xFFFFF9C0  }
0xb4: {  	[hbm4b:s22+s2] =	stream.linear.scatter [tilespmem:s28], [sflag:$0xA], $0x640, $0x38;
	[tilespmem:$0xA200] =	vst v63  }
0xb5: {  	_ =	swait.ge [sflag:s19], $0x640  }
0xb6: {  	[sflag:s19] =	ssyncset.done $0x0  }
0xb7: {  	s22 =	sadd.s32 $0x310, s21;
	[sflag:s19] =	ssyncadd.s32 $0xFFFFF9C0  }
0xb8: {  	[tilespmem:s5], [sflag:$0x7] =	stream.indirect.gather [hbm4b:s3+s24], $0x20, s22, s24, $0xb8;
	[tilespmem:$0xA200] =	vst v63  }
0xb9: {  	_ =	swait.ge [sflag:s6], $0x640  }
0xba: {  	[sflag:s6] =	ssyncset.done $0x0  }
0xbb: {  	s22 =	sadd.s32 $0x190, s23;
	[sflag:s6] =	ssyncadd.s32 $0xFFFFF9C0  }
0xbc: {  	[hbm4b:s22+s2] =	stream.linear.scatter [tilespmem:s30], [sflag:$0xB], $0x640, $0x38;
	[tilespmem:$0xA200] =	vst v63  }
0xbd: {  	_ =	swait.ge [sflag:s20], $0x640  }
0xbe: {  	[sflag:s20] =	ssyncset.done $0x0  }
0xbf: {  	s22 =	sadd.s32 $0x348, s21;
	[sflag:s20] =	ssyncadd.s32 $0xFFFFF9C0  }
0xc0: {  	[tilespmem:s7], [sflag:$0x8] =	stream.indirect.gather [hbm4b:s3+s24], $0x20, s22, s24, $0xb8;
	[tilespmem:$0xA200] =	vst v63  }
0xc1: {  	_ =	swait.ge [sflag:s8], $0x640  }
0xc2: {  	[sflag:s8] =	ssyncset.done $0x0  }
0xc3: {  	s22 =	sadd.s32 $0x258, s23;
	[sflag:s8] =	ssyncadd.s32 $0xFFFFF9C0  }
0xc4: {  	[hbm4b:s22+s2] =	stream.linear.scatter [tilespmem:s1], [sflag:$0xC], $0x640, $0x38;
	[tilespmem:$0xA200] =	vst v63  }
0xc5: {  	_ =	swait.ge [sflag:s9], $0x640  }
0xc6: {  	[sflag:s9] =	ssyncset.done $0x0  }
0xc7: {  	s22 =	sadd.s32 $0x380, s21;
	[sflag:s9] =	ssyncadd.s32 $0xFFFFF9C0  }
0xc8: {  	[tilespmem:s25], [sflag:$0x1] =	stream.indirect.gather [hbm4b:s3+s24], $0x20, s22, s24, $0xb8;
	[tilespmem:$0xA200] =	vst v63  }
0xc9: {  	_ =	swait.ge [sflag:s10], $0x640  }
0xca: {  	[sflag:s10] =	ssyncset.done $0x0  }
0xcb: {  	s22 =	sadd.s32 $0x320, s23;
	[sflag:s10] =	ssyncadd.s32 $0xFFFFF9C0  }
0xcc: {  	[hbm4b:s22+s2] =	stream.linear.scatter [tilespmem:s26], [sflag:$0xD], $0x640, $0x38;
	[tilespmem:$0xA200] =	vst v63  }
0xcd: {  	_ =	swait.ge [sflag:s11], $0x640  }
0xce: {  	[sflag:s11] =	ssyncset.done $0x0  }
0xcf: {  	s22 =	sadd.s32 $0x3B8, s21;
	[sflag:s11] =	ssyncadd.s32 $0xFFFFF9C0  }
0xd0: {  	[tilespmem:s28], [sflag:$0x2] =	stream.indirect.gather [hbm4b:s3+s24], $0x20, s22, s24, $0xb8;
	[tilespmem:$0xA200] =	vst v63  }
0xd1: {  	_ =	swait.ge [sflag:s12], $0x640  }
0xd2: {  	[sflag:s12] =	ssyncset.done $0x0  }
0xd3: {  	s22 =	sadd.s32 $0x3E8, s23;
	[sflag:s12] =	ssyncadd.s32 $0xFFFFF9C0  }
0xd4: {  	[hbm4b:s22+s2] =	stream.linear.scatter [tilespmem:s0], [sflag:$0xE], $0x640, $0x38;
	[tilespmem:$0xA200] =	vst v63  }
0xd5: {  	_ =	swait.ge [sflag:s13], $0x640  }
0xd6: {  	[sflag:s13] =	ssyncset.done $0x0  }
0xd7: {  	s22 =	sadd.s32 $0x3F0, s21;
	[sflag:s13] =	ssyncadd.s32 $0xFFFFF9C0  }
0xd8: {  	[tilespmem:s30], [sflag:$0x3] =	stream.indirect.gather [hbm4b:s3+s24], $0x20, s22, s24, $0xb8;
	[tilespmem:$0xA200] =	vst v63  }
0xd9: {  	_ =	swait.ge [sflag:s14], $0x640  }
0xda: {  	[sflag:s14] =	ssyncset.done $0x0  }
0xdb: {  	s22 =	sadd.s32 $0x4B0, s23;
	[sflag:s14] =	ssyncadd.s32 $0xFFFFF9C0  }
0xdc: {  	[hbm4b:s22+s2] =	stream.linear.scatter [tilespmem:s5], [sflag:$0xF], $0x640, $0x38;
	[tilespmem:$0xA200] =	vst v63  }
0xdd: {  	_ =	swait.ge [sflag:s15], $0x640  }
0xde: {  	[sflag:s15] =	ssyncset.done $0x0  }
.Ltmp0:
0xdf: {  	s21 =	sadd.s32 $0x428, s21;
	[sflag:s15] =	ssyncadd.s32 $0xFFFFF9C0;
	(pc) =	sbr.rel @p0 .LBB2_2-.Ltmp0, $4  }
0xe0: {  	[tilespmem:s1], [sflag:$0x4] =	stream.indirect.gather [hbm4b:s3+s24], $0x20, s21, s24, $0xb8;
	[tilespmem:$0xA200] =	vst v63  }
0xe1: {  	_ =	swait.ge [sflag:s16], $0x640  }
0xe2: {  	[sflag:s16] =	ssyncset.done $0x0  }
0xe3: {  	s21 =	sadd.s32 $0x578, s23;
	s23 =	sadd.s32 $0x640, s23;
	[sflag:s16] =	ssyncadd.s32 $0xFFFFF9C0  }
0xe4: {  	[hbm4b:s21+s2] =	stream.linear.scatter [tilespmem:s7], [sflag:$0x10], $0x640, $0x38;
	[tilespmem:$0xA200] =	vst v63  }
0xe5: {  	_ =	swait.ge [sflag:s17], $0x640  }
0xe6: {  	[sflag:s17] =	ssyncset.done $0x0  }
0xe7: {  	s4 =	simm.s32 $0x6F20;
	[sflag:s17] =	ssyncadd.s32 $0xFFFFF9C0  }
0xe8: {  	[tilespmem:s26], [sflag:$0x5] =	stream.indirect.gather [hbm4b:s3+s24], $0x20, s4, s24, $0xb8;
	[tilespmem:$0xA200] =	vst v63  }
0xe9: {  	_ =	swait.ge [sflag:s29], $0x640  }
0xea: {  	[sflag:s29] =	ssyncset.done $0x0  }
0xeb: {  	s23 =	rddreg [dreg:$0xc];
	[sflag:s29] =	ssyncadd.s32 $0xFFFFF9C0  }
0xec: {  	[hbm4b:s23+s2] =	stream.linear.scatter [tilespmem:s25], [sflag:$0x9], $0x640, $0x38;
	[tilespmem:$0xA200] =	vst v63  }
0xed: {  	_ =	swait.ge [sflag:s18], $0x640  }
0xee: {  	[sflag:s18] =	ssyncset.done $0x0  }
0xef: {  	s21 =	simm.s32 $0x6F58;
	[sflag:s18] =	ssyncadd.s32 $0xFFFFF9C0  }
0xf0: {  	[tilespmem:s0], [sflag:$0x6] =	stream.indirect.gather [hbm4b:s3+s24], $0x20, s21, s24, $0xb8;
	[tilespmem:$0xA200] =	vst v63  }
0xf1: {  	_ =	swait.ge [sflag:s31], $0x640  }
0xf2: {  	[sflag:s31] =	ssyncset.done $0x0  }
0xf3: {  	s22 =	rddreg [dreg:$0xd];
	[sflag:s31] =	ssyncadd.s32 $0xFFFFF9C0  }
0xf4: {  	[hbm4b:s22+s2] =	stream.linear.scatter [tilespmem:s28], [sflag:$0xA], $0x640, $0x38;
	[tilespmem:$0xA200] =	vst v63  }
0xf5: {  	_ =	swait.ge [sflag:s19], $0x640  }
0xf6: {  	[sflag:s19] =	ssyncset.done $0x0  }
0xf7: {  	s23 =	simm.s32 $0x6F90;
	[sflag:s19] =	ssyncadd.s32 $0xFFFFF9C0  }
0xf8: {  	[tilespmem:s5], [sflag:$0x7] =	stream.indirect.gather [hbm4b:s3+s24], $0x20, s23, s24, $0xb8;
	[tilespmem:$0xA200] =	vst v63  }
0xf9: {  	_ =	swait.ge [sflag:s6], $0x640  }
0xfa: {  	[sflag:s6] =	ssyncset.done $0x0  }
0xfb: {  	s21 =	rddreg [dreg:$0xe];
	[sflag:s6] =	ssyncadd.s32 $0xFFFFF9C0  }
0xfc: {  	[hbm4b:s21+s2] =	stream.linear.scatter [tilespmem:s30], [sflag:$0xB], $0x640, $0x38;
	[tilespmem:$0xA200] =	vst v63  }
0xfd: {  	_ =	swait.ge [sflag:s20], $0x640  }
0xfe: {  	[sflag:s20] =	ssyncset.done $0x0  }
0xff: {  	s22 =	simm.s32 $0x6FC8;
	[sflag:s20] =	ssyncadd.s32 $0xFFFFF9C0  }
0x100: {  	[tilespmem:s7], [sflag:$0x8] =	stream.indirect.gather [hbm4b:s3+s24], $0x20, s22, s24, $0xb8;
	[tilespmem:$0xA200] =	vst v63  }
0x101: {  	_ =	swait.ge [sflag:s8], $0x640  }
0x102: {  	[sflag:s8] =	ssyncset.done $0x0  }
0x103: {  	s23 =	rddreg [dreg:$0xf];
	[sflag:s8] =	ssyncadd.s32 $0xFFFFF9C0  }
0x104: {  	[hbm4b:s23+s2] =	stream.linear.scatter [tilespmem:s1], [sflag:$0xC], $0x640, $0x38;
	[tilespmem:$0xA200] =	vst v63  }
0x105: {  	_ =	swait.ge [sflag:s10], $0x640  }
0x106: {  	[sflag:s10] =	ssyncset.done $0x0  }
0x107: {  	s21 =	rddreg [dreg:$0x10];
	[sflag:s10] =	ssyncadd.s32 $0xFFFFF9C0  }
0x108: {  	[hbm4b:s21+s2] =	stream.linear.scatter [tilespmem:s26], [sflag:$0xD], $0x640, $0x38;
	[tilespmem:$0xA200] =	vst v63  }
0x109: {  	_ =	swait.ge [sflag:s12], $0x640  }
0x10a: {  	[sflag:s12] =	ssyncset.done $0x0  }
0x10b: {  	s22 =	rddreg [dreg:$0x11];
	[sflag:s12] =	ssyncadd.s32 $0xFFFFF9C0  }
0x10c: {  	[hbm4b:s22+s2] =	stream.linear.scatter [tilespmem:s0], [sflag:$0xE], $0x640, $0x38;
	[tilespmem:$0xA200] =	vst v63  }
0x10d: {  	_ =	swait.ge [sflag:s14], $0x640  }
0x10e: {  	[sflag:s14] =	ssyncset.done $0x0  }
0x10f: {  	s23 =	rddreg [dreg:$0x12];
	[sflag:s14] =	ssyncadd.s32 $0xFFFFF9C0  }
0x110: {  	[hbm4b:s23+s2] =	stream.linear.scatter [tilespmem:s5], [sflag:$0xF], $0x640, $0x38;
	[tilespmem:$0xA200] =	vst v63  }
0x111: {  	_ =	swait.ge [sflag:s16], $0x640  }
0x112: {  	[sflag:s16] =	ssyncset.done $0x0  }
0x113: {  	s21 =	rddreg [dreg:$0x13];
	[sflag:s16] =	ssyncadd.s32 $0xFFFFF9C0  }
0x114: {  	[hbm4b:s21+s2] =	stream.linear.scatter [tilespmem:s7], [sflag:$0x10], $0x640, $0x38;
	[tilespmem:$0xA200] =	vst v63  }
0x115: {  	_ =	swait.ge [sflag:s9], $0x640  }
0x116: {  	[sflag:s9] =	ssyncset.done $0x0  }
0x117: {  	[sflag:s9] =	ssyncadd.s32 $0xFFFFF9C0  }
0x118: {  	_ =	swait.ge [sflag:s11], $0x640  }
0x119: {  	[sflag:s11] =	ssyncset.done $0x0  }
0x11a: {  	[sflag:s11] =	ssyncadd.s32 $0xFFFFF9C0  }
0x11b: {  	_ =	swait.ge [sflag:s13], $0x640  }
0x11c: {  	[sflag:s13] =	ssyncset.done $0x0  }
0x11d: {  	[sflag:s13] =	ssyncadd.s32 $0xFFFFF9C0  }
0x11e: {  	_ =	swait.ge [sflag:s15], $0x640  }
0x11f: {  	[sflag:s15] =	ssyncset.done $0x0  }
0x120: {  	[sflag:s15] =	ssyncadd.s32 $0xFFFFF9C0  }
0x121: {  	_ =	swait.ge [sflag:s17], $0x640  }
0x122: {  	[sflag:s17] =	ssyncset.done $0x0  }
0x123: {  	[sflag:s17] =	ssyncadd.s32 $0xFFFFF9C0  }
0x124: {  	_ =	swait.ge [sflag:s18], $0x640  }
0x125: {  	[sflag:s18] =	ssyncset.done $0x0  }
0x126: {  	[sflag:s18] =	ssyncadd.s32 $0xFFFFF9C0  }
0x127: {  	_ =	swait.ge [sflag:s19], $0x640  }
0x128: {  	[sflag:s19] =	ssyncset.done $0x0  }
0x129: {  	[sflag:s19] =	ssyncadd.s32 $0xFFFFF9C0  }
0x12a: {  	_ =	swait.ge [sflag:s20], $0x640  }
0x12b: {  	s22 =	rddreg [dreg:$0x16]  }
0x12c: {  	s23 =	rddreg [dreg:$0x14];
	s21 =	sadd.s32 $0x1, s22  }
0x12d: {  	p0 =	sne.s32 s21, s23  }
.Ltmp1:
0x12e: {  	_ = 	snop;
	(pc) =	sbr.rel @p0 .LBB2_1-.Ltmp1, $3  }
0x12f: {  	_ =	sdelay $0x1  }
0x130: {  	[sflag:s20] =	ssyncset.done $0x0  }
0x131: {  	[sflag:s20] =	ssyncadd.s32 $0xFFFFF9C0  }
0x132: {  	_ =	sfence.sel $0x180000  }
0x133: {  	[bflag:$0x0] =	sbarrier.arrive $0xFFFF  }
0x134: {  	_ =	strace $0x90000047  }
0x135: {  	s0 =	stileid.u32;
	[bflag:$0x2] =	sbarrier.arrive $0xFFFF  }
0x136: {  	p0 =	sne.s32 s0, $0x0;
	s0 =	rddreg [dreg:$0x2]  }
0x137: {  	s0 =	sadd.s32 @!p0 $0x100000, s0  }
0x138: {  	[sflag:s0] =	ssyncadd.tile.s32 @!p0 $0x1;
	_ =	shalt  }
.Lfunc_end2:
_tile_overlayer_lowered:
.L_overlay_start_2:
0x139: {  	(tag) =	ssettag $0x2  }
0x13a: {  	s0 =	rddreg [dreg:$0x0];
	s2 =	stileid.u32  }
0x13b: {  	s1 =	rddreg [dreg:$0x1];
	p0 =	sne.s32 s2, $0x0  }
0x13c: {  	s3 =	rddreg [dreg:$0x2];
	[bflag:$0x3] =	sbarrier.arrive $0xFFFF;
	s2 =	simm.s32 @!p0 $0x1C11  }
0x13d: {  	[timem:s3], [sflag:s2] =	dma.local @!p0 [hbm:s0], s1  }
0x13e: {  	s0 =	simm.s32 @!p0 $0x11  }
0x13f: {  	_ =	swait.ge @!p0 [sflag:s0], s1  }
0x140: {  	s1 =	ssub.s32 @!p0 $0x0, s1;
	[sflag:s0] =	ssyncset.done @!p0 $0x0  }
0x141: {  	[sflag:s0] =	ssyncadd.s32 @!p0 s1  }
0x142: {  	[bflag:$0x3] =	sbarrier.arrive $0xFFFF  }
0x143: {  	_ =	shalt  }

// kernel: sparse-core-data-format-call.cloned.1.call-start
scs
called_computation_lowered:
.L_overlay_start_0:
0x0: {  	s2 =	sld [smem:$0x3FD9]  }
0x1: {  	s3 =	sld [smem:$0x3FFE];
	_ =	sdelay $0x1  }
0x2: {  	s1 =	srdreg.scid  }
0x3: {  	s0 =	sand.u32 $0x1, s1  }
0x4: {  	s18 =	sshll.u32 s0, $0xA;
	s2 =	sadd.s32 s3, s2  }
0x5: {  	s2 =	sadd.s32 s2, s18  }
0x6: {  	[smem:$0x3FC6] =	sst s2  }
0x7: {  	_ = 	snop  }
0x8: {  	s2 =	sld [smem:$0x3FD0];
	(tm) =	ssettm $0x1  }
0x9: {  	s19 =	sld [smem:$0x3FFB];
	_ =	sdelay $0x3  }
0xa: {  	_ =	strace s19  }
0xb: {  	s3 =	sld [smem:$0x3FFC];
	_ =	sdelay $0x3  }
0xc: {  	_ =	strace s3  }
0xd: {  	s3 =	sld [smem:$0x3FFD];
	_ =	sdelay $0x3  }
0xe: {  	_ =	strace s3  }
0xf: {  	_ =	strace $0x8FFFFFFF  }
0x10: {  	s20 =	sld [smem:$0x3FDB];
	_ =	sdelay $0x1  }
0x11: {  	s4 =	simm.s32 $_scs_section_size  }
0x12: {  	s5 =	simm.s32 $_size__tile_overlayer_lowered;
	s6 =	simm.s32 $_tile_overlayer_lowered  }
0x13: {  	s23 =	simm.s32 $0x1BFF;
	s22 =	sshll.u32 s6, $0x1;
	s3 =	sadd.s32 s4, s20  }
0x14: {  	s7 =	simm.s32 $0x0;
	s21 =	sshll.u32 s5, $0x1;
	s5 =	sadd.s32 s22, s3  }
0x15: {  	[timem:s7], [sflag:s23] =	dma.local [hbm:s5], s21  }
0x16: {  	_ =	swait.ge [sflag:s23], s21  }
0x17: {  	s4 =	ssub.s32 $0x0, s21;
	[sflag:s23] =	ssyncset.done $0x0  }
0x18: {  	[sflag:s23] =	ssyncadd.s32 s4;
	_ =	sdelay $0x1  }
0x19: {  	s24 =	simm.s32 $0x1B8B  }
0x1a: {  	_ =	swait.ge [sflag:s24], $0x1  }
0x1b: {  	[sflag:s24] =	ssyncset.done $0x0  }
0x1c: {  	s26 =	simm.s32 $0x1B8E;
	s25 =	sld [smem:$0x3FFE];
	[sflag:s24] =	ssyncadd.s32 $0xFFFFFFFF  }
0x1d: {  	s27 =	simm.s32 $execute0_lowered;
	[smem:$0x3FD2] =	sst s26  }
0x1e: {  	s5 =	sshll.u32 s27, $0x1;
	_ =	strace $0x80000049;
	[dreg:$0x1] =	wrdreg $0xFFFFFFFF  }
0x1f: {  	s28 =	simm.s32 $_size_execute0_lowered;
	s3 =	sadd.s32 s3, s5;
	[dreg:$0x0] =	wrdreg $0x0  }
0x20: {  	s5 =	sshll.u32 s28, $0x1;
	[dreg:$0x2] =	wrdreg s3  }
0x21: {  	[dreg:$0x3] =	wrdreg s5  }
0x22: {  	[dreg:$0x4] =	wrdreg $0xC0  }
0x23: {  	_ =	task [dreg:s7], $0x5FFFF  }
0x24: {  	[dreg:$0x1] =	wrdreg $0xFFFFFFFF  }
0x25: {  	[dreg:$0x0] =	wrdreg $0x60  }
0x26: {  	[dreg:$0x2] =	wrdreg s25  }
0x27: {  	[dreg:$0x3] =	wrdreg s2  }
0x28: {  	[dreg:$0x4] =	wrdreg $0x9  }
0x29: {  	_ =	task.clear_ibuf [dreg:s7], $0x5FFFF;
	_ =	strace $0x90000049  }
0x2a: {  	s29 =	simm.s32 $0x9;
	_ =	strace $0x8000004B  }
0x2b: {  	_ =	swait.ge [sflag:s29], $0x1  }
0x2c: {  	[sflag:s29] =	ssyncadd.s32 $0xFFFFFFFF  }
0x2d: {  	_ =	strace $0x9000004B  }
0x2e: {  	_ =	sfence  }
0x2f: {  	s30 =	sld [smem:$0x0];
	_ =	sdelay $0x2  }
0x30: {  	s31 =	sshll.u32 s1, $0xD;
	s1 =	sshrl.u32 s1, $0x2  }
0x31: {  	s3 =	sand.u32 $0x4000, s31;
	s1 =	sadd.s32 s1, s30  }
0x32: {  	s0 =	sor.u32 s3, s0;
	s1 =	sshll.u32 s1, $0x11  }
0x33: {  	s0 =	sor.u32 s1, s0  }
0x34: {  	s0 =	sadd.s32 $0x8F2B, s0  }
0x35: {  	[sflag:s0] =	ssyncadd.remote.s32 $0x1  }
0x36: {  	_ =	sfence.sel $0xFFFF  }
0x37: {  	[dreg:$0x0] =	wrdreg $0xFFFFFFFF;
	(pc) =	sbr.abs _section_cstart, $3  }
0x38: {  	[dreg:$0x1] =	wrdreg $0xFFFFFFFF  }
0x39: {  	_ =	task.clear_ibuf [dreg:s7], $0x2FFFF;
	_ =	strace $0x9FFFFFFF  }
0x3a: {  	(tm) =	ssettm $0x7FFFFFFF  }
0x3b: {  	_ =	shalt  }
tec
execute0_lowered:
.L_overlay_start_1:
0x0: {  	(tag) =	ssettag $0x1  }
0x1: {  	s0 =	srdreg.scid  }
0x2: {  	s1 =	sshll.u32 s0, $0x4  }
0x3: {  	s0 =	stileid.u32;
	s1 =	sand.u32 $0x10, s1  }
0x4: {  	s1 =	sor.u32 s0, s1  }
0x5: {  	s6 =	rddreg [dreg:$0x0];
	s4 =	simm.s32 $0x1;
	s2 =	sshll.u32 s1, $0x7  }
0x6: {  	s7 =	simm.s32 $0x2;
	s12 =	simm.s32 $0x0;
	s1 =	ssub.s32 $0x4000, s2  }
0x7: {  	s8 =	simm.s32 $0x20000;
	s13 =	simm.s32 $0x0;
	s3 =	sand.u32 $0xF80, s1  }
0x8: {  	s9 =	simm.s32 $0x0;
	s5 =	sshrl.u32 s1, $0xC;
	p0 =	sne.s32 s3, $0x0  }
.Ltmp0:
0x9: {  	s1 =	rddreg [dreg:$0x2];
	s4 =	simm.s32 @!p0 $0x0;
	(pc) =	sbr.rel .LBB1_1-.Ltmp0, $4  }
0xa: {  	s11 =	simm.s32 $0x0;
	s3 =	rddreg [dreg:$0x1];
	s5 =	sadd.s32 s4, s5  }
0xb: {  	_ =	strace $0x8000004A;
	s4 =	simm.s32 $0x1;
	s5 =	smul.u32 $0x32, s5  }
0xc: {  	s6 =	sadd.s32 $0xA00, s6;
	s10 =	smov.u32 s2;
	[sflag:s4] =	ssyncpa.u1 $0x0  }
0xd: {  	p0 =	por $0x0, $0x0;
	[sflag:s7] =	ssyncpa.u1 $0x0;
	s7 =	sor.u32 $0x1, s5  }
.LBB1_4:
0xe: {  	s16 =	sshll.u32 s13, $0x3;
	s17 =	sand.u32 $0x78, s13  }
0xf: {  	s30 =	sand.u32 $0xF800, s13;
	s12 =	sshll.u32 s12, $0x10;
	s16 =	sand.u32 $0x3C00, s16  }
0x10: {  	s31 =	sand.u32 $0x7, s13;
	s16 =	sor.u32 s17, s16;
	s17 =	sadd.s32 s3, s30  }
0x11: {  	s13 =	sshll.u32 s31, $0x12;
	s16 =	sshrl.u32 s16, $0x3;
	s12 =	sadd.s32 s12, s17  }
0x12: {  	[tilespmem:s15+$0x0 ss:$0x81] =	vst.msk $0xffff, v0;
	s13 =	sor.u32 $0x400, s13;
	s12 =	sadd.s32 s16, s12  }
0x13: {  	[hbm4b:s12+s13] =	stream.strided.scatter [tilespmem:s14], [sflag:$0x2], $0x1000, s8, s13, $0x20;
	[tilespmem:$0x4040] =	vst v63  }
.LBB1_5:
0x14: {  	s14 =	sadd.s32 $0x1, s9  }
0x15: {  	s12 =	sadd.s32 $0x1000, s10;
	s16 =	smov.u32 s10;
	p2 =	sgt.s32 s14, $0x31  }
0x16: {  	s16 =	smov.u32 @p2 s12  }
0x17: {  	s14 =	simm.s32 @p2 $0x0;
	p2 =	sgt.s32 s16, $0x3FFF  }
0x18: {  	s16 =	smov.u32 @p2 s2;
	p2 =	sne.s32 s11, s7  }
.Ltmp1:
0x19: {  	p1 =	slt.u32 s11, $0x2;
	(pc) =	sbr.rel @!p2 .LBB1_6-.Ltmp1, $4  }
0x1a: {  	s15 =	simm.s32 @!p1 $0x2  }
0x1b: {  	s13 =	smov.u32 s10;
	p0 =	por !p0, !p0;
	_ =	swait.ge @!p1 [sflag:s15], $0x1000  }
0x1c: {  	s12 =	smov.u32 s9;
	[sflag:s15] =	ssyncset.done @!p1 $0x0;
	s9 =	smov.u32 s14  }
0x1d: {  	s11 =	sadd.s32 $0x1, s11;
	[sflag:s15] =	ssyncadd.s32 @!p1 $0xFFFFF000;
	s10 =	smov.u32 s16  }
.LBB1_1:
0x1e: {  	p1 =	sge.u32 s11, s5  }
0x1f: {  	s14 =	sand.u32 @!p1 $0x1FFFFFF, s9  }
0x20: {  	s15 =	smulhi.u32 @!p1 $0x4924925, s14;
	_ =	sdelay $0x1  }
0x21: {  	s15 =	smul.u32 @!p1 $0x38, s15  }
0x22: {  	s16 =	sxor.u32 @!p1 $0xFFFFFFFF, s11;
	s17 =	smul.u32 @!p1 $0x380, s10  }
0x23: {  	s31 =	sadd.s32 $0xFFFFFFFF, s11;
	s16 =	sshll.u32 @!p1 s16, $0xC;
	s14 =	ssub.s32 @!p1 s14, s15  }
0x24: {  	s15 =	sand.u32 @!p1 $0x1000, s16;
	s16 =	sadd.s32 @!p1 s6, s17;
	s14 =	sshll.u32 @!p1 s14, $0x4  }
0x25: {  	s17 =	simm.s32 @!p1 $0x1C00;
	s14 =	sadd.s32 @!p1 s14, s16;
	s16 =	simm.s32 @!p1 $0x20  }
0x26: {  	[tilespmem:s15], [sflag:$0x1] =	stream.strided.gather @!p1 [hbm4b:s14+s16], $0x1000, s17, s16, $0x38;
	[tilespmem:$0x4040] =	vst v63  }
0x27: {  	p1 =	sge.u32 s31, s5  }
.Ltmp2:
0x28: {  	_ = 	snop;
	(pc) =	sbr.rel @p1 .LBB1_5-.Ltmp2, $1  }
0x29: {  	_ =	sdelay $0x3  }
0x2a: {  	s14 =	simm.s32 $0x1  }
0x2b: {  	_ =	swait.ge [sflag:s4], $0x1000;
	s14 =	simm.s32 @!p0 $0x0  }
0x2c: {  	[sflag:s4] =	ssyncset.done $0x0;
	s15 =	sshll.u32 s14, $0xC  }
0x2d: {  	[sflag:s4] =	ssyncadd.s32 $0xFFFFF000;
	s18 =	sor.u32 $0x10, s15  }
0x2e: {  	s14 =	smul.u32 $0x4080, s14;
	v1 =	vld [tilespmem:s18+$0x0]  }
0x2f: {  	s30 =	sand.u32 $0x1, s11;
	v0 =	vld [tilespmem:s18+$0xFFFFFFF0]  }
0x30: {  	s15 =	smul.u32 $0x4080, s30;
	s14 =	sshrl.u32 s14, $0x2  }
0x31: {  	s16 =	sor.u32 $0x2000, s14  }
0x32: {  	s31 =	sshrl.u32 s15, $0x2;
	s15 =	sadd.s32 $0x0, s16  }
0x33: {  	s17 =	simm.s32 $0x4;
	s18 =	sadd.s32 $0x20, s18;
	s14 =	sor.u32 $0x2000, s31;
	[tilespmem:s15+$0x810 ss:$0x81] =	vst.msk $0xffff, v1  }
.LBB1_3:
0x34: {  	v1 =	vld [tilespmem:s18+$0x0];
	p1 =	sne.s32 s17, $0x1FC;
	[tilespmem:s15+$0x0 ss:$0x81] =	vst.msk $0xffff, v0;
	s15 =	smov.u32 s17;
	s17 =	sadd.s32 $0x4, s17  }
.Ltmp3:
0x35: {  	v0 =	vld [tilespmem:s18+$0xFFFFFFF0];
	(pc) =	sbr.rel @p1 .LBB1_3-.Ltmp3, $4  }
0x36: {  	_ = 	snop  }
0x37: {  	s15 =	sshra.s32 s15, $0x2  }
0x38: {  	s15 =	sadd.s32 s15, s16  }
0x39: {  	s18 =	sadd.s32 $0x20, s18;
	[tilespmem:s15+$0x810 ss:$0x81] =	vst.msk $0xffff, v1  }
.Ltmp4:
0x3a: {  	_ = 	snop;
	(pc) =	sbr.rel .LBB1_4-.Ltmp4, $1  }
0x3b: {  	_ =	sdelay $0x3  }
.LBB1_6:
0x3c: {  	_ =	sfence.sel $0x180000  }
0x3d: {  	s2 =	simm.s32 $0x1;
	[bflag:$0x0] =	sbarrier.arrive $0xFFFF  }
0x3e: {  	s31 =	simm.s32 $0x2;
	[sflag:s2] =	ssyncpa.u1 $0x1  }
0x3f: {  	[sflag:s31] =	ssyncpa.u1 $0x1  }
0x40: {  	p0 =	sne.s32 s0, $0x0;
	_ =	strace $0x9000004A  }
0x41: {  	s0 =	sadd.s32 @!p0 $0x100000, s1;
	[bflag:$0x2] =	sbarrier.arrive $0xFFFF  }
0x42: {  	[sflag:s0] =	ssyncadd.tile.s32 @!p0 $0x1;
	_ =	shalt  }
.Lfunc_end1:
_tile_overlayer_lowered:
.L_overlay_start_2:
0x43: {  	(tag) =	ssettag $0x2  }
0x44: {  	s0 =	rddreg [dreg:$0x0];
	s2 =	stileid.u32  }
0x45: {  	s1 =	rddreg [dreg:$0x1];
	p0 =	sne.s32 s2, $0x0  }
0x46: {  	s3 =	rddreg [dreg:$0x2];
	[bflag:$0x3] =	sbarrier.arrive $0xFFFF;
	s2 =	simm.s32 @!p0 $0x1C01  }
0x47: {  	[timem:s3], [sflag:s2] =	dma.local @!p0 [hbm:s0], s1  }
0x48: {  	s0 =	simm.s32 @!p0 $0x1  }
0x49: {  	_ =	swait.ge @!p0 [sflag:s0], s1  }
0x4a: {  	s1 =	ssub.s32 @!p0 $0x0, s1;
	[sflag:s0] =	ssyncset.done @!p0 $0x0  }
0x4b: {  	[sflag:s0] =	ssyncadd.s32 @!p0 s1  }
0x4c: {  	[bflag:$0x3] =	sbarrier.arrive $0xFFFF  }
0x4d: {  	_ =	shalt  }

</sc_bundles>
